<compile_context>
chip_gen: v7x
topology: tpu7x:2x2x1
jax: 0.10.2.dev20260603
libtpu: 0.0.44.dev20260713+nightly
codegen_flags: <defaults>
</compile_context>

<pallas_src>
import functools

import jax
import jax.numpy as jnp
from jax import lax
from jax.experimental import pallas as pl
from jax.experimental.pallas import tpu as pltpu
from jax.experimental.pallas import tpu_sc as plsc

N = 10000
E = 320000
D = 128

NC = 2
NS = 16
CHUNK = 128
CHUNKS_PER_TILE = 80
E_PAD = NC * NS * CHUNKS_PER_TILE * CHUNK
N_PAD = 10240
ROWS_PER_TILE = N_PAD // NS



TOTAL_CHUNKS = E_PAD // CHUNK
CPT = CHUNKS_PER_TILE


@functools.lru_cache(maxsize=None)
def _make_sc_agg():
    mesh = plsc.VectorSubcoreMesh(core_axis_name="c", subcore_axis_name="s")

    @functools.partial(
        pl.kernel,
        out_type=jax.ShapeDtypeStruct((NC, N_PAD, D), jnp.float32),
        mesh=mesh,
        scratch_types=[
            pltpu.VMEM((CHUNK,), jnp.int32),
            pltpu.VMEM((CHUNK,), jnp.int32),
            pltpu.VMEM((CHUNK,), jnp.int32),
            pltpu.VMEM((CHUNK,), jnp.int32),
            pltpu.VMEM((CHUNK, D), jnp.float32),
            pltpu.VMEM((CHUNK, D), jnp.float32),
            pltpu.VMEM((64, D), jnp.float32),
            pltpu.VMEM_SHARED((N_PAD, D), jnp.float32),
            pltpu.SemaphoreType.DMA,
            pltpu.SemaphoreType.DMA,
            pltpu.SemaphoreType.DMA,
            pltpu.SemaphoreType.DMA,
        ],
    )
    def sc_agg(h_hbm, src_hbm, dst_hbm, out_hbm, src_v0, src_v1, dst_v0,
               dst_v1, rows_v0, rows_v1, zero_v, acc_sh, sem_g0, sem_g1,
               sem_i0, sem_i1):
        cid = lax.axis_index("c")
        sid = lax.axis_index("s")
        base_chunk = (cid * NS + sid) * CPT

        @pl.loop(0, 64)
        def _(i):
            @pl.loop(0, D // 16)
            def _(j):
                zero_v[i, pl.ds(j * 16, 16)] = jnp.zeros((16,), jnp.float32)

        row0 = sid * ROWS_PER_TILE

        @pl.loop(0, ROWS_PER_TILE // 64)
        def _(i):
            pltpu.sync_copy(zero_v, acc_sh.at[pl.ds(row0 + i * 64, 64)])

        plsc.subcore_barrier()

        def idx(c, src_b, dst_b, sem):
            off = (base_chunk + c) * CHUNK
            return (pltpu.make_async_copy(src_hbm.at[pl.ds(off, CHUNK)],
                                          src_b, sem),
                    pltpu.make_async_copy(dst_hbm.at[pl.ds(off, CHUNK)],
                                          dst_b, sem))

        def gather(src_b, rows, sem):
            return pltpu.make_async_copy(h_hbm.at[src_b], rows, sem)

        a, b = idx(0, src_v0, dst_v0, sem_i0)
        a.start(); b.start(); a.wait(); b.wait()
        gather(src_v0, rows_v0, sem_g0).start()
        a, b = idx(1, src_v1, dst_v1, sem_i1)
        a.start(); b.start()

        @pl.loop(0, CPT // 2)
        def _(j):
            c0 = 2 * j
            c2 = jnp.minimum(c0 + 2, CPT - 1)
            c3 = jnp.minimum(c0 + 3, CPT - 1)
            a1, b1 = idx(c0 + 1, src_v1, dst_v1, sem_i1)
            a1.wait(); b1.wait()
            gather(src_v0, rows_v0, sem_g0).wait()
            gather(src_v1, rows_v1, sem_g1).start()
            pltpu.sync_copy(rows_v0, acc_sh.at[dst_v0], add=True)
            a2, b2 = idx(c2, src_v0, dst_v0, sem_i0)
            a2.start(); b2.start()
            gather(src_v1, rows_v1, sem_g1).wait()
            a2.wait(); b2.wait()
            gather(src_v0, rows_v0, sem_g0).start()
            pltpu.sync_copy(rows_v1, acc_sh.at[dst_v1], add=True)
            a3, b3 = idx(c3, src_v1, dst_v1, sem_i1)
            a3.start(); b3.start()

        gather(src_v0, rows_v0, sem_g0).wait()
        a, b = idx(CPT - 1, src_v1, dst_v1, sem_i1)
        a.wait(); b.wait()

        plsc.subcore_barrier()
        pltpu.sync_copy(acc_sh.at[pl.ds(row0, ROWS_PER_TILE)],
                        out_hbm.at[cid].at[pl.ds(row0, ROWS_PER_TILE)])

    return sc_agg


@functools.lru_cache(maxsize=None)
def _make_sc_count():
    mesh = plsc.VectorSubcoreMesh(core_axis_name="c", subcore_axis_name="s")

    @functools.partial(
        pl.kernel,
        out_type=jax.ShapeDtypeStruct((NC, N_PAD, D), jnp.float32),
        mesh=mesh,
        scratch_types=[
            pltpu.VMEM((CHUNK,), jnp.int32),
            pltpu.VMEM((CHUNK, D), jnp.float32),
            pltpu.VMEM((64, D), jnp.float32),
            pltpu.VMEM_SHARED((N_PAD, D), jnp.float32),
        ],
    )
    def sc_count(dst_hbm, out_hbm, dst_v, ones_v, zero_v, acc_sh):
        cid = lax.axis_index("c")
        sid = lax.axis_index("s")
        base_chunk = (cid * NS + sid) * CPT

        @pl.loop(0, CHUNK)
        def _(i):
            @pl.loop(0, D // 16)
            def _(j):
                ones_v[i, pl.ds(j * 16, 16)] = jnp.ones((16,), jnp.float32)

        @pl.loop(0, 64)
        def _(i):
            @pl.loop(0, D // 16)
            def _(j):
                zero_v[i, pl.ds(j * 16, 16)] = jnp.zeros((16,), jnp.float32)

        row0 = sid * ROWS_PER_TILE

        @pl.loop(0, ROWS_PER_TILE // 64)
        def _(i):
            pltpu.sync_copy(zero_v, acc_sh.at[pl.ds(row0 + i * 64, 64)])

        plsc.subcore_barrier()

        @pl.loop(0, CPT)
        def _(i):
            off = (base_chunk + i) * CHUNK
            pltpu.sync_copy(dst_hbm.at[pl.ds(off, CHUNK)], dst_v)
            pltpu.sync_copy(ones_v, acc_sh.at[dst_v], add=True)

        plsc.subcore_barrier()
        pltpu.sync_copy(acc_sh.at[pl.ds(row0, ROWS_PER_TILE)],
                        out_hbm.at[cid].at[pl.ds(row0, ROWS_PER_TILE)])

    return sc_count



_TC_PARAMS = pltpu.CompilerParams(vmem_limit_bytes=63 * 1024 * 1024)


def _dot(a, b):
    return jax.lax.dot_general(a, b, (((1,), (0,)), ((), ())),
                               preferred_element_type=jnp.float32)


def _inv_body(cnt_ref, inv_ref):
    c = cnt_ref[0, :N, 0:1] + cnt_ref[1, :N, 0:1]
    inv_ref[...] = 1.0 / jnp.maximum(c, 1.0)


_inv_call = pl.pallas_call(
    _inv_body, out_shape=jax.ShapeDtypeStruct((N, 1), jnp.float32),
    compiler_params=_TC_PARAMS)


def _enc_body(x_ref, w_ref, b_ref, out_ref):
    out_ref[...] = jnp.maximum(_dot(x_ref[...], w_ref[...]) + b_ref[...], 0.0)


_enc_call = pl.pallas_call(
    _enc_body, out_shape=jax.ShapeDtypeStruct((N, D), jnp.float32),
    compiler_params=_TC_PARAMS)


def _combine_body(agg_ref, inv_ref, h_ref, wl_ref, bl_ref, wr_ref, g_ref,
                  be_ref, out_ref):
    agg = (agg_ref[0, :N, :] + agg_ref[1, :N, :]) * inv_ref[...]
    h = h_ref[...]
    out = _dot(agg, wl_ref[...]) + bl_ref[...] + _dot(h, wr_ref[...])
    nrm = jnp.maximum(jnp.sqrt(jnp.sum(out * out, axis=1, keepdims=True)),
                      1e-12)
    out = out / nrm
    mean = jnp.mean(out, axis=0, keepdims=True)
    var = jnp.mean((out - mean) ** 2, axis=0, keepdims=True)
    out = (out - mean) / jnp.sqrt(var + 1e-5) * g_ref[...] + be_ref[...]
    out_ref[...] = jnp.maximum(out, 0.0)


_combine_call = pl.pallas_call(
    _combine_body, out_shape=jax.ShapeDtypeStruct((N, D), jnp.float32),
    compiler_params=_TC_PARAMS)


def _heads_body(h_ref, wo1_ref, bo1_ref, wo2_ref, bo2_ref, wc1_ref, bc1_ref,
                wc2_ref, bc2_ref, wb1_ref, bb1_ref, wb2_ref, bb2_ref,
                order_ref, cost_ref, bull_ref):
    h = h_ref[...]
    order_ref[...] = _dot(jnp.maximum(_dot(h, wo1_ref[...]) + bo1_ref[...],
                                      0.0), wo2_ref[...]) + bo2_ref[...]
    cost_ref[...] = _dot(jnp.maximum(_dot(h, wc1_ref[...]) + bc1_ref[...],
                                     0.0), wc2_ref[...]) + bc2_ref[...]
    bull_ref[...] = _dot(jnp.maximum(_dot(h, wb1_ref[...]) + bb1_ref[...],
                                     0.0), wb2_ref[...]) + bb2_ref[...]


_heads_call = pl.pallas_call(
    _heads_body,
    out_shape=(jax.ShapeDtypeStruct((N, 1), jnp.float32),
               jax.ShapeDtypeStruct((N, 1), jnp.float32),
               jax.ShapeDtypeStruct((N, 1), jnp.float32)),
    compiler_params=_TC_PARAMS)



def kernel(x, edge_index, params):
    p = params
    pad = E_PAD - E
    src_p = jnp.concatenate(
        [edge_index[0], jnp.zeros((pad,), jnp.int32)])
    dst_p = jnp.concatenate(
        [edge_index[1], jnp.full((pad,), N_PAD - 1, jnp.int32)])

    cnt_parts = _make_sc_count()(dst_p)
    inv = _inv_call(cnt_parts)
    h = _enc_call(x, p['W_enc'], p['b_enc'])
    for l in range(3):
        agg_parts = _make_sc_agg()(h, src_p, dst_p)
        h = _combine_call(agg_parts, inv, h, p['W_l%d' % l], p['b_l%d' % l],
                          p['W_r%d' % l], p['bn_g%d' % l], p['bn_b%d' % l])
    order, cost, bull = _heads_call(
        h, p['W_o1'], p['b_o1'], p['W_o2'], p['b_o2'],
        p['W_c1'], p['b_c1'], p['W_c2'], p['b_c2'],
        p['W_b1'], p['b_b1'], p['W_b2'], p['b_b2'])
    return order, cost, bull, h

# --- scband reference (transcript-rebuilt; emitter-appended) ---
"""Pipeline reference for scband-graph-sagesupply-chain-88373247083005 (READ-ONLY COPY).

The authoritative reference and input builder live on the scoring server;
editing this copy changes nothing except your own understanding.
"""

import jax, jax.numpy as jnp
import numpy as np

N_NODES = 10000
N_EDGES = 320000
D_FEAT = 128
HIDDEN = 128
NUM_LAYERS = 3


def _linear_params(key, fan_in, fan_out, bias=True):
    k1, k2 = jax.random.split(key)
    W = jax.random.uniform(k1, (fan_in, fan_out), minval=-1.0, maxval=1.0, dtype=jnp.float32) / np.sqrt(fan_in)
    if bias:
        b = jax.random.uniform(k2, (fan_out,), minval=-1.0, maxval=1.0, dtype=jnp.float32) / np.sqrt(fan_in)
        return W, b
    return W


def setup_inputs(seed: int = 0) -> dict:
    key = jax.random.key(seed)
    keys = jax.random.split(key, 32)
    x = jax.random.normal(keys[0], (N_NODES, D_FEAT), dtype=jnp.float32)
    edge_index = jax.random.randint(keys[1], (2, N_EDGES), 0, N_NODES, dtype=jnp.int32)
    p = {}
    p['W_enc'], p['b_enc'] = _linear_params(keys[2], D_FEAT, HIDDEN)
    for l in range(NUM_LAYERS):
        p['W_l%d' % l], p['b_l%d' % l] = _linear_params(keys[3 + l], HIDDEN, HIDDEN)
        p['W_r%d' % l] = _linear_params(keys[6 + l], HIDDEN, HIDDEN, bias=False)
        p['bn_g%d' % l] = jnp.ones((HIDDEN,), dtype=jnp.float32)
        p['bn_b%d' % l] = jnp.zeros((HIDDEN,), dtype=jnp.float32)
    p['W_o1'], p['b_o1'] = _linear_params(keys[9], HIDDEN, HIDDEN)
    p['W_o2'], p['b_o2'] = _linear_params(keys[10], HIDDEN, 1)
    p['W_c1'], p['b_c1'] = _linear_params(keys[11], HIDDEN, HIDDEN // 2)
    p['W_c2'], p['b_c2'] = _linear_params(keys[12], HIDDEN // 2, 1)
    p['W_b1'], p['b_b1'] = _linear_params(keys[13], HIDDEN, HIDDEN // 2)
    p['W_b2'], p['b_b2'] = _linear_params(keys[14], HIDDEN // 2, 1)
    return {'x': x, 'edge_index': edge_index, 'params': p}


def _sage_conv(h, src, dst, W_l, b_l, W_r):
    # PyG SAGEConv(aggr='mean', normalize=True): lin_l(mean_{j in N(i)} h_j) + lin_r(h_i), then L2-normalize
    msg = jnp.take(h, src, axis=0)
    agg = jax.ops.segment_sum(msg, dst, num_segments=N_NODES)
    cnt = jax.ops.segment_sum(jnp.ones((src.shape[0], 1), dtype=h.dtype), dst, num_segments=N_NODES)
    agg = agg / jnp.maximum(cnt, 1.0)
    out = agg @ W_l + b_l + h @ W_r
    norm = jnp.maximum(jnp.linalg.norm(out, axis=-1, keepdims=True), 1e-12)
    return out / norm


def _batch_norm(h, gamma, beta, eps=1e-5):
    mean = jnp.mean(h, axis=0, keepdims=True)
    var = jnp.var(h, axis=0, keepdims=True)
    return (h - mean) / jnp.sqrt(var + eps) * gamma + beta


def _forward(x, edge_index, p):
    src = edge_index[0]
    dst = edge_index[1]
    h = jax.nn.relu(x @ p['W_enc'] + p['b_enc'])
    for l in range(NUM_LAYERS):
        h = _sage_conv(h, src, dst, p['W_l%d' % l], p['b_l%d' % l], p['W_r%d' % l])
        h = _batch_norm(h, p['bn_g%d' % l], p['bn_b%d' % l])
        h = jax.nn.relu(h)
    order = jax.nn.relu(h @ p['W_o1'] + p['b_o1']) @ p['W_o2'] + p['b_o2']
    cost = jax.nn.relu(h @ p['W_c1'] + p['b_c1']) @ p['W_c2'] + p['b_c2']
    bull = jax.nn.relu(h @ p['W_b1'] + p['b_b1']) @ p['W_b2'] + p['b_b2']
    return order, cost, bull, h


def reference(x, edge_index, params):
    return _forward(x, edge_index, params)

if __name__ == "__main__":
    import jax
    _d = setup_inputs()
    print(jax.jit(kernel)(*tuple(_d.values())))

</pallas_src>

<mosaic_0001>
#map = affine_map<(d0, d1) -> (0, 0)>
#map1 = affine_map<(d0, d1) -> (0)>
#map2 = affine_map<(d0, d1) -> (0, 0, 0)>
module attributes {stable_mosaic.version = 14 : i64} {
  func.func @sc_agg(%arg0: i32, %arg1: i32, %arg2: memref<10000x128xf32, #tpu.memory_space<hbm>>, %arg3: memref<327680xi32, #tpu.memory_space<hbm>>, %arg4: memref<327680xi32, #tpu.memory_space<hbm>>, %arg5: memref<2x10240x128xf32, #tpu.memory_space<hbm>>, %arg6: memref<128xi32, #tpu.memory_space<vmem>>, %arg7: memref<128xi32, #tpu.memory_space<vmem>>, %arg8: memref<128xi32, #tpu.memory_space<vmem>>, %arg9: memref<128xi32, #tpu.memory_space<vmem>>, %arg10: memref<128x128xf32, #tpu.memory_space<vmem>>, %arg11: memref<128x128xf32, #tpu.memory_space<vmem>>, %arg12: memref<64x128xf32, #tpu.memory_space<vmem>>, %arg13: memref<10240x128xf32, #tpu.memory_space<vmem_shared>>, %arg14: memref<!tpu.dma_semaphore, #tpu.memory_space<semaphore_mem>>, %arg15: memref<!tpu.dma_semaphore, #tpu.memory_space<semaphore_mem>>, %arg16: memref<!tpu.dma_semaphore, #tpu.memory_space<semaphore_mem>>, %arg17: memref<!tpu.dma_semaphore, #tpu.memory_space<semaphore_mem>>) attributes {dimension_semantics = [#tpu.dimension_semantics<core_parallel>, #tpu.dimension_semantics<subcore_parallel>], iteration_bounds = array<i64: 2, 16>, scalar_prefetch = 0 : i64, scratch_operands = 12 : i64, tpu.core_type = #tpu.core_type<sc_vector_subcore>, window_params = [{transform_indices = #map}, {transform_indices = #map1}, {transform_indices = #map1}, {transform_indices = #map2}]} {
    %mul3A = arith.constant 16 : i32
    %mul3A_0 = arith.muli %arg0, %mul3A : i32
    %add3A = arith.addi %mul3A_0, %arg1 : i32
    %mul3A_1 = arith.constant 80 : i32
    %mul3A_2 = arith.muli %add3A, %mul3A_1 : i32
    %scan3A = arith.constant 0 : i32
    %scan3A_3 = arith.constant 64 : i32
    %scan3A_4 = arith.addi %scan3A, %scan3A_3 : i32
    %scan3A_5 = arith.constant 1 : i32
    scf.for %scan3A_52 = %scan3A to %scan3A_4 step %scan3A_5  : i32 {
      %mul3A_53 = arith.constant 1 : i32
      %mul3A_54 = arith.muli %scan3A_52, %mul3A_53 : i32
      %add3A_55 = arith.constant 0 : i32
      %add3A_56 = arith.addi %add3A_55, %mul3A_54 : i32
      %scan3A_57 = arith.constant 0 : i32
      %scan3A_58 = arith.constant 8 : i32
      %scan3A_59 = arith.addi %scan3A_57, %scan3A_58 : i32
      %scan3A_60 = arith.constant 1 : i32
      scf.for %scan3A_62 = %scan3A_57 to %scan3A_59 step %scan3A_60  : i32 {
        %mul3A_63 = arith.constant 1 : i32
        %mul3A_64 = arith.muli %scan3A_62, %mul3A_63 : i32
        %add3A_65 = arith.constant 0 : i32
        %add3A_66 = arith.addi %add3A_65, %mul3A_64 : i32
        %broadcast_in_dim3A = arith.constant 0.000000e+00 : f32
        %broadcast_in_dim3A_67 = vector.broadcast %broadcast_in_dim3A : f32 to vector<16xf32>
        %mul3A_68 = arith.constant 16 : i32
        %mul3A_69 = arith.muli %add3A_66, %mul3A_68 : i32
        %swap3A = arith.index_cast %add3A_56 : i32 to index
        %swap3A_70 = arith.index_cast %mul3A_69 : i32 to index
        %swap3A_71 = tpu.vector_load %arg12[%swap3A, %swap3A_70] {strides = array<i32>} : memref<64x128xf32, #tpu.memory_space<vmem>>, vector<1x16xf32>,
        %swap3A_72 = vector.shape_cast %swap3A_71 : vector<1x16xf32> to vector<16xf32>
        %swap3A_73 = vector.shape_cast %broadcast_in_dim3A_67 : vector<16xf32> to vector<1x16xf32>
        tpu.vector_store %arg12[%swap3A, %swap3A_70], %swap3A_73 {strides = array<i32>} : memref<64x128xf32, #tpu.memory_space<vmem>>, vector<1x16xf32>,
      }
      %scan3A_61 = arith.constant 8 : i32
    }
    %scan3A_6 = arith.constant 64 : i32
    %mul3A_7 = arith.constant 640 : i32
    %mul3A_8 = arith.muli %arg1, %mul3A_7 : i32
    %scan3A_9 = arith.constant 0 : i32
    %scan3A_10 = arith.constant 10 : i32
    %scan3A_11 = arith.addi %scan3A_9, %scan3A_10 : i32
    %scan3A_12 = arith.constant 1 : i32
    scf.for %scan3A_52 = %scan3A_9 to %scan3A_11 step %scan3A_12  : i32 {
      %mul3A_53 = arith.constant 1 : i32
      %mul3A_54 = arith.muli %scan3A_52, %mul3A_53 : i32
      %add3A_55 = arith.constant 0 : i32
      %add3A_56 = arith.addi %add3A_55, %mul3A_54 : i32
      %mul3A_57 = arith.constant 64 : i32
      %mul3A_58 = arith.muli %add3A_56, %mul3A_57 : i32
      %add3A_59 = arith.addi %mul3A_8, %mul3A_58 : i32
      "tpu.region"() ({
        %run_scoped3A = tpu.sem_alloc : memref<!tpu.dma_semaphore, #tpu.memory_space<semaphore_mem>>
        %dma_start3A_60 = arith.constant 0 : i32
        %dma_start3A_61 = tpu.memref_slice %arg13[%add3A_59, %dma_start3A_60] : memref<10240x128xf32, #tpu.memory_space<vmem_shared>> -> memref<64x128xf32, #tpu.memory_space<vmem_shared>>
        %dma_start3A_62 = arith.constant 0 : i32
        %dma_start3A_63 = tpu.memref_slice %arg13[%add3A_59, %dma_start3A_62] : memref<10240x128xf32, #tpu.memory_space<vmem_shared>> -> memref<64x128xf32, #tpu.memory_space<vmem_shared>>
        tpu.enqueue_dma source(%arg12 : memref<64x128xf32, #tpu.memory_space<vmem>>) target(%dma_start3A_63 : memref<64x128xf32, #tpu.memory_space<vmem_shared>>) target_semaphore(%run_scoped3A : memref<!tpu.dma_semaphore, #tpu.memory_space<semaphore_mem>>)
        %dma_wait3A_64 = arith.constant 0 : i32
        %dma_wait3A_65 = tpu.memref_slice %arg13[%add3A_59, %dma_wait3A_64] : memref<10240x128xf32, #tpu.memory_space<vmem_shared>> -> memref<64x128xf32, #tpu.memory_space<vmem_shared>>
        %dma_wait3A_66 = arith.constant 0 : i32
        %dma_wait3A_67 = tpu.memref_slice %arg13[%add3A_59, %dma_wait3A_66] : memref<10240x128xf32, #tpu.memory_space<vmem_shared>> -> memref<64x128xf32, #tpu.memory_space<vmem_shared>>
        tpu.wait_dma2 semaphore(%run_scoped3A : memref<!tpu.dma_semaphore, #tpu.memory_space<semaphore_mem>>) src(%arg12 : memref<64x128xf32, #tpu.memory_space<vmem>>) dst(%dma_wait3A_67 : memref<64x128xf32, #tpu.memory_space<vmem_shared>>)
        tpu.yield
      }) : () -> ()
    }
    %scan3A_13 = arith.constant 10 : i32
    %barrier3A = arith.constant 0 : index
    tpu.barrier barrier_id(%barrier3A)
    %add3A_14 = arith.constant 0 : i32
    %add3A_15 = arith.addi %mul3A_2, %add3A_14 : i32
    %mul3A_16 = arith.constant 128 : i32
    %mul3A_17 = arith.muli %add3A_15, %mul3A_16 : i32
    %dma_start3A = tpu.memref_slice %arg3[%mul3A_17] : memref<327680xi32, #tpu.memory_space<hbm>> -> memref<128xi32, #tpu.memory_space<hbm>>
    %dma_start3A_18 = tpu.memref_slice %arg3[%mul3A_17] : memref<327680xi32, #tpu.memory_space<hbm>> -> memref<128xi32, #tpu.memory_space<hbm>>
    tpu.enqueue_dma source(%dma_start3A_18 : memref<128xi32, #tpu.memory_space<hbm>>) target(%arg6 : memref<128xi32, #tpu.memory_space<vmem>>) target_semaphore(%arg16 : memref<!tpu.dma_semaphore, #tpu.memory_space<semaphore_mem>>)
    %dma_start3A_19 = tpu.memref_slice %arg4[%mul3A_17] : memref<327680xi32, #tpu.memory_space<hbm>> -> memref<128xi32, #tpu.memory_space<hbm>>
    %dma_start3A_20 = tpu.memref_slice %arg4[%mul3A_17] : memref<327680xi32, #tpu.memory_space<hbm>> -> memref<128xi32, #tpu.memory_space<hbm>>
    tpu.enqueue_dma source(%dma_start3A_20 : memref<128xi32, #tpu.memory_space<hbm>>) target(%arg8 : memref<128xi32, #tpu.memory_space<vmem>>) target_semaphore(%arg16 : memref<!tpu.dma_semaphore, #tpu.memory_space<semaphore_mem>>)
    %dma_wait3A = tpu.memref_slice %arg3[%mul3A_17] : memref<327680xi32, #tpu.memory_space<hbm>> -> memref<128xi32, #tpu.memory_space<hbm>>
    %dma_wait3A_21 = tpu.memref_slice %arg3[%mul3A_17] : memref<327680xi32, #tpu.memory_space<hbm>> -> memref<128xi32, #tpu.memory_space<hbm>>
    tpu.wait_dma2 semaphore(%arg16 : memref<!tpu.dma_semaphore, #tpu.memory_space<semaphore_mem>>) src(%dma_wait3A_21 : memref<128xi32, #tpu.memory_space<hbm>>) dst(%arg6 : memref<128xi32, #tpu.memory_space<vmem>>)
    %dma_wait3A_22 = tpu.memref_slice %arg4[%mul3A_17] : memref<327680xi32, #tpu.memory_space<hbm>> -> memref<128xi32, #tpu.memory_space<hbm>>
    %dma_wait3A_23 = tpu.memref_slice %arg4[%mul3A_17] : memref<327680xi32, #tpu.memory_space<hbm>> -> memref<128xi32, #tpu.memory_space<hbm>>
    tpu.wait_dma2 semaphore(%arg16 : memref<!tpu.dma_semaphore, #tpu.memory_space<semaphore_mem>>) src(%dma_wait3A_23 : memref<128xi32, #tpu.memory_space<hbm>>) dst(%arg8 : memref<128xi32, #tpu.memory_space<vmem>>)
    %dma_start3A_24 = arith.constant 0 : i32
    %dma_start3A_25 = arith.constant 0 : i32
    %dma_start3A_26 = tpu.memref_slice %arg2[%dma_start3A_24, %dma_start3A_25] : memref<10000x128xf32, #tpu.memory_space<hbm>> -> memref<10000x128xf32, #tpu.memory_space<hbm>>
    tpu.enqueue_indirect_dma source(%dma_start3A_26 : memref<10000x128xf32, #tpu.memory_space<hbm>>) target(%arg10 : memref<128x128xf32, #tpu.memory_space<vmem>>) offsets(%arg6 : memref<128xi32, #tpu.memory_space<vmem>>) semaphore(%arg14 : memref<!tpu.dma_semaphore, #tpu.memory_space<semaphore_mem>>)
    %add3A_27 = arith.constant 1 : i32
    %add3A_28 = arith.addi %mul3A_2, %add3A_27 : i32
    %mul3A_29 = arith.constant 128 : i32
    %mul3A_30 = arith.muli %add3A_28, %mul3A_29 : i32
    %dma_start3A_31 = tpu.memref_slice %arg3[%mul3A_30] : memref<327680xi32, #tpu.memory_space<hbm>> -> memref<128xi32, #tpu.memory_space<hbm>>
    %dma_start3A_32 = tpu.memref_slice %arg3[%mul3A_30] : memref<327680xi32, #tpu.memory_space<hbm>> -> memref<128xi32, #tpu.memory_space<hbm>>
    tpu.enqueue_dma source(%dma_start3A_32 : memref<128xi32, #tpu.memory_space<hbm>>) target(%arg7 : memref<128xi32, #tpu.memory_space<vmem>>) target_semaphore(%arg17 : memref<!tpu.dma_semaphore, #tpu.memory_space<semaphore_mem>>)
    %dma_start3A_33 = tpu.memref_slice %arg4[%mul3A_30] : memref<327680xi32, #tpu.memory_space<hbm>> -> memref<128xi32, #tpu.memory_space<hbm>>
    %dma_start3A_34 = tpu.memref_slice %arg4[%mul3A_30] : memref<327680xi32, #tpu.memory_space<hbm>> -> memref<128xi32, #tpu.memory_space<hbm>>
    tpu.enqueue_dma source(%dma_start3A_34 : memref<128xi32, #tpu.memory_space<hbm>>) target(%arg9 : memref<128xi32, #tpu.memory_space<vmem>>) target_semaphore(%arg17 : memref<!tpu.dma_semaphore, #tpu.memory_space<semaphore_mem>>)
    %scan3A_35 = arith.constant 0 : i32
    %scan3A_36 = arith.constant 40 : i32
    %scan3A_37 = arith.addi %scan3A_35, %scan3A_36 : i32
    %scan3A_38 = arith.constant 1 : i32
    scf.for %scan3A_52 = %scan3A_35 to %scan3A_37 step %scan3A_38  : i32 {
      %mul3A_53 = arith.constant 1 : i32
      %mul3A_54 = arith.muli %scan3A_52, %mul3A_53 : i32
      %add3A_55 = arith.constant 0 : i32
      %add3A_56 = arith.addi %add3A_55, %mul3A_54 : i32
      %mul3A_57 = arith.constant 2 : i32
      %mul3A_58 = arith.muli %mul3A_57, %add3A_56 : i32
      %add3A_59 = arith.constant 2 : i32
      %add3A_60 = arith.addi %mul3A_58, %add3A_59 : i32
      %min3A = arith.constant 79 : i32
      %min3A_61 = arith.minsi %add3A_60, %min3A : i32
      %add3A_62 = arith.constant 3 : i32
      %add3A_63 = arith.addi %mul3A_58, %add3A_62 : i32
      %min3A_64 = arith.constant 79 : i32
      %min3A_65 = arith.minsi %add3A_63, %min3A_64 : i32
      %add3A_66 = arith.constant 1 : i32
      %add3A_67 = arith.addi %mul3A_58, %add3A_66 : i32
      %add3A_68 = arith.addi %mul3A_2, %add3A_67 : i32
      %mul3A_69 = arith.constant 128 : i32
      %mul3A_70 = arith.muli %add3A_68, %mul3A_69 : i32
      %dma_wait3A_71 = tpu.memref_slice %arg3[%mul3A_70] : memref<327680xi32, #tpu.memory_space<hbm>> -> memref<128xi32, #tpu.memory_space<hbm>>
      %dma_wait3A_72 = tpu.memref_slice %arg3[%mul3A_70] : memref<327680xi32, #tpu.memory_space<hbm>> -> memref<128xi32, #tpu.memory_space<hbm>>
      tpu.wait_dma2 semaphore(%arg17 : memref<!tpu.dma_semaphore, #tpu.memory_space<semaphore_mem>>) src(%dma_wait3A_72 : memref<128xi32, #tpu.memory_space<hbm>>) dst(%arg7 : memref<128xi32, #tpu.memory_space<vmem>>)
      %dma_wait3A_73 = tpu.memref_slice %arg4[%mul3A_70] : memref<327680xi32, #tpu.memory_space<hbm>> -> memref<128xi32, #tpu.memory_space<hbm>>
      %dma_wait3A_74 = tpu.memref_slice %arg4[%mul3A_70] : memref<327680xi32, #tpu.memory_space<hbm>> -> memref<128xi32, #tpu.memory_space<hbm>>
      tpu.wait_dma2 semaphore(%arg17 : memref<!tpu.dma_semaphore, #tpu.memory_space<semaphore_mem>>) src(%dma_wait3A_74 : memref<128xi32, #tpu.memory_space<hbm>>) dst(%arg9 : memref<128xi32, #tpu.memory_space<vmem>>)
      %dma_wait3A_75 = arith.constant 0 : i32
      %dma_wait3A_76 = arith.constant 0 : i32
      %dma_wait3A_77 = tpu.memref_slice %arg2[%dma_wait3A_75, %dma_wait3A_76] : memref<10000x128xf32, #tpu.memory_space<hbm>> -> memref<10000x128xf32, #tpu.memory_space<hbm>>
      tpu.wait_indirect_dma semaphore(%arg14 : memref<!tpu.dma_semaphore, #tpu.memory_space<semaphore_mem>>) src(%dma_wait3A_77 : memref<10000x128xf32, #tpu.memory_space<hbm>>) dst(%arg10 : memref<128x128xf32, #tpu.memory_space<vmem>>)
      %dma_start3A_78 = arith.constant 0 : i32
      %dma_start3A_79 = arith.constant 0 : i32
      %dma_start3A_80 = tpu.memref_slice %arg2[%dma_start3A_78, %dma_start3A_79] : memref<10000x128xf32, #tpu.memory_space<hbm>> -> memref<10000x128xf32, #tpu.memory_space<hbm>>
      tpu.enqueue_indirect_dma source(%dma_start3A_80 : memref<10000x128xf32, #tpu.memory_space<hbm>>) target(%arg11 : memref<128x128xf32, #tpu.memory_space<vmem>>) offsets(%arg7 : memref<128xi32, #tpu.memory_space<vmem>>) semaphore(%arg15 : memref<!tpu.dma_semaphore, #tpu.memory_space<semaphore_mem>>)
      "tpu.region"() ({
        %run_scoped3A = tpu.sem_alloc : memref<!tpu.dma_semaphore, #tpu.memory_space<semaphore_mem>>
        %dma_start3A_105 = arith.constant 0 : i32
        %dma_start3A_106 = arith.constant 0 : i32
        %dma_start3A_107 = tpu.memref_slice %arg13[%dma_start3A_105, %dma_start3A_106] : memref<10240x128xf32, #tpu.memory_space<vmem_shared>> -> memref<10240x128xf32, #tpu.memory_space<vmem_shared>>
        tpu.enqueue_indirect_dma source(%arg10 : memref<128x128xf32, #tpu.memory_space<vmem>>) target(%dma_start3A_107 : memref<10240x128xf32, #tpu.memory_space<vmem_shared>>) offsets(%arg8 : memref<128xi32, #tpu.memory_space<vmem>>) semaphore(%run_scoped3A : memref<!tpu.dma_semaphore, #tpu.memory_space<semaphore_mem>>) {add = true}
        %dma_wait3A_108 = arith.constant 0 : i32
        %dma_wait3A_109 = arith.constant 0 : i32
        %dma_wait3A_110 = tpu.memref_slice %arg13[%dma_wait3A_108, %dma_wait3A_109] : memref<10240x128xf32, #tpu.memory_space<vmem_shared>> -> memref<10240x128xf32, #tpu.memory_space<vmem_shared>>
        tpu.wait_indirect_dma semaphore(%run_scoped3A : memref<!tpu.dma_semaphore, #tpu.memory_space<semaphore_mem>>) src(%arg10 : memref<128x128xf32, #tpu.memory_space<vmem>>) dst(%dma_wait3A_110 : memref<10240x128xf32, #tpu.memory_space<vmem_shared>>)
        tpu.yield
      }) : () -> ()
      %add3A_81 = arith.addi %mul3A_2, %min3A_61 : i32
      %mul3A_82 = arith.constant 128 : i32
      %mul3A_83 = arith.muli %add3A_81, %mul3A_82 : i32
      %dma_start3A_84 = tpu.memref_slice %arg3[%mul3A_83] : memref<327680xi32, #tpu.memory_space<hbm>> -> memref<128xi32, #tpu.memory_space<hbm>>
      %dma_start3A_85 = tpu.memref_slice %arg3[%mul3A_83] : memref<327680xi32, #tpu.memory_space<hbm>> -> memref<128xi32, #tpu.memory_space<hbm>>
      tpu.enqueue_dma source(%dma_start3A_85 : memref<128xi32, #tpu.memory_space<hbm>>) target(%arg6 : memref<128xi32, #tpu.memory_space<vmem>>) target_semaphore(%arg16 : memref<!tpu.dma_semaphore, #tpu.memory_space<semaphore_mem>>)
      %dma_start3A_86 = tpu.memref_slice %arg4[%mul3A_83] : memref<327680xi32, #tpu.memory_space<hbm>> -> memref<128xi32, #tpu.memory_space<hbm>>
      %dma_start3A_87 = tpu.memref_slice %arg4[%mul3A_83] : memref<327680xi32, #tpu.memory_space<hbm>> -> memref<128xi32, #tpu.memory_space<hbm>>
      tpu.enqueue_dma source(%dma_start3A_87 : memref<128xi32, #tpu.memory_space<hbm>>) target(%arg8 : memref<128xi32, #tpu.memory_space<vmem>>) target_semaphore(%arg16 : memref<!tpu.dma_semaphore, #tpu.memory_space<semaphore_mem>>)
      %dma_wait3A_88 = arith.constant 0 : i32
      %dma_wait3A_89 = arith.constant 0 : i32
      %dma_wait3A_90 = tpu.memref_slice %arg2[%dma_wait3A_88, %dma_wait3A_89] : memref<10000x128xf32, #tpu.memory_space<hbm>> -> memref<10000x128xf32, #tpu.memory_space<hbm>>
      tpu.wait_indirect_dma semaphore(%arg15 : memref<!tpu.dma_semaphore, #tpu.memory_space<semaphore_mem>>) src(%dma_wait3A_90 : memref<10000x128xf32, #tpu.memory_space<hbm>>) dst(%arg11 : memref<128x128xf32, #tpu.memory_space<vmem>>)
      %dma_wait3A_91 = tpu.memref_slice %arg3[%mul3A_83] : memref<327680xi32, #tpu.memory_space<hbm>> -> memref<128xi32, #tpu.memory_space<hbm>>
      %dma_wait3A_92 = tpu.memref_slice %arg3[%mul3A_83] : memref<327680xi32, #tpu.memory_space<hbm>> -> memref<128xi32, #tpu.memory_space<hbm>>
      tpu.wait_dma2 semaphore(%arg16 : memref<!tpu.dma_semaphore, #tpu.memory_space<semaphore_mem>>) src(%dma_wait3A_92 : memref<128xi32, #tpu.memory_space<hbm>>) dst(%arg6 : memref<128xi32, #tpu.memory_space<vmem>>)
      %dma_wait3A_93 = tpu.memref_slice %arg4[%mul3A_83] : memref<327680xi32, #tpu.memory_space<hbm>> -> memref<128xi32, #tpu.memory_space<hbm>>
      %dma_wait3A_94 = tpu.memref_slice %arg4[%mul3A_83] : memref<327680xi32, #tpu.memory_space<hbm>> -> memref<128xi32, #tpu.memory_space<hbm>>
      tpu.wait_dma2 semaphore(%arg16 : memref<!tpu.dma_semaphore, #tpu.memory_space<semaphore_mem>>) src(%dma_wait3A_94 : memref<128xi32, #tpu.memory_space<hbm>>) dst(%arg8 : memref<128xi32, #tpu.memory_space<vmem>>)
      %dma_start3A_95 = arith.constant 0 : i32
      %dma_start3A_96 = arith.constant 0 : i32
      %dma_start3A_97 = tpu.memref_slice %arg2[%dma_start3A_95, %dma_start3A_96] : memref<10000x128xf32, #tpu.memory_space<hbm>> -> memref<10000x128xf32, #tpu.memory_space<hbm>>
      tpu.enqueue_indirect_dma source(%dma_start3A_97 : memref<10000x128xf32, #tpu.memory_space<hbm>>) target(%arg10 : memref<128x128xf32, #tpu.memory_space<vmem>>) offsets(%arg6 : memref<128xi32, #tpu.memory_space<vmem>>) semaphore(%arg14 : memref<!tpu.dma_semaphore, #tpu.memory_space<semaphore_mem>>)
      "tpu.region"() ({
        %run_scoped3A = tpu.sem_alloc : memref<!tpu.dma_semaphore, #tpu.memory_space<semaphore_mem>>
        %dma_start3A_105 = arith.constant 0 : i32
        %dma_start3A_106 = arith.constant 0 : i32
        %dma_start3A_107 = tpu.memref_slice %arg13[%dma_start3A_105, %dma_start3A_106] : memref<10240x128xf32, #tpu.memory_space<vmem_shared>> -> memref<10240x128xf32, #tpu.memory_space<vmem_shared>>
        tpu.enqueue_indirect_dma source(%arg11 : memref<128x128xf32, #tpu.memory_space<vmem>>) target(%dma_start3A_107 : memref<10240x128xf32, #tpu.memory_space<vmem_shared>>) offsets(%arg9 : memref<128xi32, #tpu.memory_space<vmem>>) semaphore(%run_scoped3A : memref<!tpu.dma_semaphore, #tpu.memory_space<semaphore_mem>>) {add = true}
        %dma_wait3A_108 = arith.constant 0 : i32
        %dma_wait3A_109 = arith.constant 0 : i32
        %dma_wait3A_110 = tpu.memref_slice %arg13[%dma_wait3A_108, %dma_wait3A_109] : memref<10240x128xf32, #tpu.memory_space<vmem_shared>> -> memref<10240x128xf32, #tpu.memory_space<vmem_shared>>
        tpu.wait_indirect_dma semaphore(%run_scoped3A : memref<!tpu.dma_semaphore, #tpu.memory_space<semaphore_mem>>) src(%arg11 : memref<128x128xf32, #tpu.memory_space<vmem>>) dst(%dma_wait3A_110 : memref<10240x128xf32, #tpu.memory_space<vmem_shared>>)
        tpu.yield
      }) : () -> ()
      %add3A_98 = arith.addi %mul3A_2, %min3A_65 : i32
      %mul3A_99 = arith.constant 128 : i32
      %mul3A_100 = arith.muli %add3A_98, %mul3A_99 : i32
      %dma_start3A_101 = tpu.memref_slice %arg3[%mul3A_100] : memref<327680xi32, #tpu.memory_space<hbm>> -> memref<128xi32, #tpu.memory_space<hbm>>
      %dma_start3A_102 = tpu.memref_slice %arg3[%mul3A_100] : memref<327680xi32, #tpu.memory_space<hbm>> -> memref<128xi32, #tpu.memory_space<hbm>>
      tpu.enqueue_dma source(%dma_start3A_102 : memref<128xi32, #tpu.memory_space<hbm>>) target(%arg7 : memref<128xi32, #tpu.memory_space<vmem>>) target_semaphore(%arg17 : memref<!tpu.dma_semaphore, #tpu.memory_space<semaphore_mem>>)
      %dma_start3A_103 = tpu.memref_slice %arg4[%mul3A_100] : memref<327680xi32, #tpu.memory_space<hbm>> -> memref<128xi32, #tpu.memory_space<hbm>>
      %dma_start3A_104 = tpu.memref_slice %arg4[%mul3A_100] : memref<327680xi32, #tpu.memory_space<hbm>> -> memref<128xi32, #tpu.memory_space<hbm>>
      tpu.enqueue_dma source(%dma_start3A_104 : memref<128xi32, #tpu.memory_space<hbm>>) target(%arg9 : memref<128xi32, #tpu.memory_space<vmem>>) target_semaphore(%arg17 : memref<!tpu.dma_semaphore, #tpu.memory_space<semaphore_mem>>)
    }
    %scan3A_39 = arith.constant 40 : i32
    %dma_wait3A_40 = arith.constant 0 : i32
    %dma_wait3A_41 = arith.constant 0 : i32
    %dma_wait3A_42 = tpu.memref_slice %arg2[%dma_wait3A_40, %dma_wait3A_41] : memref<10000x128xf32, #tpu.memory_space<hbm>> -> memref<10000x128xf32, #tpu.memory_space<hbm>>
    tpu.wait_indirect_dma semaphore(%arg14 : memref<!tpu.dma_semaphore, #tpu.memory_space<semaphore_mem>>) src(%dma_wait3A_42 : memref<10000x128xf32, #tpu.memory_space<hbm>>) dst(%arg10 : memref<128x128xf32, #tpu.memory_space<vmem>>)
    %add3A_43 = arith.constant 79 : i32
    %add3A_44 = arith.addi %mul3A_2, %add3A_43 : i32
    %mul3A_45 = arith.constant 128 : i32
    %mul3A_46 = arith.muli %add3A_44, %mul3A_45 : i32
    %dma_wait3A_47 = tpu.memref_slice %arg3[%mul3A_46] : memref<327680xi32, #tpu.memory_space<hbm>> -> memref<128xi32, #tpu.memory_space<hbm>>
    %dma_wait3A_48 = tpu.memref_slice %arg3[%mul3A_46] : memref<327680xi32, #tpu.memory_space<hbm>> -> memref<128xi32, #tpu.memory_space<hbm>>
    tpu.wait_dma2 semaphore(%arg17 : memref<!tpu.dma_semaphore, #tpu.memory_space<semaphore_mem>>) src(%dma_wait3A_48 : memref<128xi32, #tpu.memory_space<hbm>>) dst(%arg7 : memref<128xi32, #tpu.memory_space<vmem>>)
    %dma_wait3A_49 = tpu.memref_slice %arg4[%mul3A_46] : memref<327680xi32, #tpu.memory_space<hbm>> -> memref<128xi32, #tpu.memory_space<hbm>>
    %dma_wait3A_50 = tpu.memref_slice %arg4[%mul3A_46] : memref<327680xi32, #tpu.memory_space<hbm>> -> memref<128xi32, #tpu.memory_space<hbm>>
    tpu.wait_dma2 semaphore(%arg17 : memref<!tpu.dma_semaphore, #tpu.memory_space<semaphore_mem>>) src(%dma_wait3A_50 : memref<128xi32, #tpu.memory_space<hbm>>) dst(%arg9 : memref<128xi32, #tpu.memory_space<vmem>>)
    %barrier3A_51 = arith.constant 0 : index
    tpu.barrier barrier_id(%barrier3A_51)
    "tpu.region"() ({
      %run_scoped3A = tpu.sem_alloc : memref<!tpu.dma_semaphore, #tpu.memory_space<semaphore_mem>>
      %dma_start3A_52 = arith.constant 0 : i32
      %dma_start3A_53 = arith.constant 0 : i32
      %dma_start3A_54 = tpu.memref_slice %arg5[%arg0, %dma_start3A_52, %dma_start3A_53] : memref<2x10240x128xf32, #tpu.memory_space<hbm>> -> memref<1x10240x128xf32, #tpu.memory_space<hbm>>
      %dma_start3A_55 = tpu.memref_squeeze %dma_start3A_54 : memref<1x10240x128xf32, #tpu.memory_space<hbm>> -> memref<10240x128xf32, #tpu.memory_space<hbm>>
      %dma_start3A_56 = arith.constant 0 : i32
      %dma_start3A_57 = tpu.memref_slice %dma_start3A_55[%mul3A_8, %dma_start3A_56] : memref<10240x128xf32, #tpu.memory_space<hbm>> -> memref<640x128xf32, #tpu.memory_space<hbm>>
      %dma_start3A_58 = arith.constant 0 : i32
      %dma_start3A_59 = tpu.memref_slice %arg13[%mul3A_8, %dma_start3A_58] : memref<10240x128xf32, #tpu.memory_space<vmem_shared>> -> memref<640x128xf32, #tpu.memory_space<vmem_shared>>
      tpu.enqueue_dma source(%dma_start3A_59 : memref<640x128xf32, #tpu.memory_space<vmem_shared>>) target(%dma_start3A_57 : memref<640x128xf32, #tpu.memory_space<hbm>>) target_semaphore(%run_scoped3A : memref<!tpu.dma_semaphore, #tpu.memory_space<semaphore_mem>>)
      %dma_wait3A_60 = arith.constant 0 : i32
      %dma_wait3A_61 = arith.constant 0 : i32
      %dma_wait3A_62 = tpu.memref_slice %arg5[%arg0, %dma_wait3A_60, %dma_wait3A_61] : memref<2x10240x128xf32, #tpu.memory_space<hbm>> -> memref<1x10240x128xf32, #tpu.memory_space<hbm>>
      %dma_wait3A_63 = tpu.memref_squeeze %dma_wait3A_62 : memref<1x10240x128xf32, #tpu.memory_space<hbm>> -> memref<10240x128xf32, #tpu.memory_space<hbm>>
      %dma_wait3A_64 = arith.constant 0 : i32
      %dma_wait3A_65 = tpu.memref_slice %dma_wait3A_63[%mul3A_8, %dma_wait3A_64] : memref<10240x128xf32, #tpu.memory_space<hbm>> -> memref<640x128xf32, #tpu.memory_space<hbm>>
      %dma_wait3A_66 = arith.constant 0 : i32
      %dma_wait3A_67 = tpu.memref_slice %arg13[%mul3A_8, %dma_wait3A_66] : memref<10240x128xf32, #tpu.memory_space<vmem_shared>> -> memref<640x128xf32, #tpu.memory_space<vmem_shared>>
      tpu.wait_dma2 semaphore(%run_scoped3A : memref<!tpu.dma_semaphore, #tpu.memory_space<semaphore_mem>>) src(%dma_wait3A_67 : memref<640x128xf32, #tpu.memory_space<vmem_shared>>) dst(%dma_wait3A_65 : memref<640x128xf32, #tpu.memory_space<hbm>>)
      tpu.yield
    }) : () -> ()
    return
  }
}

#map = affine_map<(d0, d1) -> (0, 0)>
#map1 = affine_map<(d0, d1) -> (0)>
#map2 = affine_map<(d0, d1) -> (0, 0, 0)>
module attributes {stable_mosaic.version = 14 : i64} {
  func.func @sc_agg(%arg0: i32, %arg1: i32, %arg2: memref<10000x128xf32, #tpu.memory_space<hbm>>, %arg3: memref<327680xi32, #tpu.memory_space<hbm>>, %arg4: memref<327680xi32, #tpu.memory_space<hbm>>, %arg5: memref<2x10240x128xf32, #tpu.memory_space<hbm>>, %arg6: memref<128xi32, #tpu.memory_space<vmem>>, %arg7: memref<128xi32, #tpu.memory_space<vmem>>, %arg8: memref<128xi32, #tpu.memory_space<vmem>>, %arg9: memref<128xi32, #tpu.memory_space<vmem>>, %arg10: memref<128x128xf32, #tpu.memory_space<vmem>>, %arg11: memref<128x128xf32, #tpu.memory_space<vmem>>, %arg12: memref<64x128xf32, #tpu.memory_space<vmem>>, %arg13: memref<10240x128xf32, #tpu.memory_space<vmem_shared>>, %arg14: memref<!tpu.dma_semaphore, #tpu.memory_space<semaphore_mem>>, %arg15: memref<!tpu.dma_semaphore, #tpu.memory_space<semaphore_mem>>, %arg16: memref<!tpu.dma_semaphore, #tpu.memory_space<semaphore_mem>>, %arg17: memref<!tpu.dma_semaphore, #tpu.memory_space<semaphore_mem>>) attributes {dimension_semantics = [#tpu.dimension_semantics<core_parallel>, #tpu.dimension_semantics<subcore_parallel>], iteration_bounds = array<i64: 2, 16>, scalar_prefetch = 0 : i64, scratch_operands = 12 : i64, tpu.core_type = #tpu.core_type<sc_vector_subcore>, window_params = [{transform_indices = #map}, {transform_indices = #map1}, {transform_indices = #map1}, {transform_indices = #map2}]} {
    %mul3A = arith.constant 16 : i32
    %mul3A_0 = arith.muli %arg0, %mul3A : i32
    %add3A = arith.addi %mul3A_0, %arg1 : i32
    %mul3A_1 = arith.constant 80 : i32
    %mul3A_2 = arith.muli %add3A, %mul3A_1 : i32
    %scan3A = arith.constant 0 : i32
    %scan3A_3 = arith.constant 64 : i32
    %scan3A_4 = arith.addi %scan3A, %scan3A_3 : i32
    %scan3A_5 = arith.constant 1 : i32
    scf.for %scan3A_52 = %scan3A to %scan3A_4 step %scan3A_5  : i32 {
      %mul3A_53 = arith.constant 1 : i32
      %mul3A_54 = arith.muli %scan3A_52, %mul3A_53 : i32
      %add3A_55 = arith.constant 0 : i32
      %add3A_56 = arith.addi %add3A_55, %mul3A_54 : i32
      %scan3A_57 = arith.constant 0 : i32
      %scan3A_58 = arith.constant 8 : i32
      %scan3A_59 = arith.addi %scan3A_57, %scan3A_58 : i32
      %scan3A_60 = arith.constant 1 : i32
      scf.for %scan3A_62 = %scan3A_57 to %scan3A_59 step %scan3A_60  : i32 {
        %mul3A_63 = arith.constant 1 : i32
        %mul3A_64 = arith.muli %scan3A_62, %mul3A_63 : i32
        %add3A_65 = arith.constant 0 : i32
        %add3A_66 = arith.addi %add3A_65, %mul3A_64 : i32
        %broadcast_in_dim3A = arith.constant 0.000000e+00 : f32
        %broadcast_in_dim3A_67 = vector.broadcast %broadcast_in_dim3A : f32 to vector<16xf32>
        %mul3A_68 = arith.constant 16 : i32
        %mul3A_69 = arith.muli %add3A_66, %mul3A_68 : i32
        %swap3A = arith.index_cast %add3A_56 : i32 to index
        %swap3A_70 = arith.index_cast %mul3A_69 : i32 to index
        %swap3A_71 = tpu.vector_load %arg12[%swap3A, %swap3A_70] {strides = array<i32>} : memref<64x128xf32, #tpu.memory_space<vmem>>, vector<1x16xf32>,
        %swap3A_72 = vector.shape_cast %swap3A_71 : vector<1x16xf32> to vector<16xf32>
        %swap3A_73 = vector.shape_cast %broadcast_in_dim3A_67 : vector<16xf32> to vector<1x16xf32>
        tpu.vector_store %arg12[%swap3A, %swap3A_70], %swap3A_73 {strides = array<i32>} : memref<64x128xf32, #tpu.memory_space<vmem>>, vector<1x16xf32>,
      }
      %scan3A_61 = arith.constant 8 : i32
    }
    %scan3A_6 = arith.constant 64 : i32
    %mul3A_7 = arith.constant 640 : i32
    %mul3A_8 = arith.muli %arg1, %mul3A_7 : i32
    %scan3A_9 = arith.constant 0 : i32
    %scan3A_10 = arith.constant 10 : i32
    %scan3A_11 = arith.addi %scan3A_9, %scan3A_10 : i32
    %scan3A_12 = arith.constant 1 : i32
    scf.for %scan3A_52 = %scan3A_9 to %scan3A_11 step %scan3A_12  : i32 {
      %mul3A_53 = arith.constant 1 : i32
      %mul3A_54 = arith.muli %scan3A_52, %mul3A_53 : i32
      %add3A_55 = arith.constant 0 : i32
      %add3A_56 = arith.addi %add3A_55, %mul3A_54 : i32
      %mul3A_57 = arith.constant 64 : i32
      %mul3A_58 = arith.muli %add3A_56, %mul3A_57 : i32
      %add3A_59 = arith.addi %mul3A_8, %mul3A_58 : i32
      "tpu.region"() ({
        %run_scoped3A = tpu.sem_alloc : memref<!tpu.dma_semaphore, #tpu.memory_space<semaphore_mem>>
        %dma_start3A_60 = arith.constant 0 : i32
        %dma_start3A_61 = tpu.memref_slice %arg13[%add3A_59, %dma_start3A_60] : memref<10240x128xf32, #tpu.memory_space<vmem_shared>> -> memref<64x128xf32, #tpu.memory_space<vmem_shared>>
        %dma_start3A_62 = arith.constant 0 : i32
        %dma_start3A_63 = tpu.memref_slice %arg13[%add3A_59, %dma_start3A_62] : memref<10240x128xf32, #tpu.memory_space<vmem_shared>> -> memref<64x128xf32, #tpu.memory_space<vmem_shared>>
        tpu.enqueue_dma source(%arg12 : memref<64x128xf32, #tpu.memory_space<vmem>>) target(%dma_start3A_63 : memref<64x128xf32, #tpu.memory_space<vmem_shared>>) target_semaphore(%run_scoped3A : memref<!tpu.dma_semaphore, #tpu.memory_space<semaphore_mem>>)
        %dma_wait3A_64 = arith.constant 0 : i32
        %dma_wait3A_65 = tpu.memref_slice %arg13[%add3A_59, %dma_wait3A_64] : memref<10240x128xf32, #tpu.memory_space<vmem_shared>> -> memref<64x128xf32, #tpu.memory_space<vmem_shared>>
        %dma_wait3A_66 = arith.constant 0 : i32
        %dma_wait3A_67 = tpu.memref_slice %arg13[%add3A_59, %dma_wait3A_66] : memref<10240x128xf32, #tpu.memory_space<vmem_shared>> -> memref<64x128xf32, #tpu.memory_space<vmem_shared>>
        tpu.wait_dma2 semaphore(%run_scoped3A : memref<!tpu.dma_semaphore, #tpu.memory_space<semaphore_mem>>) src(%arg12 : memref<64x128xf32, #tpu.memory_space<vmem>>) dst(%dma_wait3A_67 : memref<64x128xf32, #tpu.memory_space<vmem_shared>>)
        tpu.yield
      }) : () -> ()
    }
    %scan3A_13 = arith.constant 10 : i32
    %barrier3A = arith.constant 0 : index
    tpu.barrier barrier_id(%barrier3A)
    %add3A_14 = arith.constant 0 : i32
    %add3A_15 = arith.addi %mul3A_2, %add3A_14 : i32
    %mul3A_16 = arith.constant 128 : i32
    %mul3A_17 = arith.muli %add3A_15, %mul3A_16 : i32
    %dma_start3A = tpu.memref_slice %arg3[%mul3A_17] : memref<327680xi32, #tpu.memory_space<hbm>> -> memref<128xi32, #tpu.memory_space<hbm>>
    %dma_start3A_18 = tpu.memref_slice %arg3[%mul3A_17] : memref<327680xi32, #tpu.memory_space<hbm>> -> memref<128xi32, #tpu.memory_space<hbm>>
    tpu.enqueue_dma source(%dma_start3A_18 : memref<128xi32, #tpu.memory_space<hbm>>) target(%arg6 : memref<128xi32, #tpu.memory_space<vmem>>) target_semaphore(%arg16 : memref<!tpu.dma_semaphore, #tpu.memory_space<semaphore_mem>>)
    %dma_start3A_19 = tpu.memref_slice %arg4[%mul3A_17] : memref<327680xi32, #tpu.memory_space<hbm>> -> memref<128xi32, #tpu.memory_space<hbm>>
    %dma_start3A_20 = tpu.memref_slice %arg4[%mul3A_17] : memref<327680xi32, #tpu.memory_space<hbm>> -> memref<128xi32, #tpu.memory_space<hbm>>
    tpu.enqueue_dma source(%dma_start3A_20 : memref<128xi32, #tpu.memory_space<hbm>>) target(%arg8 : memref<128xi32, #tpu.memory_space<vmem>>) target_semaphore(%arg16 : memref<!tpu.dma_semaphore, #tpu.memory_space<semaphore_mem>>)
    %dma_wait3A = tpu.memref_slice %arg3[%mul3A_17] : memref<327680xi32, #tpu.memory_space<hbm>> -> memref<128xi32, #tpu.memory_space<hbm>>
    %dma_wait3A_21 = tpu.memref_slice %arg3[%mul3A_17] : memref<327680xi32, #tpu.memory_space<hbm>> -> memref<128xi32, #tpu.memory_space<hbm>>
    tpu.wait_dma2 semaphore(%arg16 : memref<!tpu.dma_semaphore, #tpu.memory_space<semaphore_mem>>) src(%dma_wait3A_21 : memref<128xi32, #tpu.memory_space<hbm>>) dst(%arg6 : memref<128xi32, #tpu.memory_space<vmem>>)
    %dma_wait3A_22 = tpu.memref_slice %arg4[%mul3A_17] : memref<327680xi32, #tpu.memory_space<hbm>> -> memref<128xi32, #tpu.memory_space<hbm>>
    %dma_wait3A_23 = tpu.memref_slice %arg4[%mul3A_17] : memref<327680xi32, #tpu.memory_space<hbm>> -> memref<128xi32, #tpu.memory_space<hbm>>
    tpu.wait_dma2 semaphore(%arg16 : memref<!tpu.dma_semaphore, #tpu.memory_space<semaphore_mem>>) src(%dma_wait3A_23 : memref<128xi32, #tpu.memory_space<hbm>>) dst(%arg8 : memref<128xi32, #tpu.memory_space<vmem>>)
    %dma_start3A_24 = arith.constant 0 : i32
    %dma_start3A_25 = arith.constant 0 : i32
    %dma_start3A_26 = tpu.memref_slice %arg2[%dma_start3A_24, %dma_start3A_25] : memref<10000x128xf32, #tpu.memory_space<hbm>> -> memref<10000x128xf32, #tpu.memory_space<hbm>>
    tpu.enqueue_indirect_dma source(%dma_start3A_26 : memref<10000x128xf32, #tpu.memory_space<hbm>>) target(%arg10 : memref<128x128xf32, #tpu.memory_space<vmem>>) offsets(%arg6 : memref<128xi32, #tpu.memory_space<vmem>>) semaphore(%arg14 : memref<!tpu.dma_semaphore, #tpu.memory_space<semaphore_mem>>)
    %add3A_27 = arith.constant 1 : i32
    %add3A_28 = arith.addi %mul3A_2, %add3A_27 : i32
    %mul3A_29 = arith.constant 128 : i32
    %mul3A_30 = arith.muli %add3A_28, %mul3A_29 : i32
    %dma_start3A_31 = tpu.memref_slice %arg3[%mul3A_30] : memref<327680xi32, #tpu.memory_space<hbm>> -> memref<128xi32, #tpu.memory_space<hbm>>
    %dma_start3A_32 = tpu.memref_slice %arg3[%mul3A_30] : memref<327680xi32, #tpu.memory_space<hbm>> -> memref<128xi32, #tpu.memory_space<hbm>>
    tpu.enqueue_dma source(%dma_start3A_32 : memref<128xi32, #tpu.memory_space<hbm>>) target(%arg7 : memref<128xi32, #tpu.memory_space<vmem>>) target_semaphore(%arg17 : memref<!tpu.dma_semaphore, #tpu.memory_space<semaphore_mem>>)
    %dma_start3A_33 = tpu.memref_slice %arg4[%mul3A_30] : memref<327680xi32, #tpu.memory_space<hbm>> -> memref<128xi32, #tpu.memory_space<hbm>>
    %dma_start3A_34 = tpu.memref_slice %arg4[%mul3A_30] : memref<327680xi32, #tpu.memory_space<hbm>> -> memref<128xi32, #tpu.memory_space<hbm>>
    tpu.enqueue_dma source(%dma_start3A_34 : memref<128xi32, #tpu.memory_space<hbm>>) target(%arg9 : memref<128xi32, #tpu.memory_space<vmem>>) target_semaphore(%arg17 : memref<!tpu.dma_semaphore, #tpu.memory_space<semaphore_mem>>)
    %scan3A_35 = arith.constant 0 : i32
    %scan3A_36 = arith.constant 40 : i32
    %scan3A_37 = arith.addi %scan3A_35, %scan3A_36 : i32
    %scan3A_38 = arith.constant 1 : i32
    scf.for %scan3A_52 = %scan3A_35 to %scan3A_37 step %scan3A_38  : i32 {
      %mul3A_53 = arith.constant 1 : i32
      %mul3A_54 = arith.muli %scan3A_52, %mul3A_53 : i32
      %add3A_55 = arith.constant 0 : i32
      %add3A_56 = arith.addi %add3A_55, %mul3A_54 : i32
      %mul3A_57 = arith.constant 2 : i32
      %mul3A_58 = arith.muli %mul3A_57, %add3A_56 : i32
      %add3A_59 = arith.constant 2 : i32
      %add3A_60 = arith.addi %mul3A_58, %add3A_59 : i32
      %min3A = arith.constant 79 : i32
      %min3A_61 = arith.minsi %add3A_60, %min3A : i32
      %add3A_62 = arith.constant 3 : i32
      %add3A_63 = arith.addi %mul3A_58, %add3A_62 : i32
      %min3A_64 = arith.constant 79 : i32
      %min3A_65 = arith.minsi %add3A_63, %min3A_64 : i32
      %add3A_66 = arith.constant 1 : i32
      %add3A_67 = arith.addi %mul3A_58, %add3A_66 : i32
      %add3A_68 = arith.addi %mul3A_2, %add3A_67 : i32
      %mul3A_69 = arith.constant 128 : i32
      %mul3A_70 = arith.muli %add3A_68, %mul3A_69 : i32
      %dma_wait3A_71 = tpu.memref_slice %arg3[%mul3A_70] : memref<327680xi32, #tpu.memory_space<hbm>> -> memref<128xi32, #tpu.memory_space<hbm>>
      %dma_wait3A_72 = tpu.memref_slice %arg3[%mul3A_70] : memref<327680xi32, #tpu.memory_space<hbm>> -> memref<128xi32, #tpu.memory_space<hbm>>
      tpu.wait_dma2 semaphore(%arg17 : memref<!tpu.dma_semaphore, #tpu.memory_space<semaphore_mem>>) src(%dma_wait3A_72 : memref<128xi32, #tpu.memory_space<hbm>>) dst(%arg7 : memref<128xi32, #tpu.memory_space<vmem>>)
      %dma_wait3A_73 = tpu.memref_slice %arg4[%mul3A_70] : memref<327680xi32, #tpu.memory_space<hbm>> -> memref<128xi32, #tpu.memory_space<hbm>>
      %dma_wait3A_74 = tpu.memref_slice %arg4[%mul3A_70] : memref<327680xi32, #tpu.memory_space<hbm>> -> memref<128xi32, #tpu.memory_space<hbm>>
      tpu.wait_dma2 semaphore(%arg17 : memref<!tpu.dma_semaphore, #tpu.memory_space<semaphore_mem>>) src(%dma_wait3A_74 : memref<128xi32, #tpu.memory_space<hbm>>) dst(%arg9 : memref<128xi32, #tpu.memory_space<vmem>>)
      %dma_wait3A_75 = arith.constant 0 : i32
      %dma_wait3A_76 = arith.constant 0 : i32
      %dma_wait3A_77 = tpu.memref_slice %arg2[%dma_wait3A_75, %dma_wait3A_76] : memref<10000x128xf32, #tpu.memory_space<hbm>> -> memref<10000x128xf32, #tpu.memory_space<hbm>>
      tpu.wait_indirect_dma semaphore(%arg14 : memref<!tpu.dma_semaphore, #tpu.memory_space<semaphore_mem>>) src(%dma_wait3A_77 : memref<10000x128xf32, #tpu.memory_space<hbm>>) dst(%arg10 : memref<128x128xf32, #tpu.memory_space<vmem>>)
      %dma_start3A_78 = arith.constant 0 : i32
      %dma_start3A_79 = arith.constant 0 : i32
      %dma_start3A_80 = tpu.memref_slice %arg2[%dma_start3A_78, %dma_start3A_79] : memref<10000x128xf32, #tpu.memory_space<hbm>> -> memref<10000x128xf32, #tpu.memory_space<hbm>>
      tpu.enqueue_indirect_dma source(%dma_start3A_80 : memref<10000x128xf32, #tpu.memory_space<hbm>>) target(%arg11 : memref<128x128xf32, #tpu.memory_space<vmem>>) offsets(%arg7 : memref<128xi32, #tpu.memory_space<vmem>>) semaphore(%arg15 : memref<!tpu.dma_semaphore, #tpu.memory_space<semaphore_mem>>)
      "tpu.region"() ({
        %run_scoped3A = tpu.sem_alloc : memref<!tpu.dma_semaphore, #tpu.memory_space<semaphore_mem>>
        %dma_start3A_105 = arith.constant 0 : i32
        %dma_start3A_106 = arith.constant 0 : i32
        %dma_start3A_107 = tpu.memref_slice %arg13[%dma_start3A_105, %dma_start3A_106] : memref<10240x128xf32, #tpu.memory_space<vmem_shared>> -> memref<10240x128xf32, #tpu.memory_space<vmem_shared>>
        tpu.enqueue_indirect_dma source(%arg10 : memref<128x128xf32, #tpu.memory_space<vmem>>) target(%dma_start3A_107 : memref<10240x128xf32, #tpu.memory_space<vmem_shared>>) offsets(%arg8 : memref<128xi32, #tpu.memory_space<vmem>>) semaphore(%run_scoped3A : memref<!tpu.dma_semaphore, #tpu.memory_space<semaphore_mem>>) {add = true}
        %dma_wait3A_108 = arith.constant 0 : i32
        %dma_wait3A_109 = arith.constant 0 : i32
        %dma_wait3A_110 = tpu.memref_slice %arg13[%dma_wait3A_108, %dma_wait3A_109] : memref<10240x128xf32, #tpu.memory_space<vmem_shared>> -> memref<10240x128xf32, #tpu.memory_space<vmem_shared>>
        tpu.wait_indirect_dma semaphore(%run_scoped3A : memref<!tpu.dma_semaphore, #tpu.memory_space<semaphore_mem>>) src(%arg10 : memref<128x128xf32, #tpu.memory_space<vmem>>) dst(%dma_wait3A_110 : memref<10240x128xf32, #tpu.memory_space<vmem_shared>>)
        tpu.yield
      }) : () -> ()
      %add3A_81 = arith.addi %mul3A_2, %min3A_61 : i32
      %mul3A_82 = arith.constant 128 : i32
      %mul3A_83 = arith.muli %add3A_81, %mul3A_82 : i32
      %dma_start3A_84 = tpu.memref_slice %arg3[%mul3A_83] : memref<327680xi32, #tpu.memory_space<hbm>> -> memref<128xi32, #tpu.memory_space<hbm>>
      %dma_start3A_85 = tpu.memref_slice %arg3[%mul3A_83] : memref<327680xi32, #tpu.memory_space<hbm>> -> memref<128xi32, #tpu.memory_space<hbm>>
      tpu.enqueue_dma source(%dma_start3A_85 : memref<128xi32, #tpu.memory_space<hbm>>) target(%arg6 : memref<128xi32, #tpu.memory_space<vmem>>) target_semaphore(%arg16 : memref<!tpu.dma_semaphore, #tpu.memory_space<semaphore_mem>>)
      %dma_start3A_86 = tpu.memref_slice %arg4[%mul3A_83] : memref<327680xi32, #tpu.memory_space<hbm>> -> memref<128xi32, #tpu.memory_space<hbm>>
      %dma_start3A_87 = tpu.memref_slice %arg4[%mul3A_83] : memref<327680xi32, #tpu.memory_space<hbm>> -> memref<128xi32, #tpu.memory_space<hbm>>
      tpu.enqueue_dma source(%dma_start3A_87 : memref<128xi32, #tpu.memory_space<hbm>>) target(%arg8 : memref<128xi32, #tpu.memory_space<vmem>>) target_semaphore(%arg16 : memref<!tpu.dma_semaphore, #tpu.memory_space<semaphore_mem>>)
      %dma_wait3A_88 = arith.constant 0 : i32
      %dma_wait3A_89 = arith.constant 0 : i32
      %dma_wait3A_90 = tpu.memref_slice %arg2[%dma_wait3A_88, %dma_wait3A_89] : memref<10000x128xf32, #tpu.memory_space<hbm>> -> memref<10000x128xf32, #tpu.memory_space<hbm>>
      tpu.wait_indirect_dma semaphore(%arg15 : memref<!tpu.dma_semaphore, #tpu.memory_space<semaphore_mem>>) src(%dma_wait3A_90 : memref<10000x128xf32, #tpu.memory_space<hbm>>) dst(%arg11 : memref<128x128xf32, #tpu.memory_space<vmem>>)
      %dma_wait3A_91 = tpu.memref_slice %arg3[%mul3A_83] : memref<327680xi32, #tpu.memory_space<hbm>> -> memref<128xi32, #tpu.memory_space<hbm>>
      %dma_wait3A_92 = tpu.memref_slice %arg3[%mul3A_83] : memref<327680xi32, #tpu.memory_space<hbm>> -> memref<128xi32, #tpu.memory_space<hbm>>
      tpu.wait_dma2 semaphore(%arg16 : memref<!tpu.dma_semaphore, #tpu.memory_space<semaphore_mem>>) src(%dma_wait3A_92 : memref<128xi32, #tpu.memory_space<hbm>>) dst(%arg6 : memref<128xi32, #tpu.memory_space<vmem>>)
      %dma_wait3A_93 = tpu.memref_slice %arg4[%mul3A_83] : memref<327680xi32, #tpu.memory_space<hbm>> -> memref<128xi32, #tpu.memory_space<hbm>>
      %dma_wait3A_94 = tpu.memref_slice %arg4[%mul3A_83] : memref<327680xi32, #tpu.memory_space<hbm>> -> memref<128xi32, #tpu.memory_space<hbm>>
      tpu.wait_dma2 semaphore(%arg16 : memref<!tpu.dma_semaphore, #tpu.memory_space<semaphore_mem>>) src(%dma_wait3A_94 : memref<128xi32, #tpu.memory_space<hbm>>) dst(%arg8 : memref<128xi32, #tpu.memory_space<vmem>>)
      %dma_start3A_95 = arith.constant 0 : i32
      %dma_start3A_96 = arith.constant 0 : i32
      %dma_start3A_97 = tpu.memref_slice %arg2[%dma_start3A_95, %dma_start3A_96] : memref<10000x128xf32, #tpu.memory_space<hbm>> -> memref<10000x128xf32, #tpu.memory_space<hbm>>
      tpu.enqueue_indirect_dma source(%dma_start3A_97 : memref<10000x128xf32, #tpu.memory_space<hbm>>) target(%arg10 : memref<128x128xf32, #tpu.memory_space<vmem>>) offsets(%arg6 : memref<128xi32, #tpu.memory_space<vmem>>) semaphore(%arg14 : memref<!tpu.dma_semaphore, #tpu.memory_space<semaphore_mem>>)
      "tpu.region"() ({
        %run_scoped3A = tpu.sem_alloc : memref<!tpu.dma_semaphore, #tpu.memory_space<semaphore_mem>>
        %dma_start3A_105 = arith.constant 0 : i32
        %dma_start3A_106 = arith.constant 0 : i32
        %dma_start3A_107 = tpu.memref_slice %arg13[%dma_start3A_105, %dma_start3A_106] : memref<10240x128xf32, #tpu.memory_space<vmem_shared>> -> memref<10240x128xf32, #tpu.memory_space<vmem_shared>>
        tpu.enqueue_indirect_dma source(%arg11 : memref<128x128xf32, #tpu.memory_space<vmem>>) target(%dma_start3A_107 : memref<10240x128xf32, #tpu.memory_space<vmem_shared>>) offsets(%arg9 : memref<128xi32, #tpu.memory_space<vmem>>) semaphore(%run_scoped3A : memref<!tpu.dma_semaphore, #tpu.memory_space<semaphore_mem>>) {add = true}
        %dma_wait3A_108 = arith.constant 0 : i32
        %dma_wait3A_109 = arith.constant 0 : i32
        %dma_wait3A_110 = tpu.memref_slice %arg13[%dma_wait3A_108, %dma_wait3A_109] : memref<10240x128xf32, #tpu.memory_space<vmem_shared>> -> memref<10240x128xf32, #tpu.memory_space<vmem_shared>>
        tpu.wait_indirect_dma semaphore(%run_scoped3A : memref<!tpu.dma_semaphore, #tpu.memory_space<semaphore_mem>>) src(%arg11 : memref<128x128xf32, #tpu.memory_space<vmem>>) dst(%dma_wait3A_110 : memref<10240x128xf32, #tpu.memory_space<vmem_shared>>)
        tpu.yield
      }) : () -> ()
      %add3A_98 = arith.addi %mul3A_2, %min3A_65 : i32
      %mul3A_99 = arith.constant 128 : i32
      %mul3A_100 = arith.muli %add3A_98, %mul3A_99 : i32
      %dma_start3A_101 = tpu.memref_slice %arg3[%mul3A_100] : memref<327680xi32, #tpu.memory_space<hbm>> -> memref<128xi32, #tpu.memory_space<hbm>>
      %dma_start3A_102 = tpu.memref_slice %arg3[%mul3A_100] : memref<327680xi32, #tpu.memory_space<hbm>> -> memref<128xi32, #tpu.memory_space<hbm>>
      tpu.enqueue_dma source(%dma_start3A_102 : memref<128xi32, #tpu.memory_space<hbm>>) target(%arg7 : memref<128xi32, #tpu.memory_space<vmem>>) target_semaphore(%arg17 : memref<!tpu.dma_semaphore, #tpu.memory_space<semaphore_mem>>)
      %dma_start3A_103 = tpu.memref_slice %arg4[%mul3A_100] : memref<327680xi32, #tpu.memory_space<hbm>> -> memref<128xi32, #tpu.memory_space<hbm>>
      %dma_start3A_104 = tpu.memref_slice %arg4[%mul3A_100] : memref<327680xi32, #tpu.memory_space<hbm>> -> memref<128xi32, #tpu.memory_space<hbm>>
      tpu.enqueue_dma source(%dma_start3A_104 : memref<128xi32, #tpu.memory_space<hbm>>) target(%arg9 : memref<128xi32, #tpu.memory_space<vmem>>) target_semaphore(%arg17 : memref<!tpu.dma_semaphore, #tpu.memory_space<semaphore_mem>>)
    }
    %scan3A_39 = arith.constant 40 : i32
    %dma_wait3A_40 = arith.constant 0 : i32
    %dma_wait3A_41 = arith.constant 0 : i32
    %dma_wait3A_42 = tpu.memref_slice %arg2[%dma_wait3A_40, %dma_wait3A_41] : memref<10000x128xf32, #tpu.memory_space<hbm>> -> memref<10000x128xf32, #tpu.memory_space<hbm>>
    tpu.wait_indirect_dma semaphore(%arg14 : memref<!tpu.dma_semaphore, #tpu.memory_space<semaphore_mem>>) src(%dma_wait3A_42 : memref<10000x128xf32, #tpu.memory_space<hbm>>) dst(%arg10 : memref<128x128xf32, #tpu.memory_space<vmem>>)
    %add3A_43 = arith.constant 79 : i32
    %add3A_44 = arith.addi %mul3A_2, %add3A_43 : i32
    %mul3A_45 = arith.constant 128 : i32
    %mul3A_46 = arith.muli %add3A_44, %mul3A_45 : i32
    %dma_wait3A_47 = tpu.memref_slice %arg3[%mul3A_46] : memref<327680xi32, #tpu.memory_space<hbm>> -> memref<128xi32, #tpu.memory_space<hbm>>
    %dma_wait3A_48 = tpu.memref_slice %arg3[%mul3A_46] : memref<327680xi32, #tpu.memory_space<hbm>> -> memref<128xi32, #tpu.memory_space<hbm>>
    tpu.wait_dma2 semaphore(%arg17 : memref<!tpu.dma_semaphore, #tpu.memory_space<semaphore_mem>>) src(%dma_wait3A_48 : memref<128xi32, #tpu.memory_space<hbm>>) dst(%arg7 : memref<128xi32, #tpu.memory_space<vmem>>)
    %dma_wait3A_49 = tpu.memref_slice %arg4[%mul3A_46] : memref<327680xi32, #tpu.memory_space<hbm>> -> memref<128xi32, #tpu.memory_space<hbm>>
    %dma_wait3A_50 = tpu.memref_slice %arg4[%mul3A_46] : memref<327680xi32, #tpu.memory_space<hbm>> -> memref<128xi32, #tpu.memory_space<hbm>>
    tpu.wait_dma2 semaphore(%arg17 : memref<!tpu.dma_semaphore, #tpu.memory_space<semaphore_mem>>) src(%dma_wait3A_50 : memref<128xi32, #tpu.memory_space<hbm>>) dst(%arg9 : memref<128xi32, #tpu.memory_space<vmem>>)
    %barrier3A_51 = arith.constant 0 : index
    tpu.barrier barrier_id(%barrier3A_51)
    "tpu.region"() ({
      %run_scoped3A = tpu.sem_alloc : memref<!tpu.dma_semaphore, #tpu.memory_space<semaphore_mem>>
      %dma_start3A_52 = arith.constant 0 : i32
      %dma_start3A_53 = arith.constant 0 : i32
      %dma_start3A_54 = tpu.memref_slice %arg5[%arg0, %dma_start3A_52, %dma_start3A_53] : memref<2x10240x128xf32, #tpu.memory_space<hbm>> -> memref<1x10240x128xf32, #tpu.memory_space<hbm>>
      %dma_start3A_55 = tpu.memref_squeeze %dma_start3A_54 : memref<1x10240x128xf32, #tpu.memory_space<hbm>> -> memref<10240x128xf32, #tpu.memory_space<hbm>>
      %dma_start3A_56 = arith.constant 0 : i32
      %dma_start3A_57 = tpu.memref_slice %dma_start3A_55[%mul3A_8, %dma_start3A_56] : memref<10240x128xf32, #tpu.memory_space<hbm>> -> memref<640x128xf32, #tpu.memory_space<hbm>>
      %dma_start3A_58 = arith.constant 0 : i32
      %dma_start3A_59 = tpu.memref_slice %arg13[%mul3A_8, %dma_start3A_58] : memref<10240x128xf32, #tpu.memory_space<vmem_shared>> -> memref<640x128xf32, #tpu.memory_space<vmem_shared>>
      tpu.enqueue_dma source(%dma_start3A_59 : memref<640x128xf32, #tpu.memory_space<vmem_shared>>) target(%dma_start3A_57 : memref<640x128xf32, #tpu.memory_space<hbm>>) target_semaphore(%run_scoped3A : memref<!tpu.dma_semaphore, #tpu.memory_space<semaphore_mem>>)
      %dma_wait3A_60 = arith.constant 0 : i32
      %dma_wait3A_61 = arith.constant 0 : i32
      %dma_wait3A_62 = tpu.memref_slice %arg5[%arg0, %dma_wait3A_60, %dma_wait3A_61] : memref<2x10240x128xf32, #tpu.memory_space<hbm>> -> memref<1x10240x128xf32, #tpu.memory_space<hbm>>
      %dma_wait3A_63 = tpu.memref_squeeze %dma_wait3A_62 : memref<1x10240x128xf32, #tpu.memory_space<hbm>> -> memref<10240x128xf32, #tpu.memory_space<hbm>>
      %dma_wait3A_64 = arith.constant 0 : i32
      %dma_wait3A_65 = tpu.memref_slice %dma_wait3A_63[%mul3A_8, %dma_wait3A_64] : memref<10240x128xf32, #tpu.memory_space<hbm>> -> memref<640x128xf32, #tpu.memory_space<hbm>>
      %dma_wait3A_66 = arith.constant 0 : i32
      %dma_wait3A_67 = tpu.memref_slice %arg13[%mul3A_8, %dma_wait3A_66] : memref<10240x128xf32, #tpu.memory_space<vmem_shared>> -> memref<640x128xf32, #tpu.memory_space<vmem_shared>>
      tpu.wait_dma2 semaphore(%run_scoped3A : memref<!tpu.dma_semaphore, #tpu.memory_space<semaphore_mem>>) src(%dma_wait3A_67 : memref<640x128xf32, #tpu.memory_space<vmem_shared>>) dst(%dma_wait3A_65 : memref<640x128xf32, #tpu.memory_space<hbm>>)
      tpu.yield
    }) : () -> ()
    return
  }
}

#map = affine_map<(d0, d1) -> (0, 0)>
#map1 = affine_map<(d0, d1) -> (0)>
#map2 = affine_map<(d0, d1) -> (0, 0, 0)>
module attributes {stable_mosaic.version = 14 : i64} {
  func.func @sc_agg(%arg0: i32, %arg1: i32, %arg2: memref<10000x128xf32, #tpu.memory_space<hbm>>, %arg3: memref<327680xi32, #tpu.memory_space<hbm>>, %arg4: memref<327680xi32, #tpu.memory_space<hbm>>, %arg5: memref<2x10240x128xf32, #tpu.memory_space<hbm>>, %arg6: memref<128xi32, #tpu.memory_space<vmem>>, %arg7: memref<128xi32, #tpu.memory_space<vmem>>, %arg8: memref<128xi32, #tpu.memory_space<vmem>>, %arg9: memref<128xi32, #tpu.memory_space<vmem>>, %arg10: memref<128x128xf32, #tpu.memory_space<vmem>>, %arg11: memref<128x128xf32, #tpu.memory_space<vmem>>, %arg12: memref<64x128xf32, #tpu.memory_space<vmem>>, %arg13: memref<10240x128xf32, #tpu.memory_space<vmem_shared>>, %arg14: memref<!tpu.dma_semaphore, #tpu.memory_space<semaphore_mem>>, %arg15: memref<!tpu.dma_semaphore, #tpu.memory_space<semaphore_mem>>, %arg16: memref<!tpu.dma_semaphore, #tpu.memory_space<semaphore_mem>>, %arg17: memref<!tpu.dma_semaphore, #tpu.memory_space<semaphore_mem>>) attributes {dimension_semantics = [#tpu.dimension_semantics<core_parallel>, #tpu.dimension_semantics<subcore_parallel>], iteration_bounds = array<i64: 2, 16>, scalar_prefetch = 0 : i64, scratch_operands = 12 : i64, tpu.core_type = #tpu.core_type<sc_vector_subcore>, window_params = [{transform_indices = #map}, {transform_indices = #map1}, {transform_indices = #map1}, {transform_indices = #map2}]} {
    %mul3A = arith.constant 16 : i32
    %mul3A_0 = arith.muli %arg0, %mul3A : i32
    %add3A = arith.addi %mul3A_0, %arg1 : i32
    %mul3A_1 = arith.constant 80 : i32
    %mul3A_2 = arith.muli %add3A, %mul3A_1 : i32
    %scan3A = arith.constant 0 : i32
    %scan3A_3 = arith.constant 64 : i32
    %scan3A_4 = arith.addi %scan3A, %scan3A_3 : i32
    %scan3A_5 = arith.constant 1 : i32
    scf.for %scan3A_52 = %scan3A to %scan3A_4 step %scan3A_5  : i32 {
      %mul3A_53 = arith.constant 1 : i32
      %mul3A_54 = arith.muli %scan3A_52, %mul3A_53 : i32
      %add3A_55 = arith.constant 0 : i32
      %add3A_56 = arith.addi %add3A_55, %mul3A_54 : i32
      %scan3A_57 = arith.constant 0 : i32
      %scan3A_58 = arith.constant 8 : i32
      %scan3A_59 = arith.addi %scan3A_57, %scan3A_58 : i32
      %scan3A_60 = arith.constant 1 : i32
      scf.for %scan3A_62 = %scan3A_57 to %scan3A_59 step %scan3A_60  : i32 {
        %mul3A_63 = arith.constant 1 : i32
        %mul3A_64 = arith.muli %scan3A_62, %mul3A_63 : i32
        %add3A_65 = arith.constant 0 : i32
        %add3A_66 = arith.addi %add3A_65, %mul3A_64 : i32
        %broadcast_in_dim3A = arith.constant 0.000000e+00 : f32
        %broadcast_in_dim3A_67 = vector.broadcast %broadcast_in_dim3A : f32 to vector<16xf32>
        %mul3A_68 = arith.constant 16 : i32
        %mul3A_69 = arith.muli %add3A_66, %mul3A_68 : i32
        %swap3A = arith.index_cast %add3A_56 : i32 to index
        %swap3A_70 = arith.index_cast %mul3A_69 : i32 to index
        %swap3A_71 = tpu.vector_load %arg12[%swap3A, %swap3A_70] {strides = array<i32>} : memref<64x128xf32, #tpu.memory_space<vmem>>, vector<1x16xf32>,
        %swap3A_72 = vector.shape_cast %swap3A_71 : vector<1x16xf32> to vector<16xf32>
        %swap3A_73 = vector.shape_cast %broadcast_in_dim3A_67 : vector<16xf32> to vector<1x16xf32>
        tpu.vector_store %arg12[%swap3A, %swap3A_70], %swap3A_73 {strides = array<i32>} : memref<64x128xf32, #tpu.memory_space<vmem>>, vector<1x16xf32>,
      }
      %scan3A_61 = arith.constant 8 : i32
    }
    %scan3A_6 = arith.constant 64 : i32
    %mul3A_7 = arith.constant 640 : i32
    %mul3A_8 = arith.muli %arg1, %mul3A_7 : i32
    %scan3A_9 = arith.constant 0 : i32
    %scan3A_10 = arith.constant 10 : i32
    %scan3A_11 = arith.addi %scan3A_9, %scan3A_10 : i32
    %scan3A_12 = arith.constant 1 : i32
    scf.for %scan3A_52 = %scan3A_9 to %scan3A_11 step %scan3A_12  : i32 {
      %mul3A_53 = arith.constant 1 : i32
      %mul3A_54 = arith.muli %scan3A_52, %mul3A_53 : i32
      %add3A_55 = arith.constant 0 : i32
      %add3A_56 = arith.addi %add3A_55, %mul3A_54 : i32
      %mul3A_57 = arith.constant 64 : i32
      %mul3A_58 = arith.muli %add3A_56, %mul3A_57 : i32
      %add3A_59 = arith.addi %mul3A_8, %mul3A_58 : i32
      "tpu.region"() ({
        %run_scoped3A = tpu.sem_alloc : memref<!tpu.dma_semaphore, #tpu.memory_space<semaphore_mem>>
        %dma_start3A_60 = arith.constant 0 : i32
        %dma_start3A_61 = tpu.memref_slice %arg13[%add3A_59, %dma_start3A_60] : memref<10240x128xf32, #tpu.memory_space<vmem_shared>> -> memref<64x128xf32, #tpu.memory_space<vmem_shared>>
        %dma_start3A_62 = arith.constant 0 : i32
        %dma_start3A_63 = tpu.memref_slice %arg13[%add3A_59, %dma_start3A_62] : memref<10240x128xf32, #tpu.memory_space<vmem_shared>> -> memref<64x128xf32, #tpu.memory_space<vmem_shared>>
        tpu.enqueue_dma source(%arg12 : memref<64x128xf32, #tpu.memory_space<vmem>>) target(%dma_start3A_63 : memref<64x128xf32, #tpu.memory_space<vmem_shared>>) target_semaphore(%run_scoped3A : memref<!tpu.dma_semaphore, #tpu.memory_space<semaphore_mem>>)
        %dma_wait3A_64 = arith.constant 0 : i32
        %dma_wait3A_65 = tpu.memref_slice %arg13[%add3A_59, %dma_wait3A_64] : memref<10240x128xf32, #tpu.memory_space<vmem_shared>> -> memref<64x128xf32, #tpu.memory_space<vmem_shared>>
        %dma_wait3A_66 = arith.constant 0 : i32
        %dma_wait3A_67 = tpu.memref_slice %arg13[%add3A_59, %dma_wait3A_66] : memref<10240x128xf32, #tpu.memory_space<vmem_shared>> -> memref<64x128xf32, #tpu.memory_space<vmem_shared>>
        tpu.wait_dma2 semaphore(%run_scoped3A : memref<!tpu.dma_semaphore, #tpu.memory_space<semaphore_mem>>) src(%arg12 : memref<64x128xf32, #tpu.memory_space<vmem>>) dst(%dma_wait3A_67 : memref<64x128xf32, #tpu.memory_space<vmem_shared>>)
        tpu.yield
      }) : () -> ()
    }
    %scan3A_13 = arith.constant 10 : i32
    %barrier3A = arith.constant 0 : index
    tpu.barrier barrier_id(%barrier3A)
    %add3A_14 = arith.constant 0 : i32
    %add3A_15 = arith.addi %mul3A_2, %add3A_14 : i32
    %mul3A_16 = arith.constant 128 : i32
    %mul3A_17 = arith.muli %add3A_15, %mul3A_16 : i32
    %dma_start3A = tpu.memref_slice %arg3[%mul3A_17] : memref<327680xi32, #tpu.memory_space<hbm>> -> memref<128xi32, #tpu.memory_space<hbm>>
    %dma_start3A_18 = tpu.memref_slice %arg3[%mul3A_17] : memref<327680xi32, #tpu.memory_space<hbm>> -> memref<128xi32, #tpu.memory_space<hbm>>
    tpu.enqueue_dma source(%dma_start3A_18 : memref<128xi32, #tpu.memory_space<hbm>>) target(%arg6 : memref<128xi32, #tpu.memory_space<vmem>>) target_semaphore(%arg16 : memref<!tpu.dma_semaphore, #tpu.memory_space<semaphore_mem>>)
    %dma_start3A_19 = tpu.memref_slice %arg4[%mul3A_17] : memref<327680xi32, #tpu.memory_space<hbm>> -> memref<128xi32, #tpu.memory_space<hbm>>
    %dma_start3A_20 = tpu.memref_slice %arg4[%mul3A_17] : memref<327680xi32, #tpu.memory_space<hbm>> -> memref<128xi32, #tpu.memory_space<hbm>>
    tpu.enqueue_dma source(%dma_start3A_20 : memref<128xi32, #tpu.memory_space<hbm>>) target(%arg8 : memref<128xi32, #tpu.memory_space<vmem>>) target_semaphore(%arg16 : memref<!tpu.dma_semaphore, #tpu.memory_space<semaphore_mem>>)
    %dma_wait3A = tpu.memref_slice %arg3[%mul3A_17] : memref<327680xi32, #tpu.memory_space<hbm>> -> memref<128xi32, #tpu.memory_space<hbm>>
    %dma_wait3A_21 = tpu.memref_slice %arg3[%mul3A_17] : memref<327680xi32, #tpu.memory_space<hbm>> -> memref<128xi32, #tpu.memory_space<hbm>>
    tpu.wait_dma2 semaphore(%arg16 : memref<!tpu.dma_semaphore, #tpu.memory_space<semaphore_mem>>) src(%dma_wait3A_21 : memref<128xi32, #tpu.memory_space<hbm>>) dst(%arg6 : memref<128xi32, #tpu.memory_space<vmem>>)
    %dma_wait3A_22 = tpu.memref_slice %arg4[%mul3A_17] : memref<327680xi32, #tpu.memory_space<hbm>> -> memref<128xi32, #tpu.memory_space<hbm>>
    %dma_wait3A_23 = tpu.memref_slice %arg4[%mul3A_17] : memref<327680xi32, #tpu.memory_space<hbm>> -> memref<128xi32, #tpu.memory_space<hbm>>
    tpu.wait_dma2 semaphore(%arg16 : memref<!tpu.dma_semaphore, #tpu.memory_space<semaphore_mem>>) src(%dma_wait3A_23 : memref<128xi32, #tpu.memory_space<hbm>>) dst(%arg8 : memref<128xi32, #tpu.memory_space<vmem>>)
    %dma_start3A_24 = arith.constant 0 : i32
    %dma_start3A_25 = arith.constant 0 : i32
    %dma_start3A_26 = tpu.memref_slice %arg2[%dma_start3A_24, %dma_start3A_25] : memref<10000x128xf32, #tpu.memory_space<hbm>> -> memref<10000x128xf32, #tpu.memory_space<hbm>>
    tpu.enqueue_indirect_dma source(%dma_start3A_26 : memref<10000x128xf32, #tpu.memory_space<hbm>>) target(%arg10 : memref<128x128xf32, #tpu.memory_space<vmem>>) offsets(%arg6 : memref<128xi32, #tpu.memory_space<vmem>>) semaphore(%arg14 : memref<!tpu.dma_semaphore, #tpu.memory_space<semaphore_mem>>)
    %add3A_27 = arith.constant 1 : i32
    %add3A_28 = arith.addi %mul3A_2, %add3A_27 : i32
    %mul3A_29 = arith.constant 128 : i32
    %mul3A_30 = arith.muli %add3A_28, %mul3A_29 : i32
    %dma_start3A_31 = tpu.memref_slice %arg3[%mul3A_30] : memref<327680xi32, #tpu.memory_space<hbm>> -> memref<128xi32, #tpu.memory_space<hbm>>
    %dma_start3A_32 = tpu.memref_slice %arg3[%mul3A_30] : memref<327680xi32, #tpu.memory_space<hbm>> -> memref<128xi32, #tpu.memory_space<hbm>>
    tpu.enqueue_dma source(%dma_start3A_32 : memref<128xi32, #tpu.memory_space<hbm>>) target(%arg7 : memref<128xi32, #tpu.memory_space<vmem>>) target_semaphore(%arg17 : memref<!tpu.dma_semaphore, #tpu.memory_space<semaphore_mem>>)
    %dma_start3A_33 = tpu.memref_slice %arg4[%mul3A_30] : memref<327680xi32, #tpu.memory_space<hbm>> -> memref<128xi32, #tpu.memory_space<hbm>>
    %dma_start3A_34 = tpu.memref_slice %arg4[%mul3A_30] : memref<327680xi32, #tpu.memory_space<hbm>> -> memref<128xi32, #tpu.memory_space<hbm>>
    tpu.enqueue_dma source(%dma_start3A_34 : memref<128xi32, #tpu.memory_space<hbm>>) target(%arg9 : memref<128xi32, #tpu.memory_space<vmem>>) target_semaphore(%arg17 : memref<!tpu.dma_semaphore, #tpu.memory_space<semaphore_mem>>)
    %scan3A_35 = arith.constant 0 : i32
    %scan3A_36 = arith.constant 40 : i32
    %scan3A_37 = arith.addi %scan3A_35, %scan3A_36 : i32
    %scan3A_38 = arith.constant 1 : i32
    scf.for %scan3A_52 = %scan3A_35 to %scan3A_37 step %scan3A_38  : i32 {
      %mul3A_53 = arith.constant 1 : i32
      %mul3A_54 = arith.muli %scan3A_52, %mul3A_53 : i32
      %add3A_55 = arith.constant 0 : i32
      %add3A_56 = arith.addi %add3A_55, %mul3A_54 : i32
      %mul3A_57 = arith.constant 2 : i32
      %mul3A_58 = arith.muli %mul3A_57, %add3A_56 : i32
      %add3A_59 = arith.constant 2 : i32
      %add3A_60 = arith.addi %mul3A_58, %add3A_59 : i32
      %min3A = arith.constant 79 : i32
      %min3A_61 = arith.minsi %add3A_60, %min3A : i32
      %add3A_62 = arith.constant 3 : i32
      %add3A_63 = arith.addi %mul3A_58, %add3A_62 : i32
      %min3A_64 = arith.constant 79 : i32
      %min3A_65 = arith.minsi %add3A_63, %min3A_64 : i32
      %add3A_66 = arith.constant 1 : i32
      %add3A_67 = arith.addi %mul3A_58, %add3A_66 : i32
      %add3A_68 = arith.addi %mul3A_2, %add3A_67 : i32
      %mul3A_69 = arith.constant 128 : i32
      %mul3A_70 = arith.muli %add3A_68, %mul3A_69 : i32
      %dma_wait3A_71 = tpu.memref_slice %arg3[%mul3A_70] : memref<327680xi32, #tpu.memory_space<hbm>> -> memref<128xi32, #tpu.memory_space<hbm>>
      %dma_wait3A_72 = tpu.memref_slice %arg3[%mul3A_70] : memref<327680xi32, #tpu.memory_space<hbm>> -> memref<128xi32, #tpu.memory_space<hbm>>
      tpu.wait_dma2 semaphore(%arg17 : memref<!tpu.dma_semaphore, #tpu.memory_space<semaphore_mem>>) src(%dma_wait3A_72 : memref<128xi32, #tpu.memory_space<hbm>>) dst(%arg7 : memref<128xi32, #tpu.memory_space<vmem>>)
      %dma_wait3A_73 = tpu.memref_slice %arg4[%mul3A_70] : memref<327680xi32, #tpu.memory_space<hbm>> -> memref<128xi32, #tpu.memory_space<hbm>>
      %dma_wait3A_74 = tpu.memref_slice %arg4[%mul3A_70] : memref<327680xi32, #tpu.memory_space<hbm>> -> memref<128xi32, #tpu.memory_space<hbm>>
      tpu.wait_dma2 semaphore(%arg17 : memref<!tpu.dma_semaphore, #tpu.memory_space<semaphore_mem>>) src(%dma_wait3A_74 : memref<128xi32, #tpu.memory_space<hbm>>) dst(%arg9 : memref<128xi32, #tpu.memory_space<vmem>>)
      %dma_wait3A_75 = arith.constant 0 : i32
      %dma_wait3A_76 = arith.constant 0 : i32
      %dma_wait3A_77 = tpu.memref_slice %arg2[%dma_wait3A_75, %dma_wait3A_76] : memref<10000x128xf32, #tpu.memory_space<hbm>> -> memref<10000x128xf32, #tpu.memory_space<hbm>>
      tpu.wait_indirect_dma semaphore(%arg14 : memref<!tpu.dma_semaphore, #tpu.memory_space<semaphore_mem>>) src(%dma_wait3A_77 : memref<10000x128xf32, #tpu.memory_space<hbm>>) dst(%arg10 : memref<128x128xf32, #tpu.memory_space<vmem>>)
      %dma_start3A_78 = arith.constant 0 : i32
      %dma_start3A_79 = arith.constant 0 : i32
      %dma_start3A_80 = tpu.memref_slice %arg2[%dma_start3A_78, %dma_start3A_79] : memref<10000x128xf32, #tpu.memory_space<hbm>> -> memref<10000x128xf32, #tpu.memory_space<hbm>>
      tpu.enqueue_indirect_dma source(%dma_start3A_80 : memref<10000x128xf32, #tpu.memory_space<hbm>>) target(%arg11 : memref<128x128xf32, #tpu.memory_space<vmem>>) offsets(%arg7 : memref<128xi32, #tpu.memory_space<vmem>>) semaphore(%arg15 : memref<!tpu.dma_semaphore, #tpu.memory_space<semaphore_mem>>)
      "tpu.region"() ({
        %run_scoped3A = tpu.sem_alloc : memref<!tpu.dma_semaphore, #tpu.memory_space<semaphore_mem>>
        %dma_start3A_105 = arith.constant 0 : i32
        %dma_start3A_106 = arith.constant 0 : i32
        %dma_start3A_107 = tpu.memref_slice %arg13[%dma_start3A_105, %dma_start3A_106] : memref<10240x128xf32, #tpu.memory_space<vmem_shared>> -> memref<10240x128xf32, #tpu.memory_space<vmem_shared>>
        tpu.enqueue_indirect_dma source(%arg10 : memref<128x128xf32, #tpu.memory_space<vmem>>) target(%dma_start3A_107 : memref<10240x128xf32, #tpu.memory_space<vmem_shared>>) offsets(%arg8 : memref<128xi32, #tpu.memory_space<vmem>>) semaphore(%run_scoped3A : memref<!tpu.dma_semaphore, #tpu.memory_space<semaphore_mem>>) {add = true}
        %dma_wait3A_108 = arith.constant 0 : i32
        %dma_wait3A_109 = arith.constant 0 : i32
        %dma_wait3A_110 = tpu.memref_slice %arg13[%dma_wait3A_108, %dma_wait3A_109] : memref<10240x128xf32, #tpu.memory_space<vmem_shared>> -> memref<10240x128xf32, #tpu.memory_space<vmem_shared>>
        tpu.wait_indirect_dma semaphore(%run_scoped3A : memref<!tpu.dma_semaphore, #tpu.memory_space<semaphore_mem>>) src(%arg10 : memref<128x128xf32, #tpu.memory_space<vmem>>) dst(%dma_wait3A_110 : memref<10240x128xf32, #tpu.memory_space<vmem_shared>>)
        tpu.yield
      }) : () -> ()
      %add3A_81 = arith.addi %mul3A_2, %min3A_61 : i32
      %mul3A_82 = arith.constant 128 : i32
      %mul3A_83 = arith.muli %add3A_81, %mul3A_82 : i32
      %dma_start3A_84 = tpu.memref_slice %arg3[%mul3A_83] : memref<327680xi32, #tpu.memory_space<hbm>> -> memref<128xi32, #tpu.memory_space<hbm>>
      %dma_start3A_85 = tpu.memref_slice %arg3[%mul3A_83] : memref<327680xi32, #tpu.memory_space<hbm>> -> memref<128xi32, #tpu.memory_space<hbm>>
      tpu.enqueue_dma source(%dma_start3A_85 : memref<128xi32, #tpu.memory_space<hbm>>) target(%arg6 : memref<128xi32, #tpu.memory_space<vmem>>) target_semaphore(%arg16 : memref<!tpu.dma_semaphore, #tpu.memory_space<semaphore_mem>>)
      %dma_start3A_86 = tpu.memref_slice %arg4[%mul3A_83] : memref<327680xi32, #tpu.memory_space<hbm>> -> memref<128xi32, #tpu.memory_space<hbm>>
      %dma_start3A_87 = tpu.memref_slice %arg4[%mul3A_83] : memref<327680xi32, #tpu.memory_space<hbm>> -> memref<128xi32, #tpu.memory_space<hbm>>
      tpu.enqueue_dma source(%dma_start3A_87 : memref<128xi32, #tpu.memory_space<hbm>>) target(%arg8 : memref<128xi32, #tpu.memory_space<vmem>>) target_semaphore(%arg16 : memref<!tpu.dma_semaphore, #tpu.memory_space<semaphore_mem>>)
      %dma_wait3A_88 = arith.constant 0 : i32
      %dma_wait3A_89 = arith.constant 0 : i32
      %dma_wait3A_90 = tpu.memref_slice %arg2[%dma_wait3A_88, %dma_wait3A_89] : memref<10000x128xf32, #tpu.memory_space<hbm>> -> memref<10000x128xf32, #tpu.memory_space<hbm>>
      tpu.wait_indirect_dma semaphore(%arg15 : memref<!tpu.dma_semaphore, #tpu.memory_space<semaphore_mem>>) src(%dma_wait3A_90 : memref<10000x128xf32, #tpu.memory_space<hbm>>) dst(%arg11 : memref<128x128xf32, #tpu.memory_space<vmem>>)
      %dma_wait3A_91 = tpu.memref_slice %arg3[%mul3A_83] : memref<327680xi32, #tpu.memory_space<hbm>> -> memref<128xi32, #tpu.memory_space<hbm>>
      %dma_wait3A_92 = tpu.memref_slice %arg3[%mul3A_83] : memref<327680xi32, #tpu.memory_space<hbm>> -> memref<128xi32, #tpu.memory_space<hbm>>
      tpu.wait_dma2 semaphore(%arg16 : memref<!tpu.dma_semaphore, #tpu.memory_space<semaphore_mem>>) src(%dma_wait3A_92 : memref<128xi32, #tpu.memory_space<hbm>>) dst(%arg6 : memref<128xi32, #tpu.memory_space<vmem>>)
      %dma_wait3A_93 = tpu.memref_slice %arg4[%mul3A_83] : memref<327680xi32, #tpu.memory_space<hbm>> -> memref<128xi32, #tpu.memory_space<hbm>>
      %dma_wait3A_94 = tpu.memref_slice %arg4[%mul3A_83] : memref<327680xi32, #tpu.memory_space<hbm>> -> memref<128xi32, #tpu.memory_space<hbm>>
      tpu.wait_dma2 semaphore(%arg16 : memref<!tpu.dma_semaphore, #tpu.memory_space<semaphore_mem>>) src(%dma_wait3A_94 : memref<128xi32, #tpu.memory_space<hbm>>) dst(%arg8 : memref<128xi32, #tpu.memory_space<vmem>>)
      %dma_start3A_95 = arith.constant 0 : i32
      %dma_start3A_96 = arith.constant 0 : i32
      %dma_start3A_97 = tpu.memref_slice %arg2[%dma_start3A_95, %dma_start3A_96] : memref<10000x128xf32, #tpu.memory_space<hbm>> -> memref<10000x128xf32, #tpu.memory_space<hbm>>
      tpu.enqueue_indirect_dma source(%dma_start3A_97 : memref<10000x128xf32, #tpu.memory_space<hbm>>) target(%arg10 : memref<128x128xf32, #tpu.memory_space<vmem>>) offsets(%arg6 : memref<128xi32, #tpu.memory_space<vmem>>) semaphore(%arg14 : memref<!tpu.dma_semaphore, #tpu.memory_space<semaphore_mem>>)
      "tpu.region"() ({
        %run_scoped3A = tpu.sem_alloc : memref<!tpu.dma_semaphore, #tpu.memory_space<semaphore_mem>>
        %dma_start3A_105 = arith.constant 0 : i32
        %dma_start3A_106 = arith.constant 0 : i32
        %dma_start3A_107 = tpu.memref_slice %arg13[%dma_start3A_105, %dma_start3A_106] : memref<10240x128xf32, #tpu.memory_space<vmem_shared>> -> memref<10240x128xf32, #tpu.memory_space<vmem_shared>>
        tpu.enqueue_indirect_dma source(%arg11 : memref<128x128xf32, #tpu.memory_space<vmem>>) target(%dma_start3A_107 : memref<10240x128xf32, #tpu.memory_space<vmem_shared>>) offsets(%arg9 : memref<128xi32, #tpu.memory_space<vmem>>) semaphore(%run_scoped3A : memref<!tpu.dma_semaphore, #tpu.memory_space<semaphore_mem>>) {add = true}
        %dma_wait3A_108 = arith.constant 0 : i32
        %dma_wait3A_109 = arith.constant 0 : i32
        %dma_wait3A_110 = tpu.memref_slice %arg13[%dma_wait3A_108, %dma_wait3A_109] : memref<10240x128xf32, #tpu.memory_space<vmem_shared>> -> memref<10240x128xf32, #tpu.memory_space<vmem_shared>>
        tpu.wait_indirect_dma semaphore(%run_scoped3A : memref<!tpu.dma_semaphore, #tpu.memory_space<semaphore_mem>>) src(%arg11 : memref<128x128xf32, #tpu.memory_space<vmem>>) dst(%dma_wait3A_110 : memref<10240x128xf32, #tpu.memory_space<vmem_shared>>)
        tpu.yield
      }) : () -> ()
      %add3A_98 = arith.addi %mul3A_2, %min3A_65 : i32
      %mul3A_99 = arith.constant 128 : i32
      %mul3A_100 = arith.muli %add3A_98, %mul3A_99 : i32
      %dma_start3A_101 = tpu.memref_slice %arg3[%mul3A_100] : memref<327680xi32, #tpu.memory_space<hbm>> -> memref<128xi32, #tpu.memory_space<hbm>>
      %dma_start3A_102 = tpu.memref_slice %arg3[%mul3A_100] : memref<327680xi32, #tpu.memory_space<hbm>> -> memref<128xi32, #tpu.memory_space<hbm>>
      tpu.enqueue_dma source(%dma_start3A_102 : memref<128xi32, #tpu.memory_space<hbm>>) target(%arg7 : memref<128xi32, #tpu.memory_space<vmem>>) target_semaphore(%arg17 : memref<!tpu.dma_semaphore, #tpu.memory_space<semaphore_mem>>)
      %dma_start3A_103 = tpu.memref_slice %arg4[%mul3A_100] : memref<327680xi32, #tpu.memory_space<hbm>> -> memref<128xi32, #tpu.memory_space<hbm>>
      %dma_start3A_104 = tpu.memref_slice %arg4[%mul3A_100] : memref<327680xi32, #tpu.memory_space<hbm>> -> memref<128xi32, #tpu.memory_space<hbm>>
      tpu.enqueue_dma source(%dma_start3A_104 : memref<128xi32, #tpu.memory_space<hbm>>) target(%arg9 : memref<128xi32, #tpu.memory_space<vmem>>) target_semaphore(%arg17 : memref<!tpu.dma_semaphore, #tpu.memory_space<semaphore_mem>>)
    }
    %scan3A_39 = arith.constant 40 : i32
    %dma_wait3A_40 = arith.constant 0 : i32
    %dma_wait3A_41 = arith.constant 0 : i32
    %dma_wait3A_42 = tpu.memref_slice %arg2[%dma_wait3A_40, %dma_wait3A_41] : memref<10000x128xf32, #tpu.memory_space<hbm>> -> memref<10000x128xf32, #tpu.memory_space<hbm>>
    tpu.wait_indirect_dma semaphore(%arg14 : memref<!tpu.dma_semaphore, #tpu.memory_space<semaphore_mem>>) src(%dma_wait3A_42 : memref<10000x128xf32, #tpu.memory_space<hbm>>) dst(%arg10 : memref<128x128xf32, #tpu.memory_space<vmem>>)
    %add3A_43 = arith.constant 79 : i32
    %add3A_44 = arith.addi %mul3A_2, %add3A_43 : i32
    %mul3A_45 = arith.constant 128 : i32
    %mul3A_46 = arith.muli %add3A_44, %mul3A_45 : i32
    %dma_wait3A_47 = tpu.memref_slice %arg3[%mul3A_46] : memref<327680xi32, #tpu.memory_space<hbm>> -> memref<128xi32, #tpu.memory_space<hbm>>
    %dma_wait3A_48 = tpu.memref_slice %arg3[%mul3A_46] : memref<327680xi32, #tpu.memory_space<hbm>> -> memref<128xi32, #tpu.memory_space<hbm>>
    tpu.wait_dma2 semaphore(%arg17 : memref<!tpu.dma_semaphore, #tpu.memory_space<semaphore_mem>>) src(%dma_wait3A_48 : memref<128xi32, #tpu.memory_space<hbm>>) dst(%arg7 : memref<128xi32, #tpu.memory_space<vmem>>)
    %dma_wait3A_49 = tpu.memref_slice %arg4[%mul3A_46] : memref<327680xi32, #tpu.memory_space<hbm>> -> memref<128xi32, #tpu.memory_space<hbm>>
    %dma_wait3A_50 = tpu.memref_slice %arg4[%mul3A_46] : memref<327680xi32, #tpu.memory_space<hbm>> -> memref<128xi32, #tpu.memory_space<hbm>>
    tpu.wait_dma2 semaphore(%arg17 : memref<!tpu.dma_semaphore, #tpu.memory_space<semaphore_mem>>) src(%dma_wait3A_50 : memref<128xi32, #tpu.memory_space<hbm>>) dst(%arg9 : memref<128xi32, #tpu.memory_space<vmem>>)
    %barrier3A_51 = arith.constant 0 : index
    tpu.barrier barrier_id(%barrier3A_51)
    "tpu.region"() ({
      %run_scoped3A = tpu.sem_alloc : memref<!tpu.dma_semaphore, #tpu.memory_space<semaphore_mem>>
      %dma_start3A_52 = arith.constant 0 : i32
      %dma_start3A_53 = arith.constant 0 : i32
      %dma_start3A_54 = tpu.memref_slice %arg5[%arg0, %dma_start3A_52, %dma_start3A_53] : memref<2x10240x128xf32, #tpu.memory_space<hbm>> -> memref<1x10240x128xf32, #tpu.memory_space<hbm>>
      %dma_start3A_55 = tpu.memref_squeeze %dma_start3A_54 : memref<1x10240x128xf32, #tpu.memory_space<hbm>> -> memref<10240x128xf32, #tpu.memory_space<hbm>>
      %dma_start3A_56 = arith.constant 0 : i32
      %dma_start3A_57 = tpu.memref_slice %dma_start3A_55[%mul3A_8, %dma_start3A_56] : memref<10240x128xf32, #tpu.memory_space<hbm>> -> memref<640x128xf32, #tpu.memory_space<hbm>>
      %dma_start3A_58 = arith.constant 0 : i32
      %dma_start3A_59 = tpu.memref_slice %arg13[%mul3A_8, %dma_start3A_58] : memref<10240x128xf32, #tpu.memory_space<vmem_shared>> -> memref<640x128xf32, #tpu.memory_space<vmem_shared>>
      tpu.enqueue_dma source(%dma_start3A_59 : memref<640x128xf32, #tpu.memory_space<vmem_shared>>) target(%dma_start3A_57 : memref<640x128xf32, #tpu.memory_space<hbm>>) target_semaphore(%run_scoped3A : memref<!tpu.dma_semaphore, #tpu.memory_space<semaphore_mem>>)
      %dma_wait3A_60 = arith.constant 0 : i32
      %dma_wait3A_61 = arith.constant 0 : i32
      %dma_wait3A_62 = tpu.memref_slice %arg5[%arg0, %dma_wait3A_60, %dma_wait3A_61] : memref<2x10240x128xf32, #tpu.memory_space<hbm>> -> memref<1x10240x128xf32, #tpu.memory_space<hbm>>
      %dma_wait3A_63 = tpu.memref_squeeze %dma_wait3A_62 : memref<1x10240x128xf32, #tpu.memory_space<hbm>> -> memref<10240x128xf32, #tpu.memory_space<hbm>>
      %dma_wait3A_64 = arith.constant 0 : i32
      %dma_wait3A_65 = tpu.memref_slice %dma_wait3A_63[%mul3A_8, %dma_wait3A_64] : memref<10240x128xf32, #tpu.memory_space<hbm>> -> memref<640x128xf32, #tpu.memory_space<hbm>>
      %dma_wait3A_66 = arith.constant 0 : i32
      %dma_wait3A_67 = tpu.memref_slice %arg13[%mul3A_8, %dma_wait3A_66] : memref<10240x128xf32, #tpu.memory_space<vmem_shared>> -> memref<640x128xf32, #tpu.memory_space<vmem_shared>>
      tpu.wait_dma2 semaphore(%run_scoped3A : memref<!tpu.dma_semaphore, #tpu.memory_space<semaphore_mem>>) src(%dma_wait3A_67 : memref<640x128xf32, #tpu.memory_space<vmem_shared>>) dst(%dma_wait3A_65 : memref<640x128xf32, #tpu.memory_space<hbm>>)
      tpu.yield
    }) : () -> ()
    return
  }
}

#map = affine_map<(d0, d1) -> (0)>
#map1 = affine_map<(d0, d1) -> (0, 0, 0)>
module attributes {stable_mosaic.version = 14 : i64} {
  func.func @sc_count(%arg0: i32, %arg1: i32, %arg2: memref<327680xi32, #tpu.memory_space<hbm>>, %arg3: memref<2x10240x128xf32, #tpu.memory_space<hbm>>, %arg4: memref<128xi32, #tpu.memory_space<vmem>>, %arg5: memref<128x128xf32, #tpu.memory_space<vmem>>, %arg6: memref<64x128xf32, #tpu.memory_space<vmem>>, %arg7: memref<10240x128xf32, #tpu.memory_space<vmem_shared>>) attributes {dimension_semantics = [#tpu.dimension_semantics<core_parallel>, #tpu.dimension_semantics<subcore_parallel>], iteration_bounds = array<i64: 2, 16>, scalar_prefetch = 0 : i64, scratch_operands = 4 : i64, tpu.core_type = #tpu.core_type<sc_vector_subcore>, window_params = [{transform_indices = #map}, {transform_indices = #map1}]} {
    %mul3A = arith.constant 16 : i32
    %mul3A_0 = arith.muli %arg0, %mul3A : i32
    %add3A = arith.addi %mul3A_0, %arg1 : i32
    %mul3A_1 = arith.constant 80 : i32
    %mul3A_2 = arith.muli %add3A, %mul3A_1 : i32
    %scan3A = arith.constant 0 : i32
    %scan3A_3 = arith.constant 128 : i32
    %scan3A_4 = arith.addi %scan3A, %scan3A_3 : i32
    %scan3A_5 = arith.constant 1 : i32
    scf.for %scan3A_25 = %scan3A to %scan3A_4 step %scan3A_5  : i32 {
      %mul3A_26 = arith.constant 1 : i32
      %mul3A_27 = arith.muli %scan3A_25, %mul3A_26 : i32
      %add3A_28 = arith.constant 0 : i32
      %add3A_29 = arith.addi %add3A_28, %mul3A_27 : i32
      %scan3A_30 = arith.constant 0 : i32
      %scan3A_31 = arith.constant 8 : i32
      %scan3A_32 = arith.addi %scan3A_30, %scan3A_31 : i32
      %scan3A_33 = arith.constant 1 : i32
      scf.for %scan3A_35 = %scan3A_30 to %scan3A_32 step %scan3A_33  : i32 {
        %mul3A_36 = arith.constant 1 : i32
        %mul3A_37 = arith.muli %scan3A_35, %mul3A_36 : i32
        %add3A_38 = arith.constant 0 : i32
        %add3A_39 = arith.addi %add3A_38, %mul3A_37 : i32
        %broadcast_in_dim3A = arith.constant 1.000000e+00 : f32
        %broadcast_in_dim3A_40 = vector.broadcast %broadcast_in_dim3A : f32 to vector<16xf32>
        %mul3A_41 = arith.constant 16 : i32
        %mul3A_42 = arith.muli %add3A_39, %mul3A_41 : i32
        %swap3A = arith.index_cast %add3A_29 : i32 to index
        %swap3A_43 = arith.index_cast %mul3A_42 : i32 to index
        %swap3A_44 = tpu.vector_load %arg5[%swap3A, %swap3A_43] {strides = array<i32>} : memref<128x128xf32, #tpu.memory_space<vmem>>, vector<1x16xf32>,
        %swap3A_45 = vector.shape_cast %swap3A_44 : vector<1x16xf32> to vector<16xf32>
        %swap3A_46 = vector.shape_cast %broadcast_in_dim3A_40 : vector<16xf32> to vector<1x16xf32>
        tpu.vector_store %arg5[%swap3A, %swap3A_43], %swap3A_46 {strides = array<i32>} : memref<128x128xf32, #tpu.memory_space<vmem>>, vector<1x16xf32>,
      }
      %scan3A_34 = arith.constant 8 : i32
    }
    %scan3A_6 = arith.constant 128 : i32
    %scan3A_7 = arith.constant 0 : i32
    %scan3A_8 = arith.constant 64 : i32
    %scan3A_9 = arith.addi %scan3A_7, %scan3A_8 : i32
    %scan3A_10 = arith.constant 1 : i32
    scf.for %scan3A_25 = %scan3A_7 to %scan3A_9 step %scan3A_10  : i32 {
      %mul3A_26 = arith.constant 1 : i32
      %mul3A_27 = arith.muli %scan3A_25, %mul3A_26 : i32
      %add3A_28 = arith.constant 0 : i32
      %add3A_29 = arith.addi %add3A_28, %mul3A_27 : i32
      %scan3A_30 = arith.constant 0 : i32
      %scan3A_31 = arith.constant 8 : i32
      %scan3A_32 = arith.addi %scan3A_30, %scan3A_31 : i32
      %scan3A_33 = arith.constant 1 : i32
      scf.for %scan3A_35 = %scan3A_30 to %scan3A_32 step %scan3A_33  : i32 {
        %mul3A_36 = arith.constant 1 : i32
        %mul3A_37 = arith.muli %scan3A_35, %mul3A_36 : i32
        %add3A_38 = arith.constant 0 : i32
        %add3A_39 = arith.addi %add3A_38, %mul3A_37 : i32
        %broadcast_in_dim3A = arith.constant 0.000000e+00 : f32
        %broadcast_in_dim3A_40 = vector.broadcast %broadcast_in_dim3A : f32 to vector<16xf32>
        %mul3A_41 = arith.constant 16 : i32
        %mul3A_42 = arith.muli %add3A_39, %mul3A_41 : i32
        %swap3A = arith.index_cast %add3A_29 : i32 to index
        %swap3A_43 = arith.index_cast %mul3A_42 : i32 to index
        %swap3A_44 = tpu.vector_load %arg6[%swap3A, %swap3A_43] {strides = array<i32>} : memref<64x128xf32, #tpu.memory_space<vmem>>, vector<1x16xf32>,
        %swap3A_45 = vector.shape_cast %swap3A_44 : vector<1x16xf32> to vector<16xf32>
        %swap3A_46 = vector.shape_cast %broadcast_in_dim3A_40 : vector<16xf32> to vector<1x16xf32>
        tpu.vector_store %arg6[%swap3A, %swap3A_43], %swap3A_46 {strides = array<i32>} : memref<64x128xf32, #tpu.memory_space<vmem>>, vector<1x16xf32>,
      }
      %scan3A_34 = arith.constant 8 : i32
    }
    %scan3A_11 = arith.constant 64 : i32
    %mul3A_12 = arith.constant 640 : i32
    %mul3A_13 = arith.muli %arg1, %mul3A_12 : i32
    %scan3A_14 = arith.constant 0 : i32
    %scan3A_15 = arith.constant 10 : i32
    %scan3A_16 = arith.addi %scan3A_14, %scan3A_15 : i32
    %scan3A_17 = arith.constant 1 : i32
    scf.for %scan3A_25 = %scan3A_14 to %scan3A_16 step %scan3A_17  : i32 {
      %mul3A_26 = arith.constant 1 : i32
      %mul3A_27 = arith.muli %scan3A_25, %mul3A_26 : i32
      %add3A_28 = arith.constant 0 : i32
      %add3A_29 = arith.addi %add3A_28, %mul3A_27 : i32
      %mul3A_30 = arith.constant 64 : i32
      %mul3A_31 = arith.muli %add3A_29, %mul3A_30 : i32
      %add3A_32 = arith.addi %mul3A_13, %mul3A_31 : i32
      "tpu.region"() ({
        %run_scoped3A = tpu.sem_alloc : memref<!tpu.dma_semaphore, #tpu.memory_space<semaphore_mem>>
        %dma_start3A = arith.constant 0 : i32
        %dma_start3A_33 = tpu.memref_slice %arg7[%add3A_32, %dma_start3A] : memref<10240x128xf32, #tpu.memory_space<vmem_shared>> -> memref<64x128xf32, #tpu.memory_space<vmem_shared>>
        %dma_start3A_34 = arith.constant 0 : i32
        %dma_start3A_35 = tpu.memref_slice %arg7[%add3A_32, %dma_start3A_34] : memref<10240x128xf32, #tpu.memory_space<vmem_shared>> -> memref<64x128xf32, #tpu.memory_space<vmem_shared>>
        tpu.enqueue_dma source(%arg6 : memref<64x128xf32, #tpu.memory_space<vmem>>) target(%dma_start3A_35 : memref<64x128xf32, #tpu.memory_space<vmem_shared>>) target_semaphore(%run_scoped3A : memref<!tpu.dma_semaphore, #tpu.memory_space<semaphore_mem>>)
        %dma_wait3A = arith.constant 0 : i32
        %dma_wait3A_36 = tpu.memref_slice %arg7[%add3A_32, %dma_wait3A] : memref<10240x128xf32, #tpu.memory_space<vmem_shared>> -> memref<64x128xf32, #tpu.memory_space<vmem_shared>>
        %dma_wait3A_37 = arith.constant 0 : i32
        %dma_wait3A_38 = tpu.memref_slice %arg7[%add3A_32, %dma_wait3A_37] : memref<10240x128xf32, #tpu.memory_space<vmem_shared>> -> memref<64x128xf32, #tpu.memory_space<vmem_shared>>
        tpu.wait_dma2 semaphore(%run_scoped3A : memref<!tpu.dma_semaphore, #tpu.memory_space<semaphore_mem>>) src(%arg6 : memref<64x128xf32, #tpu.memory_space<vmem>>) dst(%dma_wait3A_38 : memref<64x128xf32, #tpu.memory_space<vmem_shared>>)
        tpu.yield
      }) : () -> ()
    }
    %scan3A_18 = arith.constant 10 : i32
    %barrier3A = arith.constant 0 : index
    tpu.barrier barrier_id(%barrier3A)
    %scan3A_19 = arith.constant 0 : i32
    %scan3A_20 = arith.constant 80 : i32
    %scan3A_21 = arith.addi %scan3A_19, %scan3A_20 : i32
    %scan3A_22 = arith.constant 1 : i32
    scf.for %scan3A_25 = %scan3A_19 to %scan3A_21 step %scan3A_22  : i32 {
      %mul3A_26 = arith.constant 1 : i32
      %mul3A_27 = arith.muli %scan3A_25, %mul3A_26 : i32
      %add3A_28 = arith.constant 0 : i32
      %add3A_29 = arith.addi %add3A_28, %mul3A_27 : i32
      %add3A_30 = arith.addi %mul3A_2, %add3A_29 : i32
      %mul3A_31 = arith.constant 128 : i32
      %mul3A_32 = arith.muli %add3A_30, %mul3A_31 : i32
      "tpu.region"() ({
        %run_scoped3A = tpu.sem_alloc : memref<!tpu.dma_semaphore, #tpu.memory_space<semaphore_mem>>
        %dma_start3A = tpu.memref_slice %arg2[%mul3A_32] : memref<327680xi32, #tpu.memory_space<hbm>> -> memref<128xi32, #tpu.memory_space<hbm>>
        %dma_start3A_33 = tpu.memref_slice %arg2[%mul3A_32] : memref<327680xi32, #tpu.memory_space<hbm>> -> memref<128xi32, #tpu.memory_space<hbm>>
        tpu.enqueue_dma source(%dma_start3A_33 : memref<128xi32, #tpu.memory_space<hbm>>) target(%arg4 : memref<128xi32, #tpu.memory_space<vmem>>) target_semaphore(%run_scoped3A : memref<!tpu.dma_semaphore, #tpu.memory_space<semaphore_mem>>)
        %dma_wait3A = tpu.memref_slice %arg2[%mul3A_32] : memref<327680xi32, #tpu.memory_space<hbm>> -> memref<128xi32, #tpu.memory_space<hbm>>
        %dma_wait3A_34 = tpu.memref_slice %arg2[%mul3A_32] : memref<327680xi32, #tpu.memory_space<hbm>> -> memref<128xi32, #tpu.memory_space<hbm>>
        tpu.wait_dma2 semaphore(%run_scoped3A : memref<!tpu.dma_semaphore, #tpu.memory_space<semaphore_mem>>) src(%dma_wait3A_34 : memref<128xi32, #tpu.memory_space<hbm>>) dst(%arg4 : memref<128xi32, #tpu.memory_space<vmem>>)
        tpu.yield
      }) : () -> ()
      "tpu.region"() ({
        %run_scoped3A = tpu.sem_alloc : memref<!tpu.dma_semaphore, #tpu.memory_space<semaphore_mem>>
        %dma_start3A = arith.constant 0 : i32
        %dma_start3A_33 = arith.constant 0 : i32
        %dma_start3A_34 = tpu.memref_slice %arg7[%dma_start3A, %dma_start3A_33] : memref<10240x128xf32, #tpu.memory_space<vmem_shared>> -> memref<10240x128xf32, #tpu.memory_space<vmem_shared>>
        tpu.enqueue_indirect_dma source(%arg5 : memref<128x128xf32, #tpu.memory_space<vmem>>) target(%dma_start3A_34 : memref<10240x128xf32, #tpu.memory_space<vmem_shared>>) offsets(%arg4 : memref<128xi32, #tpu.memory_space<vmem>>) semaphore(%run_scoped3A : memref<!tpu.dma_semaphore, #tpu.memory_space<semaphore_mem>>) {add = true}
        %dma_wait3A = arith.constant 0 : i32
        %dma_wait3A_35 = arith.constant 0 : i32
        %dma_wait3A_36 = tpu.memref_slice %arg7[%dma_wait3A, %dma_wait3A_35] : memref<10240x128xf32, #tpu.memory_space<vmem_shared>> -> memref<10240x128xf32, #tpu.memory_space<vmem_shared>>
        tpu.wait_indirect_dma semaphore(%run_scoped3A : memref<!tpu.dma_semaphore, #tpu.memory_space<semaphore_mem>>) src(%arg5 : memref<128x128xf32, #tpu.memory_space<vmem>>) dst(%dma_wait3A_36 : memref<10240x128xf32, #tpu.memory_space<vmem_shared>>)
        tpu.yield
      }) : () -> ()
    }
    %scan3A_23 = arith.constant 80 : i32
    %barrier3A_24 = arith.constant 0 : index
    tpu.barrier barrier_id(%barrier3A_24)
    "tpu.region"() ({
      %run_scoped3A = tpu.sem_alloc : memref<!tpu.dma_semaphore, #tpu.memory_space<semaphore_mem>>
      %dma_start3A = arith.constant 0 : i32
      %dma_start3A_25 = arith.constant 0 : i32
      %dma_start3A_26 = tpu.memref_slice %arg3[%arg0, %dma_start3A, %dma_start3A_25] : memref<2x10240x128xf32, #tpu.memory_space<hbm>> -> memref<1x10240x128xf32, #tpu.memory_space<hbm>>
      %dma_start3A_27 = tpu.memref_squeeze %dma_start3A_26 : memref<1x10240x128xf32, #tpu.memory_space<hbm>> -> memref<10240x128xf32, #tpu.memory_space<hbm>>
      %dma_start3A_28 = arith.constant 0 : i32
      %dma_start3A_29 = tpu.memref_slice %dma_start3A_27[%mul3A_13, %dma_start3A_28] : memref<10240x128xf32, #tpu.memory_space<hbm>> -> memref<640x128xf32, #tpu.memory_space<hbm>>
      %dma_start3A_30 = arith.constant 0 : i32
      %dma_start3A_31 = tpu.memref_slice %arg7[%mul3A_13, %dma_start3A_30] : memref<10240x128xf32, #tpu.memory_space<vmem_shared>> -> memref<640x128xf32, #tpu.memory_space<vmem_shared>>
      tpu.enqueue_dma source(%dma_start3A_31 : memref<640x128xf32, #tpu.memory_space<vmem_shared>>) target(%dma_start3A_29 : memref<640x128xf32, #tpu.memory_space<hbm>>) target_semaphore(%run_scoped3A : memref<!tpu.dma_semaphore, #tpu.memory_space<semaphore_mem>>)
      %dma_wait3A = arith.constant 0 : i32
      %dma_wait3A_32 = arith.constant 0 : i32
      %dma_wait3A_33 = tpu.memref_slice %arg3[%arg0, %dma_wait3A, %dma_wait3A_32] : memref<2x10240x128xf32, #tpu.memory_space<hbm>> -> memref<1x10240x128xf32, #tpu.memory_space<hbm>>
      %dma_wait3A_34 = tpu.memref_squeeze %dma_wait3A_33 : memref<1x10240x128xf32, #tpu.memory_space<hbm>> -> memref<10240x128xf32, #tpu.memory_space<hbm>>
      %dma_wait3A_35 = arith.constant 0 : i32
      %dma_wait3A_36 = tpu.memref_slice %dma_wait3A_34[%mul3A_13, %dma_wait3A_35] : memref<10240x128xf32, #tpu.memory_space<hbm>> -> memref<640x128xf32, #tpu.memory_space<hbm>>
      %dma_wait3A_37 = arith.constant 0 : i32
      %dma_wait3A_38 = tpu.memref_slice %arg7[%mul3A_13, %dma_wait3A_37] : memref<10240x128xf32, #tpu.memory_space<vmem_shared>> -> memref<640x128xf32, #tpu.memory_space<vmem_shared>>
      tpu.wait_dma2 semaphore(%run_scoped3A : memref<!tpu.dma_semaphore, #tpu.memory_space<semaphore_mem>>) src(%dma_wait3A_38 : memref<640x128xf32, #tpu.memory_space<vmem_shared>>) dst(%dma_wait3A_36 : memref<640x128xf32, #tpu.memory_space<hbm>>)
      tpu.yield
    }) : () -> ()
    return
  }
}

module attributes {stable_mosaic.version = 14 : i64} {
  func.func @_inv_body(%arg0: memref<2x10240x128xf32, #tpu.memory_space<vmem>>, %arg1: memref<10000x1xf32, #tpu.memory_space<vmem>>) attributes {dimension_semantics = [], scalar_prefetch = 0 : i64, scratch_operands = 0 : i64, tpu.core_type = #tpu.core_type<tc>} {
    %get3A = arith.constant 0 : index
    %get3A_0 = arith.constant 0 : index
    %get3A_1 = arith.constant 0 : index
    %get3A_2 = vector.load %arg0[%get3A, %get3A_0, %get3A_1] : memref<2x10240x128xf32, #tpu.memory_space<vmem>>, vector<1x10000x1xf32>
    %get3A_3 = vector.shape_cast %get3A_2 : vector<1x10000x1xf32> to vector<10000x1xf32>
    %get3A_4 = arith.constant 1 : index
    %get3A_5 = arith.constant 0 : index
    %get3A_6 = arith.constant 0 : index
    %get3A_7 = vector.load %arg0[%get3A_4, %get3A_5, %get3A_6] : memref<2x10240x128xf32, #tpu.memory_space<vmem>>, vector<1x10000x1xf32>
    %get3A_8 = vector.shape_cast %get3A_7 : vector<1x10000x1xf32> to vector<10000x1xf32>
    %add3A = arith.addf %get3A_3, %get3A_8 : vector<10000x1xf32>
    %max3A = arith.constant 1.000000e+00 : f32
    %max3A_9 = vector.broadcast %max3A : f32 to vector<10000x1xf32>
    %max3A_10 = arith.maximumf %add3A, %max3A_9 : vector<10000x1xf32>
    %div3A = arith.constant 1.000000e+00 : f32
    %div3A_11 = vector.broadcast %div3A : f32 to vector<10000x1xf32>
    %div3A_12 = arith.divf %div3A_11, %max3A_10 : vector<10000x1xf32>
    %swap3A = arith.constant 0 : index
    %swap3A_13 = arith.constant 0 : index
    %swap3A_14 = vector.load %arg1[%swap3A, %swap3A_13] : memref<10000x1xf32, #tpu.memory_space<vmem>>, vector<10000x1xf32>
    tpu.vector_store %arg1[%swap3A, %swap3A_13], %div3A_12 {strides = array<i32>} : memref<10000x1xf32, #tpu.memory_space<vmem>>, vector<10000x1xf32>,
    return
  }
}

module attributes {stable_mosaic.version = 14 : i64} {
  func.func @_enc_body(%arg0: memref<10000x128xf32, #tpu.memory_space<vmem>>, %arg1: memref<128x128xf32, #tpu.memory_space<vmem>>, %arg2: memref<128xf32, #tpu.memory_space<vmem>>, %arg3: memref<10000x128xf32, #tpu.memory_space<vmem>>) attributes {dimension_semantics = [], scalar_prefetch = 0 : i64, scratch_operands = 0 : i64, tpu.core_type = #tpu.core_type<tc>} {
    %get3A = arith.constant 0 : index
    %get3A_0 = arith.constant 0 : index
    %get3A_1 = vector.load %arg0[%get3A, %get3A_0] : memref<10000x128xf32, #tpu.memory_space<vmem>>, vector<10000x128xf32>
    %get3A_2 = arith.constant 0 : index
    %get3A_3 = arith.constant 0 : index
    %get3A_4 = vector.load %arg1[%get3A_2, %get3A_3] : memref<128x128xf32, #tpu.memory_space<vmem>>, vector<128x128xf32>
    %dot_general3A = arith.constant dense<0.000000e+00> : vector<10000x128xf32>
    %dot_general3A_5 = tpu.matmul %get3A_1, %get3A_4, %dot_general3A {dimension_numbers = #tpu.dot_dimension_numbers<[1], [0], [0], [1], [0, 0, 1, 1], [], []>, transpose_lhs_hint = false} : vector<10000x128xf32>, vector<128x128xf32>, vector<10000x128xf32> -> vector<10000x128xf32>
    %get3A_6 = arith.constant 0 : index
    %get3A_7 = vector.load %arg2[%get3A_6] : memref<128xf32, #tpu.memory_space<vmem>>, vector<128xf32>
    %broadcast_in_dim3A = vector.shape_cast %get3A_7 : vector<128xf32> to vector<1x128xf32>
    %add3A = vector.broadcast %broadcast_in_dim3A : vector<1x128xf32> to vector<10000x128xf32>
    %add3A_8 = arith.addf %dot_general3A_5, %add3A : vector<10000x128xf32>
    %max3A = arith.constant 0.000000e+00 : f32
    %max3A_9 = vector.broadcast %max3A : f32 to vector<10000x128xf32>
    %max3A_10 = arith.maximumf %add3A_8, %max3A_9 : vector<10000x128xf32>
    %swap3A = arith.constant 0 : index
    %swap3A_11 = arith.constant 0 : index
    %swap3A_12 = vector.load %arg3[%swap3A, %swap3A_11] : memref<10000x128xf32, #tpu.memory_space<vmem>>, vector<10000x128xf32>
    tpu.vector_store %arg3[%swap3A, %swap3A_11], %max3A_10 {strides = array<i32>} : memref<10000x128xf32, #tpu.memory_space<vmem>>, vector<10000x128xf32>,
    return
  }
}

module attributes {stable_mosaic.version = 14 : i64} {
  func.func @_combine_body(%arg0: memref<2x10240x128xf32, #tpu.memory_space<vmem>>, %arg1: memref<10000x1xf32, #tpu.memory_space<vmem>>, %arg2: memref<10000x128xf32, #tpu.memory_space<vmem>>, %arg3: memref<128x128xf32, #tpu.memory_space<vmem>>, %arg4: memref<128xf32, #tpu.memory_space<vmem>>, %arg5: memref<128x128xf32, #tpu.memory_space<vmem>>, %arg6: memref<128xf32, #tpu.memory_space<vmem>>, %arg7: memref<128xf32, #tpu.memory_space<vmem>>, %arg8: memref<10000x128xf32, #tpu.memory_space<vmem>>) attributes {dimension_semantics = [], scalar_prefetch = 0 : i64, scratch_operands = 0 : i64, tpu.core_type = #tpu.core_type<tc>} {
    %get3A = arith.constant 0 : index
    %get3A_0 = arith.constant 0 : index
    %get3A_1 = arith.constant 0 : index
    %get3A_2 = vector.load %arg0[%get3A, %get3A_0, %get3A_1] : memref<2x10240x128xf32, #tpu.memory_space<vmem>>, vector<1x10000x128xf32>
    %get3A_3 = vector.shape_cast %get3A_2 : vector<1x10000x128xf32> to vector<10000x128xf32>
    %get3A_4 = arith.constant 1 : index
    %get3A_5 = arith.constant 0 : index
    %get3A_6 = arith.constant 0 : index
    %get3A_7 = vector.load %arg0[%get3A_4, %get3A_5, %get3A_6] : memref<2x10240x128xf32, #tpu.memory_space<vmem>>, vector<1x10000x128xf32>
    %get3A_8 = vector.shape_cast %get3A_7 : vector<1x10000x128xf32> to vector<10000x128xf32>
    %add3A = arith.addf %get3A_3, %get3A_8 : vector<10000x128xf32>
    %get3A_9 = arith.constant 0 : index
    %get3A_10 = arith.constant 0 : index
    %get3A_11 = vector.load %arg1[%get3A_9, %get3A_10] : memref<10000x1xf32, #tpu.memory_space<vmem>>, vector<10000x1xf32>
    %mul3A = vector.broadcast %get3A_11 : vector<10000x1xf32> to vector<10000x128xf32>
    %mul3A_12 = arith.mulf %add3A, %mul3A : vector<10000x128xf32>
    %get3A_13 = arith.constant 0 : index
    %get3A_14 = arith.constant 0 : index
    %get3A_15 = vector.load %arg2[%get3A_13, %get3A_14] : memref<10000x128xf32, #tpu.memory_space<vmem>>, vector<10000x128xf32>
    %get3A_16 = arith.constant 0 : index
    %get3A_17 = arith.constant 0 : index
    %get3A_18 = vector.load %arg3[%get3A_16, %get3A_17] : memref<128x128xf32, #tpu.memory_space<vmem>>, vector<128x128xf32>
    %dot_general3A = arith.constant dense<0.000000e+00> : vector<10000x128xf32>
    %dot_general3A_19 = tpu.matmul %mul3A_12, %get3A_18, %dot_general3A {dimension_numbers = #tpu.dot_dimension_numbers<[1], [0], [0], [1], [0, 0, 1, 1], [], []>, transpose_lhs_hint = false} : vector<10000x128xf32>, vector<128x128xf32>, vector<10000x128xf32> -> vector<10000x128xf32>
    %get3A_20 = arith.constant 0 : index
    %get3A_21 = vector.load %arg4[%get3A_20] : memref<128xf32, #tpu.memory_space<vmem>>, vector<128xf32>
    %broadcast_in_dim3A = vector.shape_cast %get3A_21 : vector<128xf32> to vector<1x128xf32>
    %add3A_22 = vector.broadcast %broadcast_in_dim3A : vector<1x128xf32> to vector<10000x128xf32>
    %add3A_23 = arith.addf %dot_general3A_19, %add3A_22 : vector<10000x128xf32>
    %get3A_24 = arith.constant 0 : index
    %get3A_25 = arith.constant 0 : index
    %get3A_26 = vector.load %arg5[%get3A_24, %get3A_25] : memref<128x128xf32, #tpu.memory_space<vmem>>, vector<128x128xf32>
    %dot_general3A_27 = arith.constant dense<0.000000e+00> : vector<10000x128xf32>
    %dot_general3A_28 = tpu.matmul %get3A_15, %get3A_26, %dot_general3A_27 {dimension_numbers = #tpu.dot_dimension_numbers<[1], [0], [0], [1], [0, 0, 1, 1], [], []>, transpose_lhs_hint = false} : vector<10000x128xf32>, vector<128x128xf32>, vector<10000x128xf32> -> vector<10000x128xf32>
    %add3A_29 = arith.addf %add3A_23, %dot_general3A_28 : vector<10000x128xf32>
    %mul3A_30 = arith.mulf %add3A_29, %add3A_29 : vector<10000x128xf32>
    %reduce_sum3A = arith.constant dense<0.000000e+00> : vector<10000xf32>
    %reduce_sum3A_31 = vector.multi_reduction <add>, %mul3A_30, %reduce_sum3A [1] : vector<10000x128xf32> to vector<10000xf32>
    %broadcast_in_dim3A_32 = vector.shape_cast %reduce_sum3A_31 : vector<10000xf32> to vector<10000x1xf32>
    %sqrt3A = math.sqrt %broadcast_in_dim3A_32 : vector<10000x1xf32>
    %max3A = arith.constant 9.99999996E-13 : f32
    %max3A_33 = vector.broadcast %max3A : f32 to vector<10000x1xf32>
    %max3A_34 = arith.maximumf %sqrt3A, %max3A_33 : vector<10000x1xf32>
    %div3A = vector.broadcast %max3A_34 : vector<10000x1xf32> to vector<10000x128xf32>
    %div3A_35 = arith.divf %add3A_29, %div3A : vector<10000x128xf32>
    %reduce_sum3A_36 = arith.constant dense<0.000000e+00> : vector<128xf32>
    %reduce_sum3A_37 = vector.multi_reduction <add>, %div3A_35, %reduce_sum3A_36 [0] : vector<10000x128xf32> to vector<128xf32>
    %broadcast_in_dim3A_38 = vector.shape_cast %reduce_sum3A_37 : vector<128xf32> to vector<1x128xf32>
    %div3A_39 = arith.constant 1.000000e+04 : f32
    %div3A_40 = vector.broadcast %div3A_39 : f32 to vector<1x128xf32>
    %div3A_41 = arith.divf %broadcast_in_dim3A_38, %div3A_40 : vector<1x128xf32>
    %sub3A = vector.broadcast %div3A_41 : vector<1x128xf32> to vector<10000x128xf32>
    %sub3A_42 = arith.subf %div3A_35, %sub3A : vector<10000x128xf32>
    %integer_pow3A = arith.mulf %sub3A_42, %sub3A_42 : vector<10000x128xf32>
    %reduce_sum3A_43 = arith.constant dense<0.000000e+00> : vector<128xf32>
    %reduce_sum3A_44 = vector.multi_reduction <add>, %integer_pow3A, %reduce_sum3A_43 [0] : vector<10000x128xf32> to vector<128xf32>
    %broadcast_in_dim3A_45 = vector.shape_cast %reduce_sum3A_44 : vector<128xf32> to vector<1x128xf32>
    %div3A_46 = arith.constant 1.000000e+04 : f32
    %div3A_47 = vector.broadcast %div3A_46 : f32 to vector<1x128xf32>
    %div3A_48 = arith.divf %broadcast_in_dim3A_45, %div3A_47 : vector<1x128xf32>
    %sub3A_49 = vector.broadcast %div3A_41 : vector<1x128xf32> to vector<10000x128xf32>
    %sub3A_50 = arith.subf %div3A_35, %sub3A_49 : vector<10000x128xf32>
    %add3A_51 = arith.constant 9.99999974E-6 : f32
    %add3A_52 = vector.broadcast %add3A_51 : f32 to vector<1x128xf32>
    %add3A_53 = arith.addf %div3A_48, %add3A_52 : vector<1x128xf32>
    %sqrt3A_54 = math.sqrt %add3A_53 : vector<1x128xf32>
    %div3A_55 = vector.broadcast %sqrt3A_54 : vector<1x128xf32> to vector<10000x128xf32>
    %div3A_56 = arith.divf %sub3A_50, %div3A_55 : vector<10000x128xf32>
    %get3A_57 = arith.constant 0 : index
    %get3A_58 = vector.load %arg6[%get3A_57] : memref<128xf32, #tpu.memory_space<vmem>>, vector<128xf32>
    %broadcast_in_dim3A_59 = vector.shape_cast %get3A_58 : vector<128xf32> to vector<1x128xf32>
    %mul3A_60 = vector.broadcast %broadcast_in_dim3A_59 : vector<1x128xf32> to vector<10000x128xf32>
    %mul3A_61 = arith.mulf %div3A_56, %mul3A_60 : vector<10000x128xf32>
    %get3A_62 = arith.constant 0 : index
    %get3A_63 = vector.load %arg7[%get3A_62] : memref<128xf32, #tpu.memory_space<vmem>>, vector<128xf32>
    %broadcast_in_dim3A_64 = vector.shape_cast %get3A_63 : vector<128xf32> to vector<1x128xf32>
    %add3A_65 = vector.broadcast %broadcast_in_dim3A_64 : vector<1x128xf32> to vector<10000x128xf32>
    %add3A_66 = arith.addf %mul3A_61, %add3A_65 : vector<10000x128xf32>
    %max3A_67 = arith.constant 0.000000e+00 : f32
    %max3A_68 = vector.broadcast %max3A_67 : f32 to vector<10000x128xf32>
    %max3A_69 = arith.maximumf %add3A_66, %max3A_68 : vector<10000x128xf32>
    %swap3A = arith.constant 0 : index
    %swap3A_70 = arith.constant 0 : index
    %swap3A_71 = vector.load %arg8[%swap3A, %swap3A_70] : memref<10000x128xf32, #tpu.memory_space<vmem>>, vector<10000x128xf32>
    tpu.vector_store %arg8[%swap3A, %swap3A_70], %max3A_69 {strides = array<i32>} : memref<10000x128xf32, #tpu.memory_space<vmem>>, vector<10000x128xf32>,
    return
  }
}

module attributes {stable_mosaic.version = 14 : i64} {
  func.func @_heads_body(%arg0: memref<10000x128xf32, #tpu.memory_space<vmem>>, %arg1: memref<128x128xf32, #tpu.memory_space<vmem>>, %arg2: memref<128xf32, #tpu.memory_space<vmem>>, %arg3: memref<128x1xf32, #tpu.memory_space<vmem>>, %arg4: memref<1xf32, #tpu.memory_space<vmem>>, %arg5: memref<128x64xf32, #tpu.memory_space<vmem>>, %arg6: memref<64xf32, #tpu.memory_space<vmem>>, %arg7: memref<64x1xf32, #tpu.memory_space<vmem>>, %arg8: memref<1xf32, #tpu.memory_space<vmem>>, %arg9: memref<128x64xf32, #tpu.memory_space<vmem>>, %arg10: memref<64xf32, #tpu.memory_space<vmem>>, %arg11: memref<64x1xf32, #tpu.memory_space<vmem>>, %arg12: memref<1xf32, #tpu.memory_space<vmem>>, %arg13: memref<10000x1xf32, #tpu.memory_space<vmem>>, %arg14: memref<10000x1xf32, #tpu.memory_space<vmem>>, %arg15: memref<10000x1xf32, #tpu.memory_space<vmem>>) attributes {dimension_semantics = [], scalar_prefetch = 0 : i64, scratch_operands = 0 : i64, tpu.core_type = #tpu.core_type<tc>} {
    %get3A = arith.constant 0 : index
    %get3A_0 = arith.constant 0 : index
    %get3A_1 = vector.load %arg0[%get3A, %get3A_0] : memref<10000x128xf32, #tpu.memory_space<vmem>>, vector<10000x128xf32>
    %get3A_2 = arith.constant 0 : index
    %get3A_3 = arith.constant 0 : index
    %get3A_4 = vector.load %arg1[%get3A_2, %get3A_3] : memref<128x128xf32, #tpu.memory_space<vmem>>, vector<128x128xf32>
    %dot_general3A = arith.constant dense<0.000000e+00> : vector<10000x128xf32>
    %dot_general3A_5 = tpu.matmul %get3A_1, %get3A_4, %dot_general3A {dimension_numbers = #tpu.dot_dimension_numbers<[1], [0], [0], [1], [0, 0, 1, 1], [], []>, transpose_lhs_hint = false} : vector<10000x128xf32>, vector<128x128xf32>, vector<10000x128xf32> -> vector<10000x128xf32>
    %get3A_6 = arith.constant 0 : index
    %get3A_7 = vector.load %arg2[%get3A_6] : memref<128xf32, #tpu.memory_space<vmem>>, vector<128xf32>
    %broadcast_in_dim3A = vector.shape_cast %get3A_7 : vector<128xf32> to vector<1x128xf32>
    %add3A = vector.broadcast %broadcast_in_dim3A : vector<1x128xf32> to vector<10000x128xf32>
    %add3A_8 = arith.addf %dot_general3A_5, %add3A : vector<10000x128xf32>
    %max3A = arith.constant 0.000000e+00 : f32
    %max3A_9 = vector.broadcast %max3A : f32 to vector<10000x128xf32>
    %max3A_10 = arith.maximumf %add3A_8, %max3A_9 : vector<10000x128xf32>
    %get3A_11 = arith.constant 0 : index
    %get3A_12 = arith.constant 0 : index
    %get3A_13 = vector.load %arg3[%get3A_11, %get3A_12] : memref<128x1xf32, #tpu.memory_space<vmem>>, vector<128x1xf32>
    %dot_general3A_14 = arith.constant dense<0.000000e+00> : vector<10000x1xf32>
    %dot_general3A_15 = tpu.matmul %max3A_10, %get3A_13, %dot_general3A_14 {dimension_numbers = #tpu.dot_dimension_numbers<[1], [0], [0], [1], [0, 0, 1, 1], [], []>, transpose_lhs_hint = false} : vector<10000x128xf32>, vector<128x1xf32>, vector<10000x1xf32> -> vector<10000x1xf32>
    %get3A_16 = arith.constant 0 : index
    %get3A_17 = vector.load %arg4[%get3A_16] : memref<1xf32, #tpu.memory_space<vmem>>, vector<1xf32>
    %broadcast_in_dim3A_18 = vector.shape_cast %get3A_17 : vector<1xf32> to vector<1x1xf32>
    %add3A_19 = vector.broadcast %broadcast_in_dim3A_18 : vector<1x1xf32> to vector<10000x1xf32>
    %add3A_20 = arith.addf %dot_general3A_15, %add3A_19 : vector<10000x1xf32>
    %swap3A = arith.constant 0 : index
    %swap3A_21 = arith.constant 0 : index
    %swap3A_22 = vector.load %arg13[%swap3A, %swap3A_21] : memref<10000x1xf32, #tpu.memory_space<vmem>>, vector<10000x1xf32>
    tpu.vector_store %arg13[%swap3A, %swap3A_21], %add3A_20 {strides = array<i32>} : memref<10000x1xf32, #tpu.memory_space<vmem>>, vector<10000x1xf32>,
    %get3A_23 = arith.constant 0 : index
    %get3A_24 = arith.constant 0 : index
    %get3A_25 = vector.load %arg5[%get3A_23, %get3A_24] : memref<128x64xf32, #tpu.memory_space<vmem>>, vector<128x64xf32>
    %dot_general3A_26 = arith.constant dense<0.000000e+00> : vector<10000x64xf32>
    %dot_general3A_27 = tpu.matmul %get3A_1, %get3A_25, %dot_general3A_26 {dimension_numbers = #tpu.dot_dimension_numbers<[1], [0], [0], [1], [0, 0, 1, 1], [], []>, transpose_lhs_hint = false} : vector<10000x128xf32>, vector<128x64xf32>, vector<10000x64xf32> -> vector<10000x64xf32>
    %get3A_28 = arith.constant 0 : index
    %get3A_29 = vector.load %arg6[%get3A_28] : memref<64xf32, #tpu.memory_space<vmem>>, vector<64xf32>
    %broadcast_in_dim3A_30 = vector.shape_cast %get3A_29 : vector<64xf32> to vector<1x64xf32>
    %add3A_31 = vector.broadcast %broadcast_in_dim3A_30 : vector<1x64xf32> to vector<10000x64xf32>
    %add3A_32 = arith.addf %dot_general3A_27, %add3A_31 : vector<10000x64xf32>
    %max3A_33 = arith.constant 0.000000e+00 : f32
    %max3A_34 = vector.broadcast %max3A_33 : f32 to vector<10000x64xf32>
    %max3A_35 = arith.maximumf %add3A_32, %max3A_34 : vector<10000x64xf32>
    %get3A_36 = arith.constant 0 : index
    %get3A_37 = arith.constant 0 : index
    %get3A_38 = vector.load %arg7[%get3A_36, %get3A_37] : memref<64x1xf32, #tpu.memory_space<vmem>>, vector<64x1xf32>
    %dot_general3A_39 = arith.constant dense<0.000000e+00> : vector<10000x1xf32>
    %dot_general3A_40 = tpu.matmul %max3A_35, %get3A_38, %dot_general3A_39 {dimension_numbers = #tpu.dot_dimension_numbers<[1], [0], [0], [1], [0, 0, 1, 1], [], []>, transpose_lhs_hint = false} : vector<10000x64xf32>, vector<64x1xf32>, vector<10000x1xf32> -> vector<10000x1xf32>
    %get3A_41 = arith.constant 0 : index
    %get3A_42 = vector.load %arg8[%get3A_41] : memref<1xf32, #tpu.memory_space<vmem>>, vector<1xf32>
    %broadcast_in_dim3A_43 = vector.shape_cast %get3A_42 : vector<1xf32> to vector<1x1xf32>
    %add3A_44 = vector.broadcast %broadcast_in_dim3A_43 : vector<1x1xf32> to vector<10000x1xf32>
    %add3A_45 = arith.addf %dot_general3A_40, %add3A_44 : vector<10000x1xf32>
    %swap3A_46 = arith.constant 0 : index
    %swap3A_47 = arith.constant 0 : index
    %swap3A_48 = vector.load %arg14[%swap3A_46, %swap3A_47] : memref<10000x1xf32, #tpu.memory_space<vmem>>, vector<10000x1xf32>
    tpu.vector_store %arg14[%swap3A_46, %swap3A_47], %add3A_45 {strides = array<i32>} : memref<10000x1xf32, #tpu.memory_space<vmem>>, vector<10000x1xf32>,
    %get3A_49 = arith.constant 0 : index
    %get3A_50 = arith.constant 0 : index
    %get3A_51 = vector.load %arg9[%get3A_49, %get3A_50] : memref<128x64xf32, #tpu.memory_space<vmem>>, vector<128x64xf32>
    %dot_general3A_52 = arith.constant dense<0.000000e+00> : vector<10000x64xf32>
    %dot_general3A_53 = tpu.matmul %get3A_1, %get3A_51, %dot_general3A_52 {dimension_numbers = #tpu.dot_dimension_numbers<[1], [0], [0], [1], [0, 0, 1, 1], [], []>, transpose_lhs_hint = false} : vector<10000x128xf32>, vector<128x64xf32>, vector<10000x64xf32> -> vector<10000x64xf32>
    %get3A_54 = arith.constant 0 : index
    %get3A_55 = vector.load %arg10[%get3A_54] : memref<64xf32, #tpu.memory_space<vmem>>, vector<64xf32>
    %broadcast_in_dim3A_56 = vector.shape_cast %get3A_55 : vector<64xf32> to vector<1x64xf32>
    %add3A_57 = vector.broadcast %broadcast_in_dim3A_56 : vector<1x64xf32> to vector<10000x64xf32>
    %add3A_58 = arith.addf %dot_general3A_53, %add3A_57 : vector<10000x64xf32>
    %max3A_59 = arith.constant 0.000000e+00 : f32
    %max3A_60 = vector.broadcast %max3A_59 : f32 to vector<10000x64xf32>
    %max3A_61 = arith.maximumf %add3A_58, %max3A_60 : vector<10000x64xf32>
    %get3A_62 = arith.constant 0 : index
    %get3A_63 = arith.constant 0 : index
    %get3A_64 = vector.load %arg11[%get3A_62, %get3A_63] : memref<64x1xf32, #tpu.memory_space<vmem>>, vector<64x1xf32>
    %dot_general3A_65 = arith.constant dense<0.000000e+00> : vector<10000x1xf32>
    %dot_general3A_66 = tpu.matmul %max3A_61, %get3A_64, %dot_general3A_65 {dimension_numbers = #tpu.dot_dimension_numbers<[1], [0], [0], [1], [0, 0, 1, 1], [], []>, transpose_lhs_hint = false} : vector<10000x64xf32>, vector<64x1xf32>, vector<10000x1xf32> -> vector<10000x1xf32>
    %get3A_67 = arith.constant 0 : index
    %get3A_68 = vector.load %arg12[%get3A_67] : memref<1xf32, #tpu.memory_space<vmem>>, vector<1xf32>
    %broadcast_in_dim3A_69 = vector.shape_cast %get3A_68 : vector<1xf32> to vector<1x1xf32>
    %add3A_70 = vector.broadcast %broadcast_in_dim3A_69 : vector<1x1xf32> to vector<10000x1xf32>
    %add3A_71 = arith.addf %dot_general3A_66, %add3A_70 : vector<10000x1xf32>
    %swap3A_72 = arith.constant 0 : index
    %swap3A_73 = arith.constant 0 : index
    %swap3A_74 = vector.load %arg15[%swap3A_72, %swap3A_73] : memref<10000x1xf32, #tpu.memory_space<vmem>>, vector<10000x1xf32>
    tpu.vector_store %arg15[%swap3A_72, %swap3A_73], %add3A_71 {strides = array<i32>} : memref<10000x1xf32, #tpu.memory_space<vmem>>, vector<10000x1xf32>,
    return
  }
}

</mosaic_0001>

<sc_bundles>
// kernel: kernel.12.cloned.1.call-start
scs
__scs_entry_jumppad:
0x0: {  	(pc) =	sbr.rel $0x88, $3  }
0x1: {  	(tag) =	ssettag $0x0;
	lr =	simm.s32 $0x1  }
0x2: {  	[smem:$0x3F82] =	sst lr;
	_ =	strace $0xD0000000  }
0x3: {  	_ = 	snop  }
0x4: {  	_ = 	snop  }
0x5: {  	_ = 	snop  }
0x6: {  	_ = 	snop  }
0x7: {  	_ = 	snop  }
__scs_overlays_trampoline_lowered:
0x8: {  	[smem:$0x3F91] =	sst s0  }
0x9: {  	[smem:$0x3F92] =	sst s1  }
0xa: {  	[smem:$0x3F93] =	sst s2  }
0xb: {  	[smem:$0x3F94] =	sst s3  }
0xc: {  	[smem:$0x3F95] =	sst s4  }
0xd: {  	[smem:$0x3F96] =	sst s5  }
0xe: {  	[smem:$0x3F97] =	sst s6  }
0xf: {  	[smem:$0x3F98] =	sst s7  }
0x10: {  	[smem:$0x3F99] =	sst s8  }
0x11: {  	[smem:$0x3F9A] =	sst s9;
	s0 =	simm.s32 @!p0 $0x0  }
0x12: {  	s1 =	sld [smem:$0x3F80];
	s0 =	simm.s32 @p0 $0x1  }
0x13: {  	[smem:$0x3F9B] =	sst s0;
	s0 =	simm.s32 @!p1 $0x0  }
0x14: {  	s2 =	sld [smem:$0x3F7F];
	s0 =	simm.s32 @p1 $0x1  }
0x15: {  	[smem:$0x3F9C] =	sst s0;
	s0 =	simm.s32 @!p2 $0x0  }
0x16: {  	s3 =	sld [smem:$0x3FDB];
	s0 =	simm.s32 @p2 $0x1  }
0x17: {  	s4 =	simm.s32 $0x1BF5;
	[smem:$0x3F9E] =	sst s0  }
0x18: {  	s0 =	sld [smem:$0x3F81];
	_ =	swait.ge [sflag:s4], $0x0  }
0x19: {  	s7 =	sld [smem:$0x3F82]  }
0x1a: {  	s8 =	sadd.s32 $0xFFFFE003, lr  }
0x1b: {  	s9 =	sadd.s32 $0xFFFFFEF7, lr;
	s5 =	simm.s32 $0xFFFFFFFF;
	p2 =	slt.u32 s8, $0xFFFFF086  }
0x1c: {  	p1 =	slt.u32 s9, $0xF7A;
	s5 =	simm.s32 @!p2 $0x0  }
0x1d: {  	s5 =	simm.s32 @p1 $0x1;
	p0 =	seq.s32 s7, s2  }
0x1e: {  	s7 =	smul.u32 @!p0 $0xF7A, s2;
	p2 =	seq.s32 @!p0 s5, $0x0  }
0x1f: {  	s9 =	smul.u32 $0xF7A, s1;
	s8 =	simm.s32 @!p0 $0x1BF5;
	p2 =	por !p2, p0  }
0x20: {  	[sflag:s8] =	ssyncset.s32 @!p0 $0xFFFFF086;
	s6 =	sadd.s32 @!p0 s3, s7;
	s7 =	simm.s32 @!p0 $0x108  }
0x21: {  	s3 =	sadd.s32 s3, s9;
	s6 =	sadd.s32 @!p0 $0x88, s6;
	s7 =	simm.s32 @p2 $0x1082  }
0x22: {  	[simem:s7], [sflag:s8] =	dma.local @!p0 [hbm:s6], $0xF7A  }
0x23: {  	s9 =	sor.u32 $0xD0000000, s2;
	s6 =	simm.s32 $0x108;
	_ =	swait.ge @!p0 [sflag:s8], $0x0  }
0x24: {  	s3 =	sadd.s32 $0x88, s3;
	s6 =	simm.s32 @!p1 $0x1082;
	[sflag:s4] =	ssyncset.s32 $0xFFFFF086  }
0x25: {  	[simem:s6], [sflag:s4] =	dma.local [hbm:s3], $0xF7A  }
0x26: {  	[smem:$0x3F82] =	sst s1;
	(tag) =	ssettag s2;
	_ =	strace s9  }
0x27: {  	s1 =	sld [smem:$0x3F92]  }
0x28: {  	s2 =	sld [smem:$0x3F93]  }
0x29: {  	s4 =	sld [smem:$0x3F95]  }
0x2a: {  	p0 =	seq.s32 s5, $0x0;
	s5 =	sld [smem:$0x3F96]  }
0x2b: {  	s6 =	sld [smem:$0x3F97]  }
0x2c: {  	s7 =	sld [smem:$0x3F98]  }
0x2d: {  	s3 =	simm.s32 $0x108;
	s8 =	sld [smem:$0x3F99]  }
0x2e: {  	s3 =	simm.s32 @!p0 $0x1082;
	s9 =	sld [smem:$0x3F9A]  }
0x2f: {  	lr =	sadd.s32 s0, s3;
	s0 =	sld [smem:$0x3F91]  }
0x30: {  	s3 =	sld [smem:$0x3F94]  }
0x31: {  	[smem:$0x3F9D] =	sst s10  }
0x32: {  	s10 =	sld [smem:$0x3F9B];
	_ =	sdelay $0x3  }
0x33: {  	p0 =	seq.s32 s10, $0x1;
	s10 =	sld [smem:$0x3F9D];
	_ =	sdelay $0x3  }
0x34: {  	[smem:$0x3F9D] =	sst s10  }
0x35: {  	s10 =	sld [smem:$0x3F9C];
	_ =	sdelay $0x3  }
0x36: {  	p1 =	seq.s32 s10, $0x1;
	s10 =	sld [smem:$0x3F9D];
	_ =	sdelay $0x3  }
0x37: {  	[smem:$0x3F9D] =	sst s10  }
0x38: {  	s10 =	sld [smem:$0x3F9E]  }
0x39: {  	_ = 	snop;
	(pc) =	sbr.ind lr, $3  }
0x3a: {  	_ = 	snop  }
0x3b: {  	_ = 	snop  }
0x3c: {  	p2 =	seq.s32 s10, $0x1;
	s10 =	sld [smem:$0x3F9D]  }
0x3d: {  	_ =	shalt  }
0x3e: {  	_ =	shalt  }
0x3f: {  	_ =	shalt  }
0x40: {  	_ =	shalt  }
0x41: {  	_ =	shalt  }
0x42: {  	_ =	shalt  }
0x43: {  	_ =	shalt  }
0x44: {  	_ =	shalt  }
0x45: {  	_ =	shalt  }
0x46: {  	_ =	shalt  }
0x47: {  	_ =	shalt  }
0x48: {  	_ =	shalt  }
0x49: {  	_ =	shalt  }
0x4a: {  	_ =	shalt  }
0x4b: {  	_ =	shalt  }
0x4c: {  	_ =	shalt  }
0x4d: {  	_ =	shalt  }
0x4e: {  	_ =	shalt  }
0x4f: {  	_ =	shalt  }
0x50: {  	_ =	shalt  }
0x51: {  	_ =	shalt  }
0x52: {  	_ =	shalt  }
0x53: {  	_ =	shalt  }
0x54: {  	_ =	shalt  }
0x55: {  	_ =	shalt  }
0x56: {  	_ =	shalt  }
0x57: {  	_ =	shalt  }
0x58: {  	_ =	shalt  }
0x59: {  	_ =	shalt  }
0x5a: {  	_ =	shalt  }
0x5b: {  	_ =	shalt  }
0x5c: {  	_ =	shalt  }
0x5d: {  	_ =	shalt  }
0x5e: {  	_ =	shalt  }
0x5f: {  	_ =	shalt  }
0x60: {  	_ =	shalt  }
0x61: {  	_ =	shalt  }
0x62: {  	_ =	shalt  }
0x63: {  	_ =	shalt  }
0x64: {  	_ =	shalt  }
0x65: {  	_ =	shalt  }
0x66: {  	_ =	shalt  }
0x67: {  	_ =	shalt  }
0x68: {  	_ =	shalt  }
0x69: {  	_ =	shalt  }
0x6a: {  	_ =	shalt  }
0x6b: {  	_ =	shalt  }
0x6c: {  	_ =	shalt  }
0x6d: {  	_ =	shalt  }
0x6e: {  	_ =	shalt  }
0x6f: {  	_ =	shalt  }
0x70: {  	_ =	shalt  }
0x71: {  	_ =	shalt  }
0x72: {  	_ =	shalt  }
0x73: {  	_ =	shalt  }
0x74: {  	_ =	shalt  }
0x75: {  	_ =	shalt  }
0x76: {  	_ =	shalt  }
0x77: {  	_ =	shalt  }
0x78: {  	_ =	shalt  }
0x79: {  	_ =	shalt  }
0x7a: {  	_ =	shalt  }
0x7b: {  	_ =	shalt  }
0x7c: {  	_ =	shalt  }
0x7d: {  	_ =	shalt  }
0x7e: {  	_ =	shalt  }
0x7f: {  	_ =	shalt  }
0x80: {  	_ =	shalt  }
0x81: {  	_ =	shalt  }
0x82: {  	_ =	shalt  }
0x83: {  	_ =	shalt  }
0x84: {  	_ =	shalt  }
0x85: {  	_ =	shalt  }
0x86: {  	_ =	shalt  }
0x87: {  	_ =	shalt  }
.Lfunc_end0:
.L_simem_size_0:
called_computation_lowered:
.L_overlay_start_0:
0x88: {  	s2 =	sld [smem:$0x3FD9]  }
0x89: {  	s3 =	sld [smem:$0x3FFE];
	_ =	sdelay $0x1  }
0x8a: {  	s1 =	srdreg.scid  }
0x8b: {  	s0 =	sand.u32 $0x1, s1  }
0x8c: {  	s16 =	sshll.u32 s0, $0xA;
	s2 =	sadd.s32 s3, s2  }
0x8d: {  	s2 =	sadd.s32 s2, s16  }
0x8e: {  	[smem:$0x3FA9] =	sst s2  }
0x8f: {  	_ = 	snop  }
0x90: {  	(tm) =	ssettm $0x1  }
0x91: {  	s17 =	sld [smem:$0x3FFB];
	_ =	sdelay $0x3  }
0x92: {  	_ =	strace s17  }
0x93: {  	s2 =	sld [smem:$0x3FFC];
	_ =	sdelay $0x3  }
0x94: {  	_ =	strace s2  }
0x95: {  	s2 =	sld [smem:$0x3FFD];
	_ =	sdelay $0x3  }
0x96: {  	_ =	strace s2  }
0x97: {  	_ =	strace $0x8FFFFFFF  }
0x98: {  	s18 =	sld [smem:$0x3FDB];
	_ =	sdelay $0x1  }
0x99: {  	s19 =	simm.s32 $_scs_section_size  }
0x9a: {  	s4 =	simm.s32 $_size__tile_overlayer_lowered;
	s5 =	simm.s32 $_tile_overlayer_lowered  }
0x9b: {  	s22 =	simm.s32 $0x1BFF;
	s21 =	sshll.u32 s5, $0x1;
	s2 =	sadd.s32 s19, s18  }
0x9c: {  	s6 =	simm.s32 $0x0;
	s20 =	sshll.u32 s4, $0x1;
	s4 =	sadd.s32 s21, s2  }
0x9d: {  	[timem:s6], [sflag:s22] =	dma.local [hbm:s4], s20  }
0x9e: {  	_ =	swait.ge [sflag:s22], s20  }
0x9f: {  	s3 =	ssub.s32 $0x0, s20;
	[sflag:s22] =	ssyncset.done $0x0  }
0xa0: {  	[sflag:s22] =	ssyncadd.s32 s3;
	_ =	sdelay $0x1  }
0xa1: {  	s23 =	simm.s32 $0x1B8B  }
0xa2: {  	_ =	swait.ge [sflag:s23], $0x1  }
0xa3: {  	[sflag:s23] =	ssyncset.done $0x0  }
0xa4: {  	s25 =	simm.s32 $0x1B8E;
	s24 =	sld [smem:$0x3FFE];
	[sflag:s23] =	ssyncadd.s32 $0xFFFFFFFF  }
0xa5: {  	s26 =	simm.s32 $execute0_lowered;
	[smem:$0x3FD2] =	sst s25  }
0xa6: {  	s4 =	sshll.u32 s26, $0x1;
	_ =	strace $0x80000046;
	[dreg:$0x1] =	wrdreg $0xFFFFFFFF  }
0xa7: {  	s28 =	simm.s32 $_size_execute0_lowered;
	s2 =	sadd.s32 s2, s4;
	[dreg:$0x0] =	wrdreg $0x0  }
0xa8: {  	s4 =	sshll.u32 s28, $0x1;
	[dreg:$0x2] =	wrdreg s2  }
0xa9: {  	[dreg:$0x3] =	wrdreg s4  }
0xaa: {  	[dreg:$0x4] =	wrdreg $0xC0  }
0xab: {  	_ =	task [dreg:s6], $0x5FFFF  }
0xac: {  	[dreg:$0x1] =	wrdreg $0xFFFFFFFF  }
0xad: {  	[dreg:$0x0] =	wrdreg $0x60  }
0xae: {  	[dreg:$0x2] =	wrdreg s24  }
0xaf: {  	[dreg:$0x3] =	wrdreg $0x60800  }
0xb0: {  	[dreg:$0x4] =	wrdreg $0x9  }
0xb1: {  	_ =	task.clear_ibuf [dreg:s6], $0x5FFFF;
	_ =	strace $0x90000046  }
0xb2: {  	s29 =	simm.s32 $0x9;
	_ =	strace $0x80000048  }
0xb3: {  	_ =	swait.ge [sflag:s29], $0x1  }
0xb4: {  	[sflag:s29] =	ssyncadd.s32 $0xFFFFFFFF  }
0xb5: {  	_ =	strace $0x90000048  }
0xb6: {  	_ =	sfence  }
0xb7: {  	s30 =	sld [smem:$0x0];
	_ =	sdelay $0x2  }
0xb8: {  	s31 =	sshll.u32 s1, $0xD;
	s1 =	sshrl.u32 s1, $0x2  }
0xb9: {  	s3 =	sand.u32 $0x4000, s31;
	s1 =	sadd.s32 s1, s30  }
0xba: {  	s0 =	sor.u32 s3, s0;
	s1 =	sshll.u32 s1, $0x11  }
0xbb: {  	s0 =	sor.u32 s1, s0  }
0xbc: {  	s0 =	sadd.s32 $0x8F2B, s0  }
0xbd: {  	[sflag:s0] =	ssyncadd.remote.s32 $0x1  }
0xbe: {  	_ =	sfence.sel $0xFFFF  }
0xbf: {  	[dreg:$0x0] =	wrdreg $0xFFFFFFFF;
	(pc) =	sbr.abs _section_cstart, $3  }
0xc0: {  	[dreg:$0x1] =	wrdreg $0xFFFFFFFF  }
0xc1: {  	_ =	task.clear_ibuf [dreg:s6], $0x2FFFF;
	_ =	strace $0x9FFFFFFF  }
0xc2: {  	(tm) =	ssettm $0x7FFFFFFF  }
0xc3: {  	_ =	shalt  }
tec
execute0_lowered:
.L_overlay_start_1:
0x0: {  	(tag) =	ssettag $0x1  }
0x1: {  	s4 =	rddreg [dreg:$0x0]  }
0x2: {  	s0 =	srdreg.scid;
	s2 =	stileid.u32  }
0x3: {  	s1 =	rddreg [dreg:$0x1];
	s3 =	simm.s32 $0x0;
	s8 =	smul.u32 $0x50000, s2  }
0x4: {  	s17 =	simm.s32 $0x1;
	s5 =	sand.u32 $0x1, s0;
	s20 =	smul.u32 $0x2800, s2  }
0x5: {  	s18 =	simm.s32 $0x80;
	s0 =	rddreg [dreg:$0x2];
	s6 =	smul.u32 $0x5000, s5  }
0x6: {  	[smem:$0x7FF] =	sst s3;
	s7 =	smul.u32 $0x28000, s5;
	s5 =	ssub.s32 $0x2, s5  }
0x7: {  	s16 =	smul.u32 $0x500, s2;
	_ =	strace $0x80000047;
	s30 =	sshrl.u32 s5, $0x1  }
0x8: {  	s31 =	sshrl.u32 s8, $0x2;
	s15 =	sadd.s32 s6, s4;
	s7 =	sadd.s32 s7, s4  }
0x9: {  	s5 =	ssub.s32 s5, s30;
	s4 =	sadd.s32 s31, s1;
	s19 =	sadd.s32 $0xB800, s7  }
0xa: {  	s5 =	smax.u32 s5, $0x1;
	s6 =	sadd.s32 $0x2000, s4;
	s7 =	sadd.s32 $0x4000, s4  }
0xb: {  	s8 =	sadd.s32 $0x6000, s4;
	s9 =	sadd.s32 $0x8000, s4;
	s10 =	sadd.s32 $0xA000, s4  }
0xc: {  	s11 =	sadd.s32 $0xC000, s4;
	s12 =	sadd.s32 $0xE000, s4;
	s13 =	sadd.s32 $0x10000, s4  }
0xd: {  	s14 =	sadd.s32 $0x12000, s4;
	s15 =	sadd.s32 s16, s15;
	s16 =	simm.s32 $0x4080  }
0xe: {  	v0 =	vimm.f32 $1.000000000e+00;
	v1 =	vimm.f32 $0.0e+00;
	s15 =	sadd.s32 $0x1800, s15;
	s19 =	sadd.s32 s20, s19;
	s20 =	simm.s32 $0x0  }
.LBB2_1:
0xf: {  	s21 =	simm.s32 $0x0;
	s22 =	simm.s32 $0x200  }
.LBB2_2:
0x10: {  	p0 =	sne.s32 s22, $0xFE00;
	[tilespmem:s21+$0xF0] =	vst v0  }
0x11: {  	[tilespmem:s21+$0x80] =	vst v0  }
0x12: {  	[tilespmem:s21+$0x90] =	vst v0  }
.Ltmp0:
0x13: {  	[tilespmem:s21+$0xA0] =	vst v0;
	(pc) =	sbr.rel @p0 .LBB2_2-.Ltmp0, $4  }
0x14: {  	[tilespmem:s21+$0xB0] =	vst v0  }
0x15: {  	[tilespmem:s21+$0xC0] =	vst v0  }
0x16: {  	[tilespmem:s21+$0xD0] =	vst v0  }
0x17: {  	[tilespmem:s21+$0xE0] =	vst v0;
	s21 =	sshra.s32 s22, $0x2;
	s22 =	sadd.s32 $0x200, s22  }
0x18: {  	[tilespmem:s21+$0xF0] =	vst v0  }
0x19: {  	[tilespmem:s21+$0x80] =	vst v0  }
0x1a: {  	[tilespmem:s21+$0x90] =	vst v0  }
0x1b: {  	[tilespmem:s21+$0xA0] =	vst v0  }
0x1c: {  	[tilespmem:s21+$0xB0] =	vst v0  }
0x1d: {  	[tilespmem:s21+$0xC0] =	vst v0  }
0x1e: {  	[tilespmem:s21+$0xD0] =	vst v0  }
0x1f: {  	[tilespmem:s21+$0xE0] =	vst v0;
	s21 =	simm.s32 $0x0;
	s22 =	simm.s32 $0x200  }
.LBB2_4:
0x20: {  	p0 =	sne.s32 s22, $0x7E00;
	[tilespmem:s21+$0x40F0] =	vst v1  }
0x21: {  	[tilespmem:s21+$0x4080] =	vst v1  }
0x22: {  	[tilespmem:s21+$0x4090] =	vst v1  }
.Ltmp1:
0x23: {  	[tilespmem:s21+$0x40A0] =	vst v1;
	(pc) =	sbr.rel @p0 .LBB2_4-.Ltmp1, $4  }
0x24: {  	[tilespmem:s21+$0x40B0] =	vst v1  }
0x25: {  	[tilespmem:s21+$0x40C0] =	vst v1  }
0x26: {  	[tilespmem:s21+$0x40D0] =	vst v1  }
0x27: {  	[tilespmem:s21+$0x40E0] =	vst v1;
	s21 =	sshra.s32 s22, $0x2;
	s22 =	sadd.s32 $0x200, s22  }
0x28: {  	[tilespmem:s21+$0x40F0] =	vst v1  }
0x29: {  	[tilespmem:s21+$0x4080] =	vst v1  }
0x2a: {  	[tilespmem:s21+$0x4090] =	vst v1  }
0x2b: {  	[tilespmem:s21+$0x40A0] =	vst v1  }
0x2c: {  	[tilespmem:s21+$0x40B0] =	vst v1  }
0x2d: {  	[tilespmem:s21+$0x40C0] =	vst v1  }
0x2e: {  	[tilespmem:s21+$0x40D0] =	vst v1  }
0x2f: {  	[tilespmem:s21+$0x40E0] =	vst v1  }
0x30: {  	[spmem:s4] =	stream.linear.scatter [tilespmem:s16], [sflag:$0x1], $0x2000, $0x38;
	[tilespmem:$0x1A080] =	vst v63  }
0x31: {  	_ =	swait.ge [sflag:s17], $0x2000  }
0x32: {  	[sflag:s17] =	ssyncset.done $0x0  }
0x33: {  	[sflag:s17] =	ssyncadd.s32 $0xFFFFE000  }
0x34: {  	[spmem:s6] =	stream.linear.scatter [tilespmem:s16], [sflag:$0x1], $0x2000, $0x38;
	[tilespmem:$0x1A080] =	vst v63  }
0x35: {  	_ =	swait.ge [sflag:s17], $0x2000  }
0x36: {  	[sflag:s17] =	ssyncset.done $0x0  }
0x37: {  	[sflag:s17] =	ssyncadd.s32 $0xFFFFE000  }
0x38: {  	[spmem:s7] =	stream.linear.scatter [tilespmem:s16], [sflag:$0x1], $0x2000, $0x38;
	[tilespmem:$0x1A080] =	vst v63  }
0x39: {  	_ =	swait.ge [sflag:s17], $0x2000  }
0x3a: {  	[sflag:s17] =	ssyncset.done $0x0  }
0x3b: {  	[sflag:s17] =	ssyncadd.s32 $0xFFFFE000  }
0x3c: {  	[spmem:s8] =	stream.linear.scatter [tilespmem:s16], [sflag:$0x1], $0x2000, $0x38;
	[tilespmem:$0x1A080] =	vst v63  }
0x3d: {  	_ =	swait.ge [sflag:s17], $0x2000  }
0x3e: {  	[sflag:s17] =	ssyncset.done $0x0  }
0x3f: {  	[sflag:s17] =	ssyncadd.s32 $0xFFFFE000  }
0x40: {  	[spmem:s9] =	stream.linear.scatter [tilespmem:s16], [sflag:$0x1], $0x2000, $0x38;
	[tilespmem:$0x1A080] =	vst v63  }
0x41: {  	_ =	swait.ge [sflag:s17], $0x2000  }
0x42: {  	[sflag:s17] =	ssyncset.done $0x0  }
0x43: {  	[sflag:s17] =	ssyncadd.s32 $0xFFFFE000  }
0x44: {  	[spmem:s10] =	stream.linear.scatter [tilespmem:s16], [sflag:$0x1], $0x2000, $0x38;
	[tilespmem:$0x1A080] =	vst v63  }
0x45: {  	_ =	swait.ge [sflag:s17], $0x2000  }
0x46: {  	[sflag:s17] =	ssyncset.done $0x0  }
0x47: {  	[sflag:s17] =	ssyncadd.s32 $0xFFFFE000  }
0x48: {  	[spmem:s11] =	stream.linear.scatter [tilespmem:s16], [sflag:$0x1], $0x2000, $0x38;
	[tilespmem:$0x1A080] =	vst v63  }
0x49: {  	_ =	swait.ge [sflag:s17], $0x2000  }
0x4a: {  	[sflag:s17] =	ssyncset.done $0x0  }
0x4b: {  	[sflag:s17] =	ssyncadd.s32 $0xFFFFE000  }
0x4c: {  	[spmem:s12] =	stream.linear.scatter [tilespmem:s16], [sflag:$0x1], $0x2000, $0x38;
	[tilespmem:$0x1A080] =	vst v63  }
0x4d: {  	_ =	swait.ge [sflag:s17], $0x2000  }
0x4e: {  	[sflag:s17] =	ssyncset.done $0x0  }
0x4f: {  	[sflag:s17] =	ssyncadd.s32 $0xFFFFE000  }
0x50: {  	[spmem:s13] =	stream.linear.scatter [tilespmem:s16], [sflag:$0x1], $0x2000, $0x38;
	[tilespmem:$0x1A080] =	vst v63  }
0x51: {  	_ =	swait.ge [sflag:s17], $0x2000  }
0x52: {  	[sflag:s17] =	ssyncset.done $0x0  }
0x53: {  	[sflag:s17] =	ssyncadd.s32 $0xFFFFE000  }
0x54: {  	[spmem:s14] =	stream.linear.scatter [tilespmem:s16], [sflag:$0x1], $0x2000, $0x38;
	[tilespmem:$0x1A080] =	vst v63  }
0x55: {  	_ =	swait.ge [sflag:s17], $0x2000  }
0x56: {  	[sflag:s17] =	ssyncset.done $0x0  }
0x57: {  	[sflag:s17] =	ssyncadd.s32 $0xFFFFE000  }
0x58: {  	s31 =	sadd.s32 $0x0, s15;
	[bflag:$0x0] =	sbarrier.arrive $0xFFFF  }
0x59: {  	[tilespmem:s3], [sflag:$0x1] =	stream.linear.gather [hbm4b:s31+s3], $0x80, $0x38;
	[tilespmem:$0x1A080] =	vst v63  }
0x5a: {  	_ =	swait.ge [sflag:s17], $0x80  }
0x5b: {  	[sflag:s17] =	ssyncset.done $0x0  }
0x5c: {  	[sflag:s17] =	ssyncadd.s32 $0xFFFFFF80  }
0x5d: {  	[spmem:s1] =	stream.indirect.scatter.add.f32 [tilespmem:s18], [sflag:$0x1], $0x80, s3, s18, $0xb8;
	[tilespmem:$0x1A080] =	vst v63  }
0x5e: {  	_ =	swait.ge [sflag:s17], $0x4000  }
0x5f: {  	s21 =	simm.s32 $0x10;
	s22 =	simm.s32 $0x20;
	[sflag:s17] =	ssyncset.done $0x0  }
.LBB2_6:
0x60: {  	s23 =	sadd.s32 s21, s15  }
0x61: {  	[sflag:s17] =	ssyncadd.s32 $0xFFFFC000;
	s21 =	smov.u32 s22;
	s24 =	sadd.s32 $0x10, s22  }
0x62: {  	[tilespmem:s3], [sflag:$0x1] =	stream.linear.gather [hbm4b:s23+s3], $0x80, $0x38;
	[tilespmem:$0x1A080] =	vst v63  }
0x63: {  	p0 =	sne.s32 s22, $0x4F0;
	_ =	swait.ge [sflag:s17], $0x80  }
.Ltmp2:
0x64: {  	[sflag:s17] =	ssyncset.done $0x0;
	(pc) =	sbr.rel @p0 .LBB2_6-.Ltmp2, $4  }
0x65: {  	[sflag:s17] =	ssyncadd.s32 $0xFFFFFF80  }
0x66: {  	[spmem:s1] =	stream.indirect.scatter.add.f32 [tilespmem:s18], [sflag:$0x1], $0x80, s3, s18, $0xb8;
	[tilespmem:$0x1A080] =	vst v63  }
0x67: {  	_ =	swait.ge [sflag:s17], $0x4000  }
0x68: {  	s22 =	smov.u32 s24;
	[sflag:s17] =	ssyncset.done $0x0  }
0x69: {  	s21 =	sadd.s32 s21, s15;
	[sflag:s17] =	ssyncadd.s32 $0xFFFFC000  }
0x6a: {  	[tilespmem:s3], [sflag:$0x1] =	stream.linear.gather [hbm4b:s21+s3], $0x80, $0x38;
	[tilespmem:$0x1A080] =	vst v63  }
0x6b: {  	_ =	swait.ge [sflag:s17], $0x80  }
0x6c: {  	[sflag:s17] =	ssyncset.done $0x0  }
0x6d: {  	[sflag:s17] =	ssyncadd.s32 $0xFFFFFF80  }
0x6e: {  	[spmem:s1] =	stream.indirect.scatter.add.f32 [tilespmem:s18], [sflag:$0x1], $0x80, s3, s18, $0xb8;
	[tilespmem:$0x1A080] =	vst v63  }
0x6f: {  	_ =	swait.ge [sflag:s17], $0x4000  }
0x70: {  	s31 =	sshll.u32 s2, $0x6;
	s20 =	sadd.s32 $0x1, s20;
	[sflag:s17] =	ssyncset.done $0x0  }
0x71: {  	s22 =	sshrl.u32 s4, $0x3;
	p0 =	sne.s32 s20, s5;
	[sflag:s17] =	ssyncadd.s32 $0xFFFFC000  }
.Ltmp3:
0x72: {  	s21 =	sor.u32 $0x1C01, s31;
	[bflag:$0x0] =	sbarrier.arrive $0xFFFF;
	(pc) =	sbr.rel @p0 .LBB2_1-.Ltmp3, $4  }
0x73: {  	[hbm:s19], [sflag:s21] =	dma.local [spmem:s22], $0x2800  }
0x74: {  	_ =	swait.ge [sflag:s17], $0x2800  }
0x75: {  	[sflag:s17] =	ssyncset.done $0x0  }
0x76: {  	[sflag:s17] =	ssyncadd.s32 $0xFFFFD800  }
0x77: {  	_ =	sfence.sel $0x180000  }
0x78: {  	[bflag:$0x0] =	sbarrier.arrive $0xFFFF  }
0x79: {  	p0 =	sne.s32 s2, $0x0;
	_ =	strace $0x90000047  }
0x7a: {  	s0 =	sadd.s32 @!p0 $0x100000, s0;
	[bflag:$0x2] =	sbarrier.arrive $0xFFFF  }
0x7b: {  	[sflag:s0] =	ssyncadd.tile.s32 @!p0 $0x1;
	_ =	shalt  }
.Lfunc_end2:
_tile_overlayer_lowered:
.L_overlay_start_2:
0x7c: {  	(tag) =	ssettag $0x2  }
0x7d: {  	s0 =	rddreg [dreg:$0x0];
	s2 =	stileid.u32  }
0x7e: {  	s1 =	rddreg [dreg:$0x1];
	p0 =	sne.s32 s2, $0x0  }
0x7f: {  	s3 =	rddreg [dreg:$0x2];
	[bflag:$0x3] =	sbarrier.arrive $0xFFFF;
	s2 =	simm.s32 @!p0 $0x1C01  }
0x80: {  	[timem:s3], [sflag:s2] =	dma.local @!p0 [hbm:s0], s1  }
0x81: {  	s0 =	simm.s32 @!p0 $0x1  }
0x82: {  	_ =	swait.ge @!p0 [sflag:s0], s1  }
0x83: {  	s1 =	ssub.s32 @!p0 $0x0, s1;
	[sflag:s0] =	ssyncset.done @!p0 $0x0  }
0x84: {  	[sflag:s0] =	ssyncadd.s32 @!p0 s1  }
0x85: {  	[bflag:$0x3] =	sbarrier.arrive $0xFFFF  }
0x86: {  	_ =	shalt  }

// kernel: kernel.15.cloned.1.call-start
scs
__scs_entry_jumppad:
0x0: {  	(pc) =	sbr.rel $0x88, $3  }
0x1: {  	(tag) =	ssettag $0x0;
	lr =	simm.s32 $0x1  }
0x2: {  	[smem:$0x3F82] =	sst lr;
	_ =	strace $0xD0000000  }
0x3: {  	_ = 	snop  }
0x4: {  	_ = 	snop  }
0x5: {  	_ = 	snop  }
0x6: {  	_ = 	snop  }
0x7: {  	_ = 	snop  }
__scs_overlays_trampoline_lowered:
0x8: {  	[smem:$0x3F91] =	sst s0  }
0x9: {  	[smem:$0x3F92] =	sst s1  }
0xa: {  	[smem:$0x3F93] =	sst s2  }
0xb: {  	[smem:$0x3F94] =	sst s3  }
0xc: {  	[smem:$0x3F95] =	sst s4  }
0xd: {  	[smem:$0x3F96] =	sst s5  }
0xe: {  	[smem:$0x3F97] =	sst s6  }
0xf: {  	[smem:$0x3F98] =	sst s7  }
0x10: {  	[smem:$0x3F99] =	sst s8  }
0x11: {  	[smem:$0x3F9A] =	sst s9;
	s0 =	simm.s32 @!p0 $0x0  }
0x12: {  	s1 =	sld [smem:$0x3F80];
	s0 =	simm.s32 @p0 $0x1  }
0x13: {  	[smem:$0x3F9B] =	sst s0;
	s0 =	simm.s32 @!p1 $0x0  }
0x14: {  	s2 =	sld [smem:$0x3F7F];
	s0 =	simm.s32 @p1 $0x1  }
0x15: {  	[smem:$0x3F9C] =	sst s0;
	s0 =	simm.s32 @!p2 $0x0  }
0x16: {  	s3 =	sld [smem:$0x3FDB];
	s0 =	simm.s32 @p2 $0x1  }
0x17: {  	s4 =	simm.s32 $0x1BF5;
	[smem:$0x3F9E] =	sst s0  }
0x18: {  	s0 =	sld [smem:$0x3F81];
	_ =	swait.ge [sflag:s4], $0x0  }
0x19: {  	s7 =	sld [smem:$0x3F82]  }
0x1a: {  	s8 =	sadd.s32 $0xFFFFE003, lr  }
0x1b: {  	s9 =	sadd.s32 $0xFFFFFEF7, lr;
	s5 =	simm.s32 $0xFFFFFFFF;
	p2 =	slt.u32 s8, $0xFFFFF086  }
0x1c: {  	p1 =	slt.u32 s9, $0xF7A;
	s5 =	simm.s32 @!p2 $0x0  }
0x1d: {  	s5 =	simm.s32 @p1 $0x1;
	p0 =	seq.s32 s7, s2  }
0x1e: {  	s7 =	smul.u32 @!p0 $0xF7A, s2;
	p2 =	seq.s32 @!p0 s5, $0x0  }
0x1f: {  	s9 =	smul.u32 $0xF7A, s1;
	s8 =	simm.s32 @!p0 $0x1BF5;
	p2 =	por !p2, p0  }
0x20: {  	[sflag:s8] =	ssyncset.s32 @!p0 $0xFFFFF086;
	s6 =	sadd.s32 @!p0 s3, s7;
	s7 =	simm.s32 @!p0 $0x108  }
0x21: {  	s3 =	sadd.s32 s3, s9;
	s6 =	sadd.s32 @!p0 $0x88, s6;
	s7 =	simm.s32 @p2 $0x1082  }
0x22: {  	[simem:s7], [sflag:s8] =	dma.local @!p0 [hbm:s6], $0xF7A  }
0x23: {  	s9 =	sor.u32 $0xD0000000, s2;
	s6 =	simm.s32 $0x108;
	_ =	swait.ge @!p0 [sflag:s8], $0x0  }
0x24: {  	s3 =	sadd.s32 $0x88, s3;
	s6 =	simm.s32 @!p1 $0x1082;
	[sflag:s4] =	ssyncset.s32 $0xFFFFF086  }
0x25: {  	[simem:s6], [sflag:s4] =	dma.local [hbm:s3], $0xF7A  }
0x26: {  	[smem:$0x3F82] =	sst s1;
	(tag) =	ssettag s2;
	_ =	strace s9  }
0x27: {  	s1 =	sld [smem:$0x3F92]  }
0x28: {  	s2 =	sld [smem:$0x3F93]  }
0x29: {  	s4 =	sld [smem:$0x3F95]  }
0x2a: {  	p0 =	seq.s32 s5, $0x0;
	s5 =	sld [smem:$0x3F96]  }
0x2b: {  	s6 =	sld [smem:$0x3F97]  }
0x2c: {  	s7 =	sld [smem:$0x3F98]  }
0x2d: {  	s3 =	simm.s32 $0x108;
	s8 =	sld [smem:$0x3F99]  }
0x2e: {  	s3 =	simm.s32 @!p0 $0x1082;
	s9 =	sld [smem:$0x3F9A]  }
0x2f: {  	lr =	sadd.s32 s0, s3;
	s0 =	sld [smem:$0x3F91]  }
0x30: {  	s3 =	sld [smem:$0x3F94]  }
0x31: {  	[smem:$0x3F9D] =	sst s10  }
0x32: {  	s10 =	sld [smem:$0x3F9B];
	_ =	sdelay $0x3  }
0x33: {  	p0 =	seq.s32 s10, $0x1;
	s10 =	sld [smem:$0x3F9D];
	_ =	sdelay $0x3  }
0x34: {  	[smem:$0x3F9D] =	sst s10  }
0x35: {  	s10 =	sld [smem:$0x3F9C];
	_ =	sdelay $0x3  }
0x36: {  	p1 =	seq.s32 s10, $0x1;
	s10 =	sld [smem:$0x3F9D];
	_ =	sdelay $0x3  }
0x37: {  	[smem:$0x3F9D] =	sst s10  }
0x38: {  	s10 =	sld [smem:$0x3F9E]  }
0x39: {  	_ = 	snop;
	(pc) =	sbr.ind lr, $3  }
0x3a: {  	_ = 	snop  }
0x3b: {  	_ = 	snop  }
0x3c: {  	p2 =	seq.s32 s10, $0x1;
	s10 =	sld [smem:$0x3F9D]  }
0x3d: {  	_ =	shalt  }
0x3e: {  	_ =	shalt  }
0x3f: {  	_ =	shalt  }
0x40: {  	_ =	shalt  }
0x41: {  	_ =	shalt  }
0x42: {  	_ =	shalt  }
0x43: {  	_ =	shalt  }
0x44: {  	_ =	shalt  }
0x45: {  	_ =	shalt  }
0x46: {  	_ =	shalt  }
0x47: {  	_ =	shalt  }
0x48: {  	_ =	shalt  }
0x49: {  	_ =	shalt  }
0x4a: {  	_ =	shalt  }
0x4b: {  	_ =	shalt  }
0x4c: {  	_ =	shalt  }
0x4d: {  	_ =	shalt  }
0x4e: {  	_ =	shalt  }
0x4f: {  	_ =	shalt  }
0x50: {  	_ =	shalt  }
0x51: {  	_ =	shalt  }
0x52: {  	_ =	shalt  }
0x53: {  	_ =	shalt  }
0x54: {  	_ =	shalt  }
0x55: {  	_ =	shalt  }
0x56: {  	_ =	shalt  }
0x57: {  	_ =	shalt  }
0x58: {  	_ =	shalt  }
0x59: {  	_ =	shalt  }
0x5a: {  	_ =	shalt  }
0x5b: {  	_ =	shalt  }
0x5c: {  	_ =	shalt  }
0x5d: {  	_ =	shalt  }
0x5e: {  	_ =	shalt  }
0x5f: {  	_ =	shalt  }
0x60: {  	_ =	shalt  }
0x61: {  	_ =	shalt  }
0x62: {  	_ =	shalt  }
0x63: {  	_ =	shalt  }
0x64: {  	_ =	shalt  }
0x65: {  	_ =	shalt  }
0x66: {  	_ =	shalt  }
0x67: {  	_ =	shalt  }
0x68: {  	_ =	shalt  }
0x69: {  	_ =	shalt  }
0x6a: {  	_ =	shalt  }
0x6b: {  	_ =	shalt  }
0x6c: {  	_ =	shalt  }
0x6d: {  	_ =	shalt  }
0x6e: {  	_ =	shalt  }
0x6f: {  	_ =	shalt  }
0x70: {  	_ =	shalt  }
0x71: {  	_ =	shalt  }
0x72: {  	_ =	shalt  }
0x73: {  	_ =	shalt  }
0x74: {  	_ =	shalt  }
0x75: {  	_ =	shalt  }
0x76: {  	_ =	shalt  }
0x77: {  	_ =	shalt  }
0x78: {  	_ =	shalt  }
0x79: {  	_ =	shalt  }
0x7a: {  	_ =	shalt  }
0x7b: {  	_ =	shalt  }
0x7c: {  	_ =	shalt  }
0x7d: {  	_ =	shalt  }
0x7e: {  	_ =	shalt  }
0x7f: {  	_ =	shalt  }
0x80: {  	_ =	shalt  }
0x81: {  	_ =	shalt  }
0x82: {  	_ =	shalt  }
0x83: {  	_ =	shalt  }
0x84: {  	_ =	shalt  }
0x85: {  	_ =	shalt  }
0x86: {  	_ =	shalt  }
0x87: {  	_ =	shalt  }
.Lfunc_end0:
.L_simem_size_0:
called_computation.1_lowered:
.L_overlay_start_0:
0x88: {  	s2 =	sld [smem:$0x3FD9]  }
0x89: {  	s3 =	sld [smem:$0x3FFE];
	_ =	sdelay $0x1  }
0x8a: {  	s1 =	srdreg.scid  }
0x8b: {  	s0 =	sand.u32 $0x1, s1  }
0x8c: {  	s15 =	sshll.u32 s0, $0xA;
	s2 =	sadd.s32 s3, s2  }
0x8d: {  	s2 =	sadd.s32 s2, s15  }
0x8e: {  	[smem:$0x3FA9] =	sst s2  }
0x8f: {  	_ = 	snop  }
0x90: {  	s2 =	sld [smem:$0x3FD0];
	_ =	sdelay $0x2  }
0x91: {  	s16 =	simm.s32 $0xB;
	s4 =	simm.s32 $0x10  }
0x92: {  	[smem:s4], [sflag:s16] =	dma.local [hbm:s2], $0x1  }
0x93: {  	_ =	swait.eq [sflag:s16], $0x1  }
0x94: {  	[sflag:s16] =	ssyncset.done $0x0  }
0x95: {  	[sflag:s16] =	ssyncadd.s32 $0xFFFFFFFF  }
0x96: {  	s17 =	sld [smem:$0x13];
	(tm) =	ssettm $0x1  }
0x97: {  	s18 =	sld [smem:$0x3FFB];
	_ =	sdelay $0x3  }
0x98: {  	_ =	strace s18  }
0x99: {  	s2 =	sld [smem:$0x3FFC];
	_ =	sdelay $0x3  }
0x9a: {  	_ =	strace s2  }
0x9b: {  	s2 =	sld [smem:$0x3FFD];
	_ =	sdelay $0x3  }
0x9c: {  	_ =	strace s2  }
0x9d: {  	_ =	strace $0x8FFFFFFF  }
0x9e: {  	s19 =	sld [smem:$0x3FDB];
	_ =	sdelay $0x1  }
0x9f: {  	s20 =	simm.s32 $_scs_section_size  }
0xa0: {  	s5 =	simm.s32 $_size__tile_overlayer_lowered;
	s6 =	simm.s32 $_tile_overlayer_lowered  }
0xa1: {  	s7 =	simm.s32 $0x1BFF;
	s21 =	sshll.u32 s6, $0x1;
	s4 =	sadd.s32 s20, s19  }
0xa2: {  	s22 =	simm.s32 $0x0;
	s5 =	sshll.u32 s5, $0x1;
	s6 =	sadd.s32 s21, s4  }
0xa3: {  	[timem:s22], [sflag:s7] =	dma.local [hbm:s6], s5  }
0xa4: {  	_ =	swait.ge [sflag:s7], s5  }
0xa5: {  	s5 =	ssub.s32 $0x0, s5;
	[sflag:s7] =	ssyncset.done $0x0  }
0xa6: {  	[sflag:s7] =	ssyncadd.s32 s5;
	_ =	sdelay $0x1  }
0xa7: {  	s23 =	simm.s32 $0x1B8B  }
0xa8: {  	_ =	swait.ge [sflag:s23], $0x1  }
0xa9: {  	[sflag:s23] =	ssyncset.done $0x0  }
0xaa: {  	[sflag:s23] =	ssyncadd.s32 $0xFFFFFFFF  }
0xab: {  	s5 =	sld [smem:$0x0]  }
0xac: {  	s6 =	sand.u32 $0xFFFFFFFE, s1  }
0xad: {  	p0 =	sne.s32 s1, s6  }
0xae: {  	s6 =	sshll.u32 @p0 s6, $0xE  }
0xaf: {  	s6 =	sadd.s32 @p0 $0x11B8D, s6;
	s7 =	sshll.u32 @p0 s5, $0x11  }
0xb0: {  	s6 =	sor.u32 @p0 s7, s6  }
0xb1: {  	[sflag:s6] =	ssyncadd.remote.s32 @p0 $0x1;
	_ =	sdelay $0x1  }
0xb2: {  	s6 =	simm.s32 @p0 $0x1B8D  }
0xb3: {  	_ =	swait.eq @p0 [sflag:s6], $0x1  }
0xb4: {  	[sflag:s6] =	ssyncadd.s32 @p0 $0xFFFFFFFF  }
0xb5: {  	s7 =	sshll.u32 @!p0 s1, $0xE  }
0xb6: {  	s7 =	sor.u32 @!p0 $0x4000, s7;
	s6 =	simm.s32 @!p0 $0x1B8D  }
0xb7: {  	s5 =	sshll.u32 @!p0 s5, $0x11;
	s7 =	sadd.s32 @!p0 $0x11B8D, s7;
	_ =	swait.eq @!p0 [sflag:s6], $0x1  }
0xb8: {  	s5 =	sor.u32 @!p0 s5, s7;
	[sflag:s6] =	ssyncadd.s32 @!p0 $0xFFFFFFFF  }
0xb9: {  	s25 =	simm.s32 $0x1B8E;
	s24 =	sld [smem:$0x3FFE];
	[sflag:s5] =	ssyncadd.remote.s32 @!p0 $0x1  }
0xba: {  	s26 =	simm.s32 $execute0_lowered;
	[smem:$0x3FD2] =	sst s25  }
0xbb: {  	s6 =	sshll.u32 s26, $0x1;
	_ =	strace $0x80000049;
	[dreg:$0x1] =	wrdreg $0xFFFFFFFF  }
0xbc: {  	s28 =	simm.s32 $_size_execute0_lowered;
	s4 =	sadd.s32 s4, s6;
	[dreg:$0x0] =	wrdreg $0x0  }
0xbd: {  	s6 =	sshll.u32 s28, $0x1;
	[dreg:$0x2] =	wrdreg s4  }
0xbe: {  	[dreg:$0x3] =	wrdreg s6  }
0xbf: {  	[dreg:$0x4] =	wrdreg $0xC0  }
0xc0: {  	_ =	task [dreg:s22], $0x5FFFF  }
0xc1: {  	[dreg:$0x1] =	wrdreg $0xFFFFFFFF  }
0xc2: {  	[dreg:$0x0] =	wrdreg $0x60  }
0xc3: {  	[dreg:$0x2] =	wrdreg s17  }
0xc4: {  	[dreg:$0x3] =	wrdreg s24  }
0xc5: {  	[dreg:$0x4] =	wrdreg $0xA2000  }
0xc6: {  	[dreg:$0x5] =	wrdreg $0xA  }
0xc7: {  	_ =	task.clear_ibuf [dreg:s22], $0x6FFFF;
	_ =	strace $0x90000049  }
0xc8: {  	s29 =	simm.s32 $0xA;
	_ =	strace $0x8000004B  }
0xc9: {  	_ =	swait.ge [sflag:s29], $0x1  }
0xca: {  	[sflag:s29] =	ssyncadd.s32 $0xFFFFFFFF  }
0xcb: {  	_ =	strace $0x9000004B  }
0xcc: {  	_ =	sfence  }
0xcd: {  	s30 =	sld [smem:$0x0];
	_ =	sdelay $0x2  }
0xce: {  	s31 =	sshll.u32 s1, $0xD;
	s1 =	sshrl.u32 s1, $0x2  }
0xcf: {  	s4 =	sand.u32 $0x4000, s31;
	s1 =	sadd.s32 s1, s30  }
0xd0: {  	s0 =	sor.u32 s4, s0;
	s1 =	sshll.u32 s1, $0x11  }
0xd1: {  	s0 =	sor.u32 s1, s0  }
0xd2: {  	s0 =	sadd.s32 $0x8F2B, s0  }
0xd3: {  	[sflag:s0] =	ssyncadd.remote.s32 $0x1  }
0xd4: {  	_ =	sfence.sel $0xFFFF  }
0xd5: {  	[dreg:$0x0] =	wrdreg $0xFFFFFFFF;
	(pc) =	sbr.abs _section_cstart, $3  }
0xd6: {  	[dreg:$0x1] =	wrdreg $0xFFFFFFFF  }
0xd7: {  	_ =	task.clear_ibuf [dreg:s22], $0x2FFFF;
	_ =	strace $0x9FFFFFFF  }
0xd8: {  	(tm) =	ssettm $0x7FFFFFFF  }
0xd9: {  	_ =	shalt  }
tec
execute0_lowered:
.L_overlay_start_1:
0x0: {  	(tag) =	ssettag $0x1  }
0x1: {  	s1 =	rddreg [dreg:$0x0]  }
0x2: {  	s0 =	rddreg [dreg:$0x1]  }
0x3: {  	s2 =	rddreg [dreg:$0x2];
	s3 =	simm.s32 $0x0;
	s12 =	stileid.u32  }
0x4: {  	s4 =	srdreg.scid;
	s30 =	simm.s32 $0x8200;
	s9 =	smul.u32 $0x50000, s12  }
0x5: {  	s31 =	simm.s32 $0x5;
	[smem:$0x7FF] =	sst s3;
	s18 =	smul.u32 $0x2800, s12  }
0x6: {  	s6 =	sadd.s32 $0x5B800, s0;
	s4 =	sand.u32 $0x1, s4;
	s20 =	smul.u32 $0x50, s12  }
0x7: {  	s10 =	sadd.s32 $0x1800, s0;
	_ =	strace $0x8000004A;
	s5 =	smul.u32 $0x28000, s4  }
0x8: {  	s7 =	sshll.u32 s4, $0x4;
	s8 =	ssub.s32 $0x2, s4;
	s4 =	smul.u32 $0x500, s4  }
0x9: {  	s7 =	sor.u32 s12, s7;
	s11 =	sshrl.u32 s8, $0x1;
	s13 =	sshrl.u32 s9, $0x2  }
0xa: {  	s12 =	simm.s32 $0x2;
	s7 =	smul.u32 $0x500, s7;
	s0 =	sadd.s32 s5, s0  }
0xb: {  	s8 =	ssub.s32 s8, s11;
	s5 =	sadd.s32 s13, s2;
	s4 =	sadd.s32 s20, s4  }
0xc: {  	s11 =	simm.s32 $0x4200;
	s13 =	simm.s32 $0x0;
	s0 =	sadd.s32 $0x65800, s0  }
0xd: {  	s8 =	smax.u32 s8, $0x1;
	s19 =	sadd.s32 $0x2000, s5;
	s21 =	sadd.s32 $0x4000, s5  }
0xe: {  	s22 =	sadd.s32 $0x6000, s5;
	s24 =	sadd.s32 $0x8000, s5;
	[dreg:$0x8] =	wrdreg s8  }
0xf: {  	s4 =	sshll.u32 s4, $0x4;
	s28 =	sadd.s32 $0x10000, s5;
	[dreg:$0x9] =	wrdreg s19  }
0x10: {  	s29 =	sadd.s32 $0x12000, s5;
	s14 =	sadd.s32 s6, s7;
	[dreg:$0xa] =	wrdreg s21  }
0x11: {  	s15 =	sor.u32 $0x10, s7;
	s16 =	sadd.s32 s10, s7;
	[dreg:$0xb] =	wrdreg s22  }
0x12: {  	s23 =	sadd.s32 $0x4F0, s7;
	[dreg:$0xc] =	wrdreg s24;
	s7 =	sadd.s32 $0x4E0, s7  }
0x13: {  	s26 =	sor.u32 $0x20, s4;
	s21 =	sadd.s32 $0xA000, s5;
	s22 =	sadd.s32 s18, s0  }
0x14: {  	s0 =	simm.s32 $0x100;
	s8 =	simm.s32 $0x180;
	[dreg:$0x4] =	wrdreg s14  }
0x15: {  	[dreg:$0x5] =	wrdreg s16;
	s17 =	sadd.s32 s6, s15;
	s9 =	sadd.s32 s10, s15  }
0x16: {  	s15 =	sadd.s32 s6, s23;
	s16 =	sadd.s32 s10, s23;
	s25 =	sadd.s32 s6, s7  }
0x17: {  	s7 =	sadd.s32 s10, s7;
	s19 =	sadd.s32 s26, s6;
	[dreg:$0x6] =	wrdreg s17  }
0x18: {  	s20 =	sadd.s32 s26, s10;
	s6 =	sadd.s32 s4, s6;
	[dreg:$0x7] =	wrdreg s9  }
0x19: {  	s4 =	sadd.s32 s4, s10;
	s23 =	sadd.s32 $0xC000, s5;
	[dreg:$0xd] =	wrdreg s25  }
0x1a: {  	s26 =	sadd.s32 $0xE000, s5;
	s10 =	simm.s32 $0x1;
	[dreg:$0xe] =	wrdreg s7  }
0x1b: {  	s24 =	sadd.s32 $0x30, s6;
	s25 =	sadd.s32 $0x30, s4;
	s4 =	simm.s32 $0x3  }
0x1c: {  	v0 =	vimm.f32 $0.0e+00;
	s6 =	simm.s32 $0x80;
	s7 =	simm.s32 $0x200;
	s9 =	simm.s32 $0x4  }
.LBB2_1:
0x1d: {  	s14 =	simm.s32 $0x0;
	s17 =	simm.s32 $0x200  }
.LBB2_2:
0x1e: {  	p0 =	sne.s32 s17, $0x7E00;
	[tilespmem:s14+$0x8270] =	vst v0  }
0x1f: {  	[tilespmem:s14+$0x8200] =	vst v0  }
0x20: {  	[tilespmem:s14+$0x8210] =	vst v0  }
.Ltmp0:
0x21: {  	[tilespmem:s14+$0x8220] =	vst v0;
	(pc) =	sbr.rel @p0 .LBB2_2-.Ltmp0, $4  }
0x22: {  	[tilespmem:s14+$0x8230] =	vst v0  }
0x23: {  	[tilespmem:s14+$0x8240] =	vst v0  }
0x24: {  	[tilespmem:s14+$0x8250] =	vst v0  }
0x25: {  	[tilespmem:s14+$0x8260] =	vst v0;
	s14 =	sshra.s32 s17, $0x2;
	s17 =	sadd.s32 $0x200, s17  }
0x26: {  	[tilespmem:s14+$0x8270] =	vst v0  }
0x27: {  	[tilespmem:s14+$0x8200] =	vst v0  }
0x28: {  	[tilespmem:s14+$0x8210] =	vst v0  }
0x29: {  	[tilespmem:s14+$0x8220] =	vst v0  }
0x2a: {  	[tilespmem:s14+$0x8230] =	vst v0  }
0x2b: {  	[tilespmem:s14+$0x8240] =	vst v0  }
0x2c: {  	[tilespmem:s14+$0x8250] =	vst v0  }
0x2d: {  	[tilespmem:s14+$0x8260] =	vst v0  }
0x2e: {  	[spmem:s5] =	stream.linear.scatter [tilespmem:s30], [sflag:$0x5], $0x2000, $0x38;
	[tilespmem:$0x1E200] =	vst v63  }
0x2f: {  	_ =	swait.ge [sflag:s31], $0x2000  }
0x30: {  	[sflag:s31] =	ssyncset.done $0x0  }
0x31: {  	s18 =	rddreg [dreg:$0x9];
	[sflag:s31] =	ssyncadd.s32 $0xFFFFE000  }
0x32: {  	[spmem:s18] =	stream.linear.scatter [tilespmem:s30], [sflag:$0x5], $0x2000, $0x38;
	[tilespmem:$0x1E200] =	vst v63  }
0x33: {  	_ =	swait.ge [sflag:s31], $0x2000  }
0x34: {  	[sflag:s31] =	ssyncset.done $0x0  }
0x35: {  	s17 =	rddreg [dreg:$0xa];
	[sflag:s31] =	ssyncadd.s32 $0xFFFFE000  }
0x36: {  	[spmem:s17] =	stream.linear.scatter [tilespmem:s30], [sflag:$0x5], $0x2000, $0x38;
	[tilespmem:$0x1E200] =	vst v63  }
0x37: {  	_ =	swait.ge [sflag:s31], $0x2000  }
0x38: {  	[sflag:s31] =	ssyncset.done $0x0  }
0x39: {  	s18 =	rddreg [dreg:$0xb];
	[sflag:s31] =	ssyncadd.s32 $0xFFFFE000  }
0x3a: {  	[spmem:s18] =	stream.linear.scatter [tilespmem:s30], [sflag:$0x5], $0x2000, $0x38;
	[tilespmem:$0x1E200] =	vst v63  }
0x3b: {  	_ =	swait.ge [sflag:s31], $0x2000  }
0x3c: {  	[sflag:s31] =	ssyncset.done $0x0  }
0x3d: {  	s17 =	rddreg [dreg:$0xc];
	[sflag:s31] =	ssyncadd.s32 $0xFFFFE000  }
0x3e: {  	[spmem:s17] =	stream.linear.scatter [tilespmem:s30], [sflag:$0x5], $0x2000, $0x38;
	[tilespmem:$0x1E200] =	vst v63  }
0x3f: {  	_ =	swait.ge [sflag:s31], $0x2000  }
0x40: {  	[sflag:s31] =	ssyncset.done $0x0  }
0x41: {  	[sflag:s31] =	ssyncadd.s32 $0xFFFFE000  }
0x42: {  	[spmem:s21] =	stream.linear.scatter [tilespmem:s30], [sflag:$0x5], $0x2000, $0x38;
	[tilespmem:$0x1E200] =	vst v63  }
0x43: {  	_ =	swait.ge [sflag:s31], $0x2000  }
0x44: {  	[sflag:s31] =	ssyncset.done $0x0  }
0x45: {  	[sflag:s31] =	ssyncadd.s32 $0xFFFFE000  }
0x46: {  	[spmem:s23] =	stream.linear.scatter [tilespmem:s30], [sflag:$0x5], $0x2000, $0x38;
	[tilespmem:$0x1E200] =	vst v63  }
0x47: {  	_ =	swait.ge [sflag:s31], $0x2000  }
0x48: {  	[sflag:s31] =	ssyncset.done $0x0  }
0x49: {  	[sflag:s31] =	ssyncadd.s32 $0xFFFFE000  }
0x4a: {  	[spmem:s26] =	stream.linear.scatter [tilespmem:s30], [sflag:$0x5], $0x2000, $0x38;
	[tilespmem:$0x1E200] =	vst v63  }
0x4b: {  	_ =	swait.ge [sflag:s31], $0x2000  }
0x4c: {  	[sflag:s31] =	ssyncset.done $0x0  }
0x4d: {  	[sflag:s31] =	ssyncadd.s32 $0xFFFFE000  }
0x4e: {  	[spmem:s28] =	stream.linear.scatter [tilespmem:s30], [sflag:$0x5], $0x2000, $0x38;
	[tilespmem:$0x1E200] =	vst v63  }
0x4f: {  	_ =	swait.ge [sflag:s31], $0x2000  }
0x50: {  	[sflag:s31] =	ssyncset.done $0x0  }
0x51: {  	[sflag:s31] =	ssyncadd.s32 $0xFFFFE000  }
0x52: {  	[spmem:s29] =	stream.linear.scatter [tilespmem:s30], [sflag:$0x5], $0x2000, $0x38;
	[tilespmem:$0x1E200] =	vst v63  }
0x53: {  	_ =	swait.ge [sflag:s31], $0x2000  }
0x54: {  	[sflag:s31] =	ssyncset.done $0x0  }
0x55: {  	[sflag:s31] =	ssyncadd.s32 $0xFFFFE000  }
0x56: {  	[bflag:$0x0] =	sbarrier.arrive $0xFFFF  }
0x57: {  	s14 =	simm.s32 $0x0;
	s17 =	rddreg [dreg:$0x4]  }
0x58: {  	[tilespmem:s14], [sflag:$0x3] =	stream.linear.gather [hbm4b:s17+s14], $0x80, $0x38;
	[tilespmem:$0x1E200] =	vst v63  }
0x59: {  	s18 =	rddreg [dreg:$0x5]  }
0x5a: {  	[tilespmem:s0], [sflag:$0x3] =	stream.linear.gather [hbm4b:s18+s14], $0x80, $0x38;
	[tilespmem:$0x1E200] =	vst v63  }
0x5b: {  	_ =	swait.ge [sflag:s4], $0x80  }
0x5c: {  	[sflag:s4] =	ssyncset.done $0x0  }
0x5d: {  	[sflag:s4] =	ssyncadd.s32 $0xFFFFFF80  }
0x5e: {  	_ =	swait.ge [sflag:s4], $0x80  }
0x5f: {  	[sflag:s4] =	ssyncset.done $0x0  }
0x60: {  	[sflag:s4] =	ssyncadd.s32 $0xFFFFFF80  }
0x61: {  	[tilespmem:s7], [sflag:$0x1] =	stream.indirect.gather [hbm4b:s1+s6], $0x80, s14, s6, $0xb8;
	[tilespmem:$0x1E200] =	vst v63  }
0x62: {  	s18 =	rddreg [dreg:$0x6]  }
0x63: {  	[tilespmem:s6], [sflag:$0x4] =	stream.linear.gather [hbm4b:s18+s14], $0x80, $0x38;
	[tilespmem:$0x1E200] =	vst v63  }
0x64: {  	s18 =	rddreg [dreg:$0x7]  }
0x65: {  	[tilespmem:s8], [sflag:$0x4] =	stream.linear.gather [hbm4b:s18+s14], $0x80, $0x38;
	[tilespmem:$0x1E200] =	vst v63  }
0x66: {  	_ =	swait.ge [sflag:s9], $0x80  }
0x67: {  	[sflag:s9] =	ssyncset.done $0x0  }
0x68: {  	[sflag:s9] =	ssyncadd.s32 $0xFFFFFF80  }
0x69: {  	_ =	swait.ge [sflag:s9], $0x80  }
0x6a: {  	[sflag:s9] =	ssyncset.done $0x0  }
0x6b: {  	[sflag:s9] =	ssyncadd.s32 $0xFFFFFF80  }
0x6c: {  	_ =	swait.ge [sflag:s10], $0x4000  }
0x6d: {  	[sflag:s10] =	ssyncset.done $0x0  }
0x6e: {  	[sflag:s10] =	ssyncadd.s32 $0xFFFFC000  }
0x6f: {  	[tilespmem:s11], [sflag:$0x2] =	stream.indirect.gather [hbm4b:s1+s6], $0x80, s6, s6, $0xb8;
	[tilespmem:$0x1E200] =	vst v63  }
0x70: {  	_ = 	snop  }
0x71: {  	[spmem:s2] =	stream.indirect.scatter.add.f32 [tilespmem:s7], [sflag:$0x5], $0x80, s0, s6, $0xb8;
	[tilespmem:$0x1E200] =	vst v63  }
0x72: {  	_ =	swait.ge [sflag:s31], $0x4000  }
0x73: {  	[sflag:s31] =	ssyncset.done $0x0  }
0x74: {  	s18 =	sadd.s32 $0x0, s19;
	[sflag:s31] =	ssyncadd.s32 $0xFFFFC000  }
0x75: {  	[tilespmem:s3], [sflag:$0x3] =	stream.linear.gather [hbm4b:s18+s3], $0x80, $0x38;
	[tilespmem:$0x1E200] =	vst v63  }
0x76: {  	s17 =	sadd.s32 $0x0, s20  }
0x77: {  	[tilespmem:s0], [sflag:$0x3] =	stream.linear.gather [hbm4b:s17+s3], $0x80, $0x38;
	[tilespmem:$0x1E200] =	vst v63  }
0x78: {  	_ =	swait.ge [sflag:s12], $0x4000  }
0x79: {  	[sflag:s12] =	ssyncset.done $0x0  }
0x7a: {  	[sflag:s12] =	ssyncadd.s32 $0xFFFFC000  }
0x7b: {  	_ =	swait.ge [sflag:s4], $0x80  }
0x7c: {  	[sflag:s4] =	ssyncset.done $0x0  }
0x7d: {  	[sflag:s4] =	ssyncadd.s32 $0xFFFFFF80  }
0x7e: {  	_ =	swait.ge [sflag:s4], $0x80  }
0x7f: {  	[sflag:s4] =	ssyncset.done $0x0  }
0x80: {  	[sflag:s4] =	ssyncadd.s32 $0xFFFFFF80  }
0x81: {  	[tilespmem:s7], [sflag:$0x1] =	stream.indirect.gather [hbm4b:s1+s6], $0x80, s3, s6, $0xb8;
	[tilespmem:$0x1E200] =	vst v63  }
0x82: {  	_ = 	snop  }
0x83: {  	[spmem:s2] =	stream.indirect.scatter.add.f32 [tilespmem:s11], [sflag:$0x5], $0x80, s8, s6, $0xb8;
	[tilespmem:$0x1E200] =	vst v63  }
0x84: {  	_ =	swait.ge [sflag:s31], $0x4000  }
0x85: {  	s14 =	simm.s32 $0x20;
	[sflag:s31] =	ssyncset.done $0x0  }
0x86: {  	s18 =	sadd.s32 $0x0, s24;
	s17 =	sadd.s32 $0x0, s25;
	[sflag:s31] =	ssyncadd.s32 $0xFFFFC000  }
0x87: {  	[tilespmem:s6], [sflag:$0x4] =	stream.linear.gather [hbm4b:s18+s3], $0x80, $0x38;
	[tilespmem:$0x1E200] =	vst v63  }
.LBB2_4:
0x88: {  	[tilespmem:s8], [sflag:$0x4] =	stream.linear.gather [hbm4b:s17+s3], $0x80, $0x38;
	[tilespmem:$0x1E200] =	vst v63  }
0x89: {  	s17 =	smov.u32 s14  }
0x8a: {  	p0 =	sne.s32 s14, $0x4A0;
	s14 =	sadd.s32 $0x20, s14;
	_ =	swait.ge [sflag:s9], $0x80  }
0x8b: {  	[sflag:s9] =	ssyncset.done $0x0  }
0x8c: {  	[sflag:s9] =	ssyncadd.s32 $0xFFFFFF80  }
0x8d: {  	_ =	swait.ge [sflag:s9], $0x80  }
0x8e: {  	[sflag:s9] =	ssyncset.done $0x0  }
0x8f: {  	[sflag:s9] =	ssyncadd.s32 $0xFFFFFF80  }
0x90: {  	_ =	swait.ge [sflag:s10], $0x4000  }
0x91: {  	[sflag:s10] =	ssyncset.done $0x0  }
0x92: {  	[sflag:s10] =	ssyncadd.s32 $0xFFFFC000  }
0x93: {  	[tilespmem:s11], [sflag:$0x2] =	stream.indirect.gather [hbm4b:s1+s6], $0x80, s6, s6, $0xb8;
	[tilespmem:$0x1E200] =	vst v63  }
0x94: {  	_ = 	snop  }
0x95: {  	[spmem:s2] =	stream.indirect.scatter.add.f32 [tilespmem:s7], [sflag:$0x5], $0x80, s0, s6, $0xb8;
	[tilespmem:$0x1E200] =	vst v63  }
0x96: {  	_ =	swait.ge [sflag:s31], $0x4000  }
0x97: {  	[sflag:s31] =	ssyncset.done $0x0  }
0x98: {  	s18 =	sadd.s32 s17, s19;
	[sflag:s31] =	ssyncadd.s32 $0xFFFFC000  }
0x99: {  	[tilespmem:s3], [sflag:$0x3] =	stream.linear.gather [hbm4b:s18+s3], $0x80, $0x38;
	[tilespmem:$0x1E200] =	vst v63  }
0x9a: {  	s18 =	sadd.s32 s17, s20  }
0x9b: {  	[tilespmem:s0], [sflag:$0x3] =	stream.linear.gather [hbm4b:s18+s3], $0x80, $0x38;
	[tilespmem:$0x1E200] =	vst v63  }
0x9c: {  	_ =	swait.ge [sflag:s12], $0x4000  }
0x9d: {  	[sflag:s12] =	ssyncset.done $0x0  }
0x9e: {  	[sflag:s12] =	ssyncadd.s32 $0xFFFFC000  }
0x9f: {  	_ =	swait.ge [sflag:s4], $0x80  }
0xa0: {  	[sflag:s4] =	ssyncset.done $0x0  }
0xa1: {  	[sflag:s4] =	ssyncadd.s32 $0xFFFFFF80  }
0xa2: {  	_ =	swait.ge [sflag:s4], $0x80  }
0xa3: {  	[sflag:s4] =	ssyncset.done $0x0  }
0xa4: {  	[sflag:s4] =	ssyncadd.s32 $0xFFFFFF80  }
0xa5: {  	[tilespmem:s7], [sflag:$0x1] =	stream.indirect.gather [hbm4b:s1+s6], $0x80, s3, s6, $0xb8;
	[tilespmem:$0x1E200] =	vst v63  }
0xa6: {  	_ = 	snop  }
0xa7: {  	[spmem:s2] =	stream.indirect.scatter.add.f32 [tilespmem:s11], [sflag:$0x5], $0x80, s8, s6, $0xb8;
	[tilespmem:$0x1E200] =	vst v63  }
.Ltmp1:
0xa8: {  	_ =	swait.ge [sflag:s31], $0x4000;
	(pc) =	sbr.rel @p0 .LBB2_4-.Ltmp1, $4  }
0xa9: {  	[sflag:s31] =	ssyncset.done $0x0  }
0xaa: {  	s18 =	sadd.s32 s17, s24;
	[sflag:s31] =	ssyncadd.s32 $0xFFFFC000  }
0xab: {  	[tilespmem:s6], [sflag:$0x4] =	stream.linear.gather [hbm4b:s18+s3], $0x80, $0x38;
	[tilespmem:$0x1E200] =	vst v63  }
0xac: {  	s17 =	sadd.s32 s17, s25  }
0xad: {  	[tilespmem:s8], [sflag:$0x4] =	stream.linear.gather [hbm4b:s17+s3], $0x80, $0x38;
	[tilespmem:$0x1E200] =	vst v63  }
0xae: {  	_ =	swait.ge [sflag:s9], $0x80  }
0xaf: {  	[sflag:s9] =	ssyncset.done $0x0  }
0xb0: {  	[sflag:s9] =	ssyncadd.s32 $0xFFFFFF80  }
0xb1: {  	_ =	swait.ge [sflag:s9], $0x80  }
0xb2: {  	[sflag:s9] =	ssyncset.done $0x0  }
0xb3: {  	[sflag:s9] =	ssyncadd.s32 $0xFFFFFF80  }
0xb4: {  	_ =	swait.ge [sflag:s10], $0x4000  }
0xb5: {  	[sflag:s10] =	ssyncset.done $0x0  }
0xb6: {  	[sflag:s10] =	ssyncadd.s32 $0xFFFFC000  }
0xb7: {  	[tilespmem:s11], [sflag:$0x2] =	stream.indirect.gather [hbm4b:s1+s6], $0x80, s6, s6, $0xb8;
	[tilespmem:$0x1E200] =	vst v63  }
0xb8: {  	_ = 	snop  }
0xb9: {  	[spmem:s2] =	stream.indirect.scatter.add.f32 [tilespmem:s7], [sflag:$0x5], $0x80, s0, s6, $0xb8;
	[tilespmem:$0x1E200] =	vst v63  }
0xba: {  	_ =	swait.ge [sflag:s31], $0x4000  }
0xbb: {  	[sflag:s31] =	ssyncset.done $0x0  }
0xbc: {  	s14 =	rddreg [dreg:$0xd];
	[sflag:s31] =	ssyncadd.s32 $0xFFFFC000  }
0xbd: {  	[tilespmem:s3], [sflag:$0x3] =	stream.linear.gather [hbm4b:s14+s3], $0x80, $0x38;
	[tilespmem:$0x1E200] =	vst v63  }
0xbe: {  	s18 =	rddreg [dreg:$0xe]  }
0xbf: {  	[tilespmem:s0], [sflag:$0x3] =	stream.linear.gather [hbm4b:s18+s3], $0x80, $0x38;
	[tilespmem:$0x1E200] =	vst v63  }
0xc0: {  	_ =	swait.ge [sflag:s12], $0x4000  }
0xc1: {  	[sflag:s12] =	ssyncset.done $0x0  }
0xc2: {  	[sflag:s12] =	ssyncadd.s32 $0xFFFFC000  }
0xc3: {  	_ =	swait.ge [sflag:s4], $0x80  }
0xc4: {  	[sflag:s4] =	ssyncset.done $0x0  }
0xc5: {  	[sflag:s4] =	ssyncadd.s32 $0xFFFFFF80  }
0xc6: {  	_ =	swait.ge [sflag:s4], $0x80  }
0xc7: {  	[sflag:s4] =	ssyncset.done $0x0  }
0xc8: {  	[sflag:s4] =	ssyncadd.s32 $0xFFFFFF80  }
0xc9: {  	[tilespmem:s7], [sflag:$0x1] =	stream.indirect.gather [hbm4b:s1+s6], $0x80, s3, s6, $0xb8;
	[tilespmem:$0x1E200] =	vst v63  }
0xca: {  	_ = 	snop  }
0xcb: {  	[spmem:s2] =	stream.indirect.scatter.add.f32 [tilespmem:s11], [sflag:$0x5], $0x80, s8, s6, $0xb8;
	[tilespmem:$0x1E200] =	vst v63  }
0xcc: {  	_ =	swait.ge [sflag:s31], $0x4000  }
0xcd: {  	[sflag:s31] =	ssyncset.done $0x0  }
0xce: {  	[sflag:s31] =	ssyncadd.s32 $0xFFFFC000  }
0xcf: {  	[tilespmem:s6], [sflag:$0x4] =	stream.linear.gather [hbm4b:s15+s3], $0x80, $0x38;
	[tilespmem:$0x1E200] =	vst v63  }
0xd0: {  	_ = 	snop  }
0xd1: {  	[tilespmem:s8], [sflag:$0x4] =	stream.linear.gather [hbm4b:s16+s3], $0x80, $0x38;
	[tilespmem:$0x1E200] =	vst v63  }
0xd2: {  	_ =	swait.ge [sflag:s9], $0x80  }
0xd3: {  	[sflag:s9] =	ssyncset.done $0x0  }
0xd4: {  	[sflag:s9] =	ssyncadd.s32 $0xFFFFFF80  }
0xd5: {  	_ =	swait.ge [sflag:s9], $0x80  }
0xd6: {  	[sflag:s9] =	ssyncset.done $0x0  }
0xd7: {  	[sflag:s9] =	ssyncadd.s32 $0xFFFFFF80  }
0xd8: {  	_ =	swait.ge [sflag:s10], $0x4000  }
0xd9: {  	[sflag:s10] =	ssyncset.done $0x0  }
0xda: {  	[sflag:s10] =	ssyncadd.s32 $0xFFFFC000  }
0xdb: {  	[tilespmem:s11], [sflag:$0x2] =	stream.indirect.gather [hbm4b:s1+s6], $0x80, s6, s6, $0xb8;
	[tilespmem:$0x1E200] =	vst v63  }
0xdc: {  	_ = 	snop  }
0xdd: {  	[spmem:s2] =	stream.indirect.scatter.add.f32 [tilespmem:s7], [sflag:$0x5], $0x80, s0, s6, $0xb8;
	[tilespmem:$0x1E200] =	vst v63  }
0xde: {  	_ =	swait.ge [sflag:s31], $0x4000  }
0xdf: {  	[sflag:s31] =	ssyncset.done $0x0  }
0xe0: {  	[sflag:s31] =	ssyncadd.s32 $0xFFFFC000  }
0xe1: {  	[tilespmem:s3], [sflag:$0x3] =	stream.linear.gather [hbm4b:s15+s3], $0x80, $0x38;
	[tilespmem:$0x1E200] =	vst v63  }
0xe2: {  	_ = 	snop  }
0xe3: {  	[tilespmem:s0], [sflag:$0x3] =	stream.linear.gather [hbm4b:s16+s3], $0x80, $0x38;
	[tilespmem:$0x1E200] =	vst v63  }
0xe4: {  	_ =	swait.ge [sflag:s12], $0x4000  }
0xe5: {  	[sflag:s12] =	ssyncset.done $0x0  }
0xe6: {  	[sflag:s12] =	ssyncadd.s32 $0xFFFFC000  }
0xe7: {  	_ =	swait.ge [sflag:s4], $0x80  }
0xe8: {  	[sflag:s4] =	ssyncset.done $0x0  }
0xe9: {  	[sflag:s4] =	ssyncadd.s32 $0xFFFFFF80  }
0xea: {  	_ =	swait.ge [sflag:s4], $0x80  }
0xeb: {  	[sflag:s4] =	ssyncset.done $0x0  }
0xec: {  	[sflag:s4] =	ssyncadd.s32 $0xFFFFFF80  }
0xed: {  	[tilespmem:s7], [sflag:$0x1] =	stream.indirect.gather [hbm4b:s1+s6], $0x80, s3, s6, $0xb8;
	[tilespmem:$0x1E200] =	vst v63  }
0xee: {  	_ = 	snop  }
0xef: {  	[spmem:s2] =	stream.indirect.scatter.add.f32 [tilespmem:s11], [sflag:$0x5], $0x80, s8, s6, $0xb8;
	[tilespmem:$0x1E200] =	vst v63  }
0xf0: {  	_ =	swait.ge [sflag:s31], $0x4000  }
0xf1: {  	[sflag:s31] =	ssyncset.done $0x0  }
0xf2: {  	[sflag:s31] =	ssyncadd.s32 $0xFFFFC000  }
0xf3: {  	[tilespmem:s6], [sflag:$0x4] =	stream.linear.gather [hbm4b:s15+s3], $0x80, $0x38;
	[tilespmem:$0x1E200] =	vst v63  }
0xf4: {  	_ = 	snop  }
0xf5: {  	[tilespmem:s8], [sflag:$0x4] =	stream.linear.gather [hbm4b:s16+s3], $0x80, $0x38;
	[tilespmem:$0x1E200] =	vst v63  }
0xf6: {  	_ =	swait.ge [sflag:s10], $0x4000  }
0xf7: {  	[sflag:s10] =	ssyncset.done $0x0  }
0xf8: {  	[sflag:s10] =	ssyncadd.s32 $0xFFFFC000  }
0xf9: {  	_ =	swait.ge [sflag:s9], $0x80  }
0xfa: {  	[sflag:s9] =	ssyncset.done $0x0  }
0xfb: {  	[sflag:s9] =	ssyncadd.s32 $0xFFFFFF80  }
0xfc: {  	_ =	swait.ge [sflag:s9], $0x80  }
0xfd: {  	s17 =	stileid.u32;
	[sflag:s9] =	ssyncset.done $0x0  }
0xfe: {  	s14 =	sshll.u32 s17, $0x6;
	[sflag:s9] =	ssyncadd.s32 $0xFFFFFF80  }
0xff: {  	s14 =	sor.u32 $0x1C05, s14;
	s18 =	sshrl.u32 s5, $0x3;
	[bflag:$0x0] =	sbarrier.arrive $0xFFFF  }
0x100: {  	[hbm:s22], [sflag:s14] =	dma.local [spmem:s18], $0x2800  }
0x101: {  	_ =	swait.ge [sflag:s31], $0x2800  }
0x102: {  	s13 =	sadd.s32 $0x1, s13;
	s18 =	rddreg [dreg:$0x8]  }
0x103: {  	p0 =	sne.s32 s13, s18  }
.Ltmp2:
0x104: {  	_ = 	snop;
	(pc) =	sbr.rel @p0 .LBB2_1-.Ltmp2, $3  }
0x105: {  	_ =	sdelay $0x1  }
0x106: {  	[sflag:s31] =	ssyncset.done $0x0  }
0x107: {  	[sflag:s31] =	ssyncadd.s32 $0xFFFFD800  }
0x108: {  	_ =	sfence.sel $0x180000  }
0x109: {  	[bflag:$0x0] =	sbarrier.arrive $0xFFFF  }
0x10a: {  	_ =	strace $0x9000004A  }
0x10b: {  	s0 =	stileid.u32;
	[bflag:$0x2] =	sbarrier.arrive $0xFFFF  }
0x10c: {  	p0 =	sne.s32 s0, $0x0;
	s0 =	rddreg [dreg:$0x3]  }
0x10d: {  	s0 =	sadd.s32 @!p0 $0x100000, s0  }
0x10e: {  	[sflag:s0] =	ssyncadd.tile.s32 @!p0 $0x1;
	_ =	shalt  }
.Lfunc_end2:
_tile_overlayer_lowered:
.L_overlay_start_2:
0x10f: {  	(tag) =	ssettag $0x2  }
0x110: {  	s0 =	rddreg [dreg:$0x0];
	s2 =	stileid.u32  }
0x111: {  	s1 =	rddreg [dreg:$0x1];
	p0 =	sne.s32 s2, $0x0  }
0x112: {  	s3 =	rddreg [dreg:$0x2];
	[bflag:$0x3] =	sbarrier.arrive $0xFFFF;
	s2 =	simm.s32 @!p0 $0x1C05  }
0x113: {  	[timem:s3], [sflag:s2] =	dma.local @!p0 [hbm:s0], s1  }
0x114: {  	s0 =	simm.s32 @!p0 $0x5  }
0x115: {  	_ =	swait.ge @!p0 [sflag:s0], s1  }
0x116: {  	s1 =	ssub.s32 @!p0 $0x0, s1;
	[sflag:s0] =	ssyncset.done @!p0 $0x0  }
0x117: {  	[sflag:s0] =	ssyncadd.s32 @!p0 s1  }
0x118: {  	[bflag:$0x3] =	sbarrier.arrive $0xFFFF  }
0x119: {  	_ =	shalt  }

// kernel: kernel.18.cloned.1.call-start
scs
__scs_entry_jumppad:
0x0: {  	(pc) =	sbr.rel $0x88, $3  }
0x1: {  	(tag) =	ssettag $0x0;
	lr =	simm.s32 $0x1  }
0x2: {  	[smem:$0x3F82] =	sst lr;
	_ =	strace $0xD0000000  }
0x3: {  	_ = 	snop  }
0x4: {  	_ = 	snop  }
0x5: {  	_ = 	snop  }
0x6: {  	_ = 	snop  }
0x7: {  	_ = 	snop  }
__scs_overlays_trampoline_lowered:
0x8: {  	[smem:$0x3F91] =	sst s0  }
0x9: {  	[smem:$0x3F92] =	sst s1  }
0xa: {  	[smem:$0x3F93] =	sst s2  }
0xb: {  	[smem:$0x3F94] =	sst s3  }
0xc: {  	[smem:$0x3F95] =	sst s4  }
0xd: {  	[smem:$0x3F96] =	sst s5  }
0xe: {  	[smem:$0x3F97] =	sst s6  }
0xf: {  	[smem:$0x3F98] =	sst s7  }
0x10: {  	[smem:$0x3F99] =	sst s8  }
0x11: {  	[smem:$0x3F9A] =	sst s9;
	s0 =	simm.s32 @!p0 $0x0  }
0x12: {  	s1 =	sld [smem:$0x3F80];
	s0 =	simm.s32 @p0 $0x1  }
0x13: {  	[smem:$0x3F9B] =	sst s0;
	s0 =	simm.s32 @!p1 $0x0  }
0x14: {  	s2 =	sld [smem:$0x3F7F];
	s0 =	simm.s32 @p1 $0x1  }
0x15: {  	[smem:$0x3F9C] =	sst s0;
	s0 =	simm.s32 @!p2 $0x0  }
0x16: {  	s3 =	sld [smem:$0x3FDB];
	s0 =	simm.s32 @p2 $0x1  }
0x17: {  	s4 =	simm.s32 $0x1BF5;
	[smem:$0x3F9E] =	sst s0  }
0x18: {  	s0 =	sld [smem:$0x3F81];
	_ =	swait.ge [sflag:s4], $0x0  }
0x19: {  	s7 =	sld [smem:$0x3F82]  }
0x1a: {  	s8 =	sadd.s32 $0xFFFFE003, lr  }
0x1b: {  	s9 =	sadd.s32 $0xFFFFFEF7, lr;
	s5 =	simm.s32 $0xFFFFFFFF;
	p2 =	slt.u32 s8, $0xFFFFF086  }
0x1c: {  	p1 =	slt.u32 s9, $0xF7A;
	s5 =	simm.s32 @!p2 $0x0  }
0x1d: {  	s5 =	simm.s32 @p1 $0x1;
	p0 =	seq.s32 s7, s2  }
0x1e: {  	s7 =	smul.u32 @!p0 $0xF7A, s2;
	p2 =	seq.s32 @!p0 s5, $0x0  }
0x1f: {  	s9 =	smul.u32 $0xF7A, s1;
	s8 =	simm.s32 @!p0 $0x1BF5;
	p2 =	por !p2, p0  }
0x20: {  	[sflag:s8] =	ssyncset.s32 @!p0 $0xFFFFF086;
	s6 =	sadd.s32 @!p0 s3, s7;
	s7 =	simm.s32 @!p0 $0x108  }
0x21: {  	s3 =	sadd.s32 s3, s9;
	s6 =	sadd.s32 @!p0 $0x88, s6;
	s7 =	simm.s32 @p2 $0x1082  }
0x22: {  	[simem:s7], [sflag:s8] =	dma.local @!p0 [hbm:s6], $0xF7A  }
0x23: {  	s9 =	sor.u32 $0xD0000000, s2;
	s6 =	simm.s32 $0x108;
	_ =	swait.ge @!p0 [sflag:s8], $0x0  }
0x24: {  	s3 =	sadd.s32 $0x88, s3;
	s6 =	simm.s32 @!p1 $0x1082;
	[sflag:s4] =	ssyncset.s32 $0xFFFFF086  }
0x25: {  	[simem:s6], [sflag:s4] =	dma.local [hbm:s3], $0xF7A  }
0x26: {  	[smem:$0x3F82] =	sst s1;
	(tag) =	ssettag s2;
	_ =	strace s9  }
0x27: {  	s1 =	sld [smem:$0x3F92]  }
0x28: {  	s2 =	sld [smem:$0x3F93]  }
0x29: {  	s4 =	sld [smem:$0x3F95]  }
0x2a: {  	p0 =	seq.s32 s5, $0x0;
	s5 =	sld [smem:$0x3F96]  }
0x2b: {  	s6 =	sld [smem:$0x3F97]  }
0x2c: {  	s7 =	sld [smem:$0x3F98]  }
0x2d: {  	s3 =	simm.s32 $0x108;
	s8 =	sld [smem:$0x3F99]  }
0x2e: {  	s3 =	simm.s32 @!p0 $0x1082;
	s9 =	sld [smem:$0x3F9A]  }
0x2f: {  	lr =	sadd.s32 s0, s3;
	s0 =	sld [smem:$0x3F91]  }
0x30: {  	s3 =	sld [smem:$0x3F94]  }
0x31: {  	[smem:$0x3F9D] =	sst s10  }
0x32: {  	s10 =	sld [smem:$0x3F9B];
	_ =	sdelay $0x3  }
0x33: {  	p0 =	seq.s32 s10, $0x1;
	s10 =	sld [smem:$0x3F9D];
	_ =	sdelay $0x3  }
0x34: {  	[smem:$0x3F9D] =	sst s10  }
0x35: {  	s10 =	sld [smem:$0x3F9C];
	_ =	sdelay $0x3  }
0x36: {  	p1 =	seq.s32 s10, $0x1;
	s10 =	sld [smem:$0x3F9D];
	_ =	sdelay $0x3  }
0x37: {  	[smem:$0x3F9D] =	sst s10  }
0x38: {  	s10 =	sld [smem:$0x3F9E]  }
0x39: {  	_ = 	snop;
	(pc) =	sbr.ind lr, $3  }
0x3a: {  	_ = 	snop  }
0x3b: {  	_ = 	snop  }
0x3c: {  	p2 =	seq.s32 s10, $0x1;
	s10 =	sld [smem:$0x3F9D]  }
0x3d: {  	_ =	shalt  }
0x3e: {  	_ =	shalt  }
0x3f: {  	_ =	shalt  }
0x40: {  	_ =	shalt  }
0x41: {  	_ =	shalt  }
0x42: {  	_ =	shalt  }
0x43: {  	_ =	shalt  }
0x44: {  	_ =	shalt  }
0x45: {  	_ =	shalt  }
0x46: {  	_ =	shalt  }
0x47: {  	_ =	shalt  }
0x48: {  	_ =	shalt  }
0x49: {  	_ =	shalt  }
0x4a: {  	_ =	shalt  }
0x4b: {  	_ =	shalt  }
0x4c: {  	_ =	shalt  }
0x4d: {  	_ =	shalt  }
0x4e: {  	_ =	shalt  }
0x4f: {  	_ =	shalt  }
0x50: {  	_ =	shalt  }
0x51: {  	_ =	shalt  }
0x52: {  	_ =	shalt  }
0x53: {  	_ =	shalt  }
0x54: {  	_ =	shalt  }
0x55: {  	_ =	shalt  }
0x56: {  	_ =	shalt  }
0x57: {  	_ =	shalt  }
0x58: {  	_ =	shalt  }
0x59: {  	_ =	shalt  }
0x5a: {  	_ =	shalt  }
0x5b: {  	_ =	shalt  }
0x5c: {  	_ =	shalt  }
0x5d: {  	_ =	shalt  }
0x5e: {  	_ =	shalt  }
0x5f: {  	_ =	shalt  }
0x60: {  	_ =	shalt  }
0x61: {  	_ =	shalt  }
0x62: {  	_ =	shalt  }
0x63: {  	_ =	shalt  }
0x64: {  	_ =	shalt  }
0x65: {  	_ =	shalt  }
0x66: {  	_ =	shalt  }
0x67: {  	_ =	shalt  }
0x68: {  	_ =	shalt  }
0x69: {  	_ =	shalt  }
0x6a: {  	_ =	shalt  }
0x6b: {  	_ =	shalt  }
0x6c: {  	_ =	shalt  }
0x6d: {  	_ =	shalt  }
0x6e: {  	_ =	shalt  }
0x6f: {  	_ =	shalt  }
0x70: {  	_ =	shalt  }
0x71: {  	_ =	shalt  }
0x72: {  	_ =	shalt  }
0x73: {  	_ =	shalt  }
0x74: {  	_ =	shalt  }
0x75: {  	_ =	shalt  }
0x76: {  	_ =	shalt  }
0x77: {  	_ =	shalt  }
0x78: {  	_ =	shalt  }
0x79: {  	_ =	shalt  }
0x7a: {  	_ =	shalt  }
0x7b: {  	_ =	shalt  }
0x7c: {  	_ =	shalt  }
0x7d: {  	_ =	shalt  }
0x7e: {  	_ =	shalt  }
0x7f: {  	_ =	shalt  }
0x80: {  	_ =	shalt  }
0x81: {  	_ =	shalt  }
0x82: {  	_ =	shalt  }
0x83: {  	_ =	shalt  }
0x84: {  	_ =	shalt  }
0x85: {  	_ =	shalt  }
0x86: {  	_ =	shalt  }
0x87: {  	_ =	shalt  }
.Lfunc_end0:
.L_simem_size_0:
called_computation.2_lowered:
.L_overlay_start_0:
0x88: {  	s2 =	sld [smem:$0x3FD9]  }
0x89: {  	s3 =	sld [smem:$0x3FFE];
	_ =	sdelay $0x1  }
0x8a: {  	s1 =	srdreg.scid  }
0x8b: {  	s0 =	sand.u32 $0x1, s1  }
0x8c: {  	s16 =	sshll.u32 s0, $0xA;
	s2 =	sadd.s32 s3, s2  }
0x8d: {  	s2 =	sadd.s32 s2, s16  }
0x8e: {  	[smem:$0x3FA9] =	sst s2  }
0x8f: {  	_ = 	snop  }
0x90: {  	(tm) =	ssettm $0x1  }
0x91: {  	s17 =	sld [smem:$0x3FFB];
	_ =	sdelay $0x3  }
0x92: {  	_ =	strace s17  }
0x93: {  	s2 =	sld [smem:$0x3FFC];
	_ =	sdelay $0x3  }
0x94: {  	_ =	strace s2  }
0x95: {  	s2 =	sld [smem:$0x3FFD];
	_ =	sdelay $0x3  }
0x96: {  	_ =	strace s2  }
0x97: {  	_ =	strace $0x8FFFFFFF  }
0x98: {  	s18 =	sld [smem:$0x3FDB];
	_ =	sdelay $0x1  }
0x99: {  	s19 =	simm.s32 $_scs_section_size  }
0x9a: {  	s4 =	simm.s32 $_size__tile_overlayer_lowered;
	s5 =	simm.s32 $_tile_overlayer_lowered  }
0x9b: {  	s22 =	simm.s32 $0x1BFF;
	s21 =	sshll.u32 s5, $0x1;
	s2 =	sadd.s32 s19, s18  }
0x9c: {  	s6 =	simm.s32 $0x0;
	s20 =	sshll.u32 s4, $0x1;
	s4 =	sadd.s32 s21, s2  }
0x9d: {  	[timem:s6], [sflag:s22] =	dma.local [hbm:s4], s20  }
0x9e: {  	_ =	swait.ge [sflag:s22], s20  }
0x9f: {  	s3 =	ssub.s32 $0x0, s20;
	[sflag:s22] =	ssyncset.done $0x0  }
0xa0: {  	[sflag:s22] =	ssyncadd.s32 s3;
	_ =	sdelay $0x1  }
0xa1: {  	s23 =	simm.s32 $0x1B8B  }
0xa2: {  	_ =	swait.ge [sflag:s23], $0x1  }
0xa3: {  	[sflag:s23] =	ssyncset.done $0x0  }
0xa4: {  	s25 =	simm.s32 $0x1B8E;
	s24 =	sld [smem:$0x3FFE];
	[sflag:s23] =	ssyncadd.s32 $0xFFFFFFFF  }
0xa5: {  	s26 =	simm.s32 $execute0_lowered;
	[smem:$0x3FD2] =	sst s25  }
0xa6: {  	s4 =	sshll.u32 s26, $0x1;
	_ =	strace $0x8000004C;
	[dreg:$0x1] =	wrdreg $0xFFFFFFFF  }
0xa7: {  	s28 =	simm.s32 $_size_execute0_lowered;
	s2 =	sadd.s32 s2, s4;
	[dreg:$0x0] =	wrdreg $0x0  }
0xa8: {  	s4 =	sshll.u32 s28, $0x1;
	[dreg:$0x2] =	wrdreg s2  }
0xa9: {  	[dreg:$0x3] =	wrdreg s4  }
0xaa: {  	[dreg:$0x4] =	wrdreg $0xC0  }
0xab: {  	_ =	task [dreg:s6], $0x5FFFF  }
0xac: {  	[dreg:$0x1] =	wrdreg $0xFFFFFFFF  }
0xad: {  	[dreg:$0x0] =	wrdreg $0x60  }
0xae: {  	[dreg:$0x2] =	wrdreg s24  }
0xaf: {  	[dreg:$0x3] =	wrdreg $0xA2000  }
0xb0: {  	[dreg:$0x4] =	wrdreg $0x9  }
0xb1: {  	_ =	task.clear_ibuf [dreg:s6], $0x5FFFF;
	_ =	strace $0x9000004C  }
0xb2: {  	s29 =	simm.s32 $0x9;
	_ =	strace $0x8000004E  }
0xb3: {  	_ =	swait.ge [sflag:s29], $0x1  }
0xb4: {  	[sflag:s29] =	ssyncadd.s32 $0xFFFFFFFF  }
0xb5: {  	_ =	strace $0x9000004E  }
0xb6: {  	_ =	sfence  }
0xb7: {  	s30 =	sld [smem:$0x0];
	_ =	sdelay $0x2  }
0xb8: {  	s31 =	sshll.u32 s1, $0xD;
	s1 =	sshrl.u32 s1, $0x2  }
0xb9: {  	s3 =	sand.u32 $0x4000, s31;
	s1 =	sadd.s32 s1, s30  }
0xba: {  	s0 =	sor.u32 s3, s0;
	s1 =	sshll.u32 s1, $0x11  }
0xbb: {  	s0 =	sor.u32 s1, s0  }
0xbc: {  	s0 =	sadd.s32 $0x8F2B, s0  }
0xbd: {  	[sflag:s0] =	ssyncadd.remote.s32 $0x1  }
0xbe: {  	_ =	sfence.sel $0xFFFF  }
0xbf: {  	[dreg:$0x0] =	wrdreg $0xFFFFFFFF;
	(pc) =	sbr.abs _section_cstart, $3  }
0xc0: {  	[dreg:$0x1] =	wrdreg $0xFFFFFFFF  }
0xc1: {  	_ =	task.clear_ibuf [dreg:s6], $0x2FFFF;
	_ =	strace $0x9FFFFFFF  }
0xc2: {  	(tm) =	ssettm $0x7FFFFFFF  }
0xc3: {  	_ =	shalt  }
tec
execute0_lowered:
.L_overlay_start_1:
0x0: {  	(tag) =	ssettag $0x1  }
0x1: {  	s0 =	rddreg [dreg:$0x0]  }
0x2: {  	s1 =	rddreg [dreg:$0x1]  }
0x3: {  	s2 =	simm.s32 $0x0;
	s3 =	srdreg.scid;
	s12 =	stileid.u32  }
0x4: {  	s30 =	simm.s32 $0x8200;
	s31 =	simm.s32 $0x5;
	s9 =	smul.u32 $0x50000, s12  }
0x5: {  	[smem:$0x7FF] =	sst s2;
	s4 =	sadd.s32 $0xB800, s0;
	s18 =	smul.u32 $0x2800, s12  }
0x6: {  	s6 =	sadd.s32 $0x5B800, s0;
	s3 =	sand.u32 $0x1, s3;
	s20 =	smul.u32 $0x50, s12  }
0x7: {  	s10 =	sadd.s32 $0x1800, s0;
	_ =	strace $0x8000004D;
	s5 =	smul.u32 $0x28000, s3  }
0x8: {  	s7 =	sshll.u32 s3, $0x4;
	s8 =	ssub.s32 $0x2, s3;
	s3 =	smul.u32 $0x500, s3  }
0x9: {  	s7 =	sor.u32 s12, s7;
	s11 =	sshrl.u32 s8, $0x1;
	s13 =	sshrl.u32 s9, $0x2  }
0xa: {  	s12 =	simm.s32 $0x2;
	s7 =	smul.u32 $0x500, s7;
	s0 =	sadd.s32 s5, s0  }
0xb: {  	s8 =	ssub.s32 s8, s11;
	s5 =	sadd.s32 s13, s1;
	s3 =	sadd.s32 s20, s3  }
0xc: {  	s11 =	simm.s32 $0x4200;
	s13 =	simm.s32 $0x0;
	s0 =	sadd.s32 $0x65800, s0  }
0xd: {  	s8 =	smax.u32 s8, $0x1;
	s19 =	sadd.s32 $0x2000, s5;
	s21 =	sadd.s32 $0x4000, s5  }
0xe: {  	s22 =	sadd.s32 $0x6000, s5;
	s24 =	sadd.s32 $0x8000, s5;
	[dreg:$0x7] =	wrdreg s8  }
0xf: {  	s3 =	sshll.u32 s3, $0x4;
	s28 =	sadd.s32 $0x10000, s5;
	[dreg:$0x8] =	wrdreg s19  }
0x10: {  	s29 =	sadd.s32 $0x12000, s5;
	s14 =	sadd.s32 s6, s7;
	[dreg:$0x9] =	wrdreg s21  }
0x11: {  	s15 =	sor.u32 $0x10, s7;
	s16 =	sadd.s32 s10, s7;
	[dreg:$0xa] =	wrdreg s22  }
0x12: {  	s23 =	sadd.s32 $0x4F0, s7;
	[dreg:$0xb] =	wrdreg s24;
	s7 =	sadd.s32 $0x4E0, s7  }
0x13: {  	s26 =	sor.u32 $0x20, s3;
	s21 =	sadd.s32 $0xA000, s5;
	s22 =	sadd.s32 s18, s0  }
0x14: {  	s0 =	simm.s32 $0x100;
	s8 =	simm.s32 $0x180;
	[dreg:$0x3] =	wrdreg s14  }
0x15: {  	[dreg:$0x4] =	wrdreg s16;
	s17 =	sadd.s32 s6, s15;
	s9 =	sadd.s32 s10, s15  }
0x16: {  	s15 =	sadd.s32 s6, s23;
	s16 =	sadd.s32 s10, s23;
	s25 =	sadd.s32 s6, s7  }
0x17: {  	s7 =	sadd.s32 s10, s7;
	s19 =	sadd.s32 s26, s6;
	[dreg:$0x5] =	wrdreg s17  }
0x18: {  	s20 =	sadd.s32 s26, s10;
	s6 =	sadd.s32 s3, s6;
	[dreg:$0x6] =	wrdreg s9  }
0x19: {  	s3 =	sadd.s32 s3, s10;
	s23 =	sadd.s32 $0xC000, s5;
	[dreg:$0xc] =	wrdreg s25  }
0x1a: {  	s26 =	sadd.s32 $0xE000, s5;
	s10 =	simm.s32 $0x1;
	[dreg:$0xd] =	wrdreg s7  }
0x1b: {  	s24 =	sadd.s32 $0x30, s6;
	s25 =	sadd.s32 $0x30, s3;
	s3 =	simm.s32 $0x3  }
0x1c: {  	v0 =	vimm.f32 $0.0e+00;
	s6 =	simm.s32 $0x80;
	s7 =	simm.s32 $0x200;
	s9 =	simm.s32 $0x4  }
.LBB2_1:
0x1d: {  	s14 =	simm.s32 $0x0;
	s17 =	simm.s32 $0x200  }
.LBB2_2:
0x1e: {  	p0 =	sne.s32 s17, $0x7E00;
	[tilespmem:s14+$0x8270] =	vst v0  }
0x1f: {  	[tilespmem:s14+$0x8200] =	vst v0  }
0x20: {  	[tilespmem:s14+$0x8210] =	vst v0  }
.Ltmp0:
0x21: {  	[tilespmem:s14+$0x8220] =	vst v0;
	(pc) =	sbr.rel @p0 .LBB2_2-.Ltmp0, $4  }
0x22: {  	[tilespmem:s14+$0x8230] =	vst v0  }
0x23: {  	[tilespmem:s14+$0x8240] =	vst v0  }
0x24: {  	[tilespmem:s14+$0x8250] =	vst v0  }
0x25: {  	[tilespmem:s14+$0x8260] =	vst v0;
	s14 =	sshra.s32 s17, $0x2;
	s17 =	sadd.s32 $0x200, s17  }
0x26: {  	[tilespmem:s14+$0x8270] =	vst v0  }
0x27: {  	[tilespmem:s14+$0x8200] =	vst v0  }
0x28: {  	[tilespmem:s14+$0x8210] =	vst v0  }
0x29: {  	[tilespmem:s14+$0x8220] =	vst v0  }
0x2a: {  	[tilespmem:s14+$0x8230] =	vst v0  }
0x2b: {  	[tilespmem:s14+$0x8240] =	vst v0  }
0x2c: {  	[tilespmem:s14+$0x8250] =	vst v0  }
0x2d: {  	[tilespmem:s14+$0x8260] =	vst v0  }
0x2e: {  	[spmem:s5] =	stream.linear.scatter [tilespmem:s30], [sflag:$0x5], $0x2000, $0x38;
	[tilespmem:$0x1E200] =	vst v63  }
0x2f: {  	_ =	swait.ge [sflag:s31], $0x2000  }
0x30: {  	[sflag:s31] =	ssyncset.done $0x0  }
0x31: {  	s18 =	rddreg [dreg:$0x8];
	[sflag:s31] =	ssyncadd.s32 $0xFFFFE000  }
0x32: {  	[spmem:s18] =	stream.linear.scatter [tilespmem:s30], [sflag:$0x5], $0x2000, $0x38;
	[tilespmem:$0x1E200] =	vst v63  }
0x33: {  	_ =	swait.ge [sflag:s31], $0x2000  }
0x34: {  	[sflag:s31] =	ssyncset.done $0x0  }
0x35: {  	s17 =	rddreg [dreg:$0x9];
	[sflag:s31] =	ssyncadd.s32 $0xFFFFE000  }
0x36: {  	[spmem:s17] =	stream.linear.scatter [tilespmem:s30], [sflag:$0x5], $0x2000, $0x38;
	[tilespmem:$0x1E200] =	vst v63  }
0x37: {  	_ =	swait.ge [sflag:s31], $0x2000  }
0x38: {  	[sflag:s31] =	ssyncset.done $0x0  }
0x39: {  	s18 =	rddreg [dreg:$0xa];
	[sflag:s31] =	ssyncadd.s32 $0xFFFFE000  }
0x3a: {  	[spmem:s18] =	stream.linear.scatter [tilespmem:s30], [sflag:$0x5], $0x2000, $0x38;
	[tilespmem:$0x1E200] =	vst v63  }
0x3b: {  	_ =	swait.ge [sflag:s31], $0x2000  }
0x3c: {  	[sflag:s31] =	ssyncset.done $0x0  }
0x3d: {  	s17 =	rddreg [dreg:$0xb];
	[sflag:s31] =	ssyncadd.s32 $0xFFFFE000  }
0x3e: {  	[spmem:s17] =	stream.linear.scatter [tilespmem:s30], [sflag:$0x5], $0x2000, $0x38;
	[tilespmem:$0x1E200] =	vst v63  }
0x3f: {  	_ =	swait.ge [sflag:s31], $0x2000  }
0x40: {  	[sflag:s31] =	ssyncset.done $0x0  }
0x41: {  	[sflag:s31] =	ssyncadd.s32 $0xFFFFE000  }
0x42: {  	[spmem:s21] =	stream.linear.scatter [tilespmem:s30], [sflag:$0x5], $0x2000, $0x38;
	[tilespmem:$0x1E200] =	vst v63  }
0x43: {  	_ =	swait.ge [sflag:s31], $0x2000  }
0x44: {  	[sflag:s31] =	ssyncset.done $0x0  }
0x45: {  	[sflag:s31] =	ssyncadd.s32 $0xFFFFE000  }
0x46: {  	[spmem:s23] =	stream.linear.scatter [tilespmem:s30], [sflag:$0x5], $0x2000, $0x38;
	[tilespmem:$0x1E200] =	vst v63  }
0x47: {  	_ =	swait.ge [sflag:s31], $0x2000  }
0x48: {  	[sflag:s31] =	ssyncset.done $0x0  }
0x49: {  	[sflag:s31] =	ssyncadd.s32 $0xFFFFE000  }
0x4a: {  	[spmem:s26] =	stream.linear.scatter [tilespmem:s30], [sflag:$0x5], $0x2000, $0x38;
	[tilespmem:$0x1E200] =	vst v63  }
0x4b: {  	_ =	swait.ge [sflag:s31], $0x2000  }
0x4c: {  	[sflag:s31] =	ssyncset.done $0x0  }
0x4d: {  	[sflag:s31] =	ssyncadd.s32 $0xFFFFE000  }
0x4e: {  	[spmem:s28] =	stream.linear.scatter [tilespmem:s30], [sflag:$0x5], $0x2000, $0x38;
	[tilespmem:$0x1E200] =	vst v63  }
0x4f: {  	_ =	swait.ge [sflag:s31], $0x2000  }
0x50: {  	[sflag:s31] =	ssyncset.done $0x0  }
0x51: {  	[sflag:s31] =	ssyncadd.s32 $0xFFFFE000  }
0x52: {  	[spmem:s29] =	stream.linear.scatter [tilespmem:s30], [sflag:$0x5], $0x2000, $0x38;
	[tilespmem:$0x1E200] =	vst v63  }
0x53: {  	_ =	swait.ge [sflag:s31], $0x2000  }
0x54: {  	[sflag:s31] =	ssyncset.done $0x0  }
0x55: {  	[sflag:s31] =	ssyncadd.s32 $0xFFFFE000  }
0x56: {  	[bflag:$0x0] =	sbarrier.arrive $0xFFFF  }
0x57: {  	s14 =	simm.s32 $0x0;
	s17 =	rddreg [dreg:$0x3]  }
0x58: {  	[tilespmem:s14], [sflag:$0x3] =	stream.linear.gather [hbm4b:s17+s14], $0x80, $0x38;
	[tilespmem:$0x1E200] =	vst v63  }
0x59: {  	s18 =	rddreg [dreg:$0x4]  }
0x5a: {  	[tilespmem:s0], [sflag:$0x3] =	stream.linear.gather [hbm4b:s18+s14], $0x80, $0x38;
	[tilespmem:$0x1E200] =	vst v63  }
0x5b: {  	_ =	swait.ge [sflag:s3], $0x80  }
0x5c: {  	[sflag:s3] =	ssyncset.done $0x0  }
0x5d: {  	[sflag:s3] =	ssyncadd.s32 $0xFFFFFF80  }
0x5e: {  	_ =	swait.ge [sflag:s3], $0x80  }
0x5f: {  	[sflag:s3] =	ssyncset.done $0x0  }
0x60: {  	[sflag:s3] =	ssyncadd.s32 $0xFFFFFF80  }
0x61: {  	[tilespmem:s7], [sflag:$0x1] =	stream.indirect.gather [hbm4b:s4+s6], $0x80, s14, s6, $0xb8;
	[tilespmem:$0x1E200] =	vst v63  }
0x62: {  	s18 =	rddreg [dreg:$0x5]  }
0x63: {  	[tilespmem:s6], [sflag:$0x4] =	stream.linear.gather [hbm4b:s18+s14], $0x80, $0x38;
	[tilespmem:$0x1E200] =	vst v63  }
0x64: {  	s18 =	rddreg [dreg:$0x6]  }
0x65: {  	[tilespmem:s8], [sflag:$0x4] =	stream.linear.gather [hbm4b:s18+s14], $0x80, $0x38;
	[tilespmem:$0x1E200] =	vst v63  }
0x66: {  	_ =	swait.ge [sflag:s9], $0x80  }
0x67: {  	[sflag:s9] =	ssyncset.done $0x0  }
0x68: {  	[sflag:s9] =	ssyncadd.s32 $0xFFFFFF80  }
0x69: {  	_ =	swait.ge [sflag:s9], $0x80  }
0x6a: {  	[sflag:s9] =	ssyncset.done $0x0  }
0x6b: {  	[sflag:s9] =	ssyncadd.s32 $0xFFFFFF80  }
0x6c: {  	_ =	swait.ge [sflag:s10], $0x4000  }
0x6d: {  	[sflag:s10] =	ssyncset.done $0x0  }
0x6e: {  	[sflag:s10] =	ssyncadd.s32 $0xFFFFC000  }
0x6f: {  	[tilespmem:s11], [sflag:$0x2] =	stream.indirect.gather [hbm4b:s4+s6], $0x80, s6, s6, $0xb8;
	[tilespmem:$0x1E200] =	vst v63  }
0x70: {  	_ = 	snop  }
0x71: {  	[spmem:s1] =	stream.indirect.scatter.add.f32 [tilespmem:s7], [sflag:$0x5], $0x80, s0, s6, $0xb8;
	[tilespmem:$0x1E200] =	vst v63  }
0x72: {  	_ =	swait.ge [sflag:s31], $0x4000  }
0x73: {  	[sflag:s31] =	ssyncset.done $0x0  }
0x74: {  	s18 =	sadd.s32 $0x0, s19;
	[sflag:s31] =	ssyncadd.s32 $0xFFFFC000  }
0x75: {  	[tilespmem:s2], [sflag:$0x3] =	stream.linear.gather [hbm4b:s18+s2], $0x80, $0x38;
	[tilespmem:$0x1E200] =	vst v63  }
0x76: {  	s17 =	sadd.s32 $0x0, s20  }
0x77: {  	[tilespmem:s0], [sflag:$0x3] =	stream.linear.gather [hbm4b:s17+s2], $0x80, $0x38;
	[tilespmem:$0x1E200] =	vst v63  }
0x78: {  	_ =	swait.ge [sflag:s12], $0x4000  }
0x79: {  	[sflag:s12] =	ssyncset.done $0x0  }
0x7a: {  	[sflag:s12] =	ssyncadd.s32 $0xFFFFC000  }
0x7b: {  	_ =	swait.ge [sflag:s3], $0x80  }
0x7c: {  	[sflag:s3] =	ssyncset.done $0x0  }
0x7d: {  	[sflag:s3] =	ssyncadd.s32 $0xFFFFFF80  }
0x7e: {  	_ =	swait.ge [sflag:s3], $0x80  }
0x7f: {  	[sflag:s3] =	ssyncset.done $0x0  }
0x80: {  	[sflag:s3] =	ssyncadd.s32 $0xFFFFFF80  }
0x81: {  	[tilespmem:s7], [sflag:$0x1] =	stream.indirect.gather [hbm4b:s4+s6], $0x80, s2, s6, $0xb8;
	[tilespmem:$0x1E200] =	vst v63  }
0x82: {  	_ = 	snop  }
0x83: {  	[spmem:s1] =	stream.indirect.scatter.add.f32 [tilespmem:s11], [sflag:$0x5], $0x80, s8, s6, $0xb8;
	[tilespmem:$0x1E200] =	vst v63  }
0x84: {  	_ =	swait.ge [sflag:s31], $0x4000  }
0x85: {  	s14 =	simm.s32 $0x20;
	[sflag:s31] =	ssyncset.done $0x0  }
0x86: {  	s18 =	sadd.s32 $0x0, s24;
	s17 =	sadd.s32 $0x0, s25;
	[sflag:s31] =	ssyncadd.s32 $0xFFFFC000  }
0x87: {  	[tilespmem:s6], [sflag:$0x4] =	stream.linear.gather [hbm4b:s18+s2], $0x80, $0x38;
	[tilespmem:$0x1E200] =	vst v63  }
.LBB2_4:
0x88: {  	[tilespmem:s8], [sflag:$0x4] =	stream.linear.gather [hbm4b:s17+s2], $0x80, $0x38;
	[tilespmem:$0x1E200] =	vst v63  }
0x89: {  	s17 =	smov.u32 s14  }
0x8a: {  	p0 =	sne.s32 s14, $0x4A0;
	s14 =	sadd.s32 $0x20, s14;
	_ =	swait.ge [sflag:s9], $0x80  }
0x8b: {  	[sflag:s9] =	ssyncset.done $0x0  }
0x8c: {  	[sflag:s9] =	ssyncadd.s32 $0xFFFFFF80  }
0x8d: {  	_ =	swait.ge [sflag:s9], $0x80  }
0x8e: {  	[sflag:s9] =	ssyncset.done $0x0  }
0x8f: {  	[sflag:s9] =	ssyncadd.s32 $0xFFFFFF80  }
0x90: {  	_ =	swait.ge [sflag:s10], $0x4000  }
0x91: {  	[sflag:s10] =	ssyncset.done $0x0  }
0x92: {  	[sflag:s10] =	ssyncadd.s32 $0xFFFFC000  }
0x93: {  	[tilespmem:s11], [sflag:$0x2] =	stream.indirect.gather [hbm4b:s4+s6], $0x80, s6, s6, $0xb8;
	[tilespmem:$0x1E200] =	vst v63  }
0x94: {  	_ = 	snop  }
0x95: {  	[spmem:s1] =	stream.indirect.scatter.add.f32 [tilespmem:s7], [sflag:$0x5], $0x80, s0, s6, $0xb8;
	[tilespmem:$0x1E200] =	vst v63  }
0x96: {  	_ =	swait.ge [sflag:s31], $0x4000  }
0x97: {  	[sflag:s31] =	ssyncset.done $0x0  }
0x98: {  	s18 =	sadd.s32 s17, s19;
	[sflag:s31] =	ssyncadd.s32 $0xFFFFC000  }
0x99: {  	[tilespmem:s2], [sflag:$0x3] =	stream.linear.gather [hbm4b:s18+s2], $0x80, $0x38;
	[tilespmem:$0x1E200] =	vst v63  }
0x9a: {  	s18 =	sadd.s32 s17, s20  }
0x9b: {  	[tilespmem:s0], [sflag:$0x3] =	stream.linear.gather [hbm4b:s18+s2], $0x80, $0x38;
	[tilespmem:$0x1E200] =	vst v63  }
0x9c: {  	_ =	swait.ge [sflag:s12], $0x4000  }
0x9d: {  	[sflag:s12] =	ssyncset.done $0x0  }
0x9e: {  	[sflag:s12] =	ssyncadd.s32 $0xFFFFC000  }
0x9f: {  	_ =	swait.ge [sflag:s3], $0x80  }
0xa0: {  	[sflag:s3] =	ssyncset.done $0x0  }
0xa1: {  	[sflag:s3] =	ssyncadd.s32 $0xFFFFFF80  }
0xa2: {  	_ =	swait.ge [sflag:s3], $0x80  }
0xa3: {  	[sflag:s3] =	ssyncset.done $0x0  }
0xa4: {  	[sflag:s3] =	ssyncadd.s32 $0xFFFFFF80  }
0xa5: {  	[tilespmem:s7], [sflag:$0x1] =	stream.indirect.gather [hbm4b:s4+s6], $0x80, s2, s6, $0xb8;
	[tilespmem:$0x1E200] =	vst v63  }
0xa6: {  	_ = 	snop  }
0xa7: {  	[spmem:s1] =	stream.indirect.scatter.add.f32 [tilespmem:s11], [sflag:$0x5], $0x80, s8, s6, $0xb8;
	[tilespmem:$0x1E200] =	vst v63  }
.Ltmp1:
0xa8: {  	_ =	swait.ge [sflag:s31], $0x4000;
	(pc) =	sbr.rel @p0 .LBB2_4-.Ltmp1, $4  }
0xa9: {  	[sflag:s31] =	ssyncset.done $0x0  }
0xaa: {  	s18 =	sadd.s32 s17, s24;
	[sflag:s31] =	ssyncadd.s32 $0xFFFFC000  }
0xab: {  	[tilespmem:s6], [sflag:$0x4] =	stream.linear.gather [hbm4b:s18+s2], $0x80, $0x38;
	[tilespmem:$0x1E200] =	vst v63  }
0xac: {  	s17 =	sadd.s32 s17, s25  }
0xad: {  	[tilespmem:s8], [sflag:$0x4] =	stream.linear.gather [hbm4b:s17+s2], $0x80, $0x38;
	[tilespmem:$0x1E200] =	vst v63  }
0xae: {  	_ =	swait.ge [sflag:s9], $0x80  }
0xaf: {  	[sflag:s9] =	ssyncset.done $0x0  }
0xb0: {  	[sflag:s9] =	ssyncadd.s32 $0xFFFFFF80  }
0xb1: {  	_ =	swait.ge [sflag:s9], $0x80  }
0xb2: {  	[sflag:s9] =	ssyncset.done $0x0  }
0xb3: {  	[sflag:s9] =	ssyncadd.s32 $0xFFFFFF80  }
0xb4: {  	_ =	swait.ge [sflag:s10], $0x4000  }
0xb5: {  	[sflag:s10] =	ssyncset.done $0x0  }
0xb6: {  	[sflag:s10] =	ssyncadd.s32 $0xFFFFC000  }
0xb7: {  	[tilespmem:s11], [sflag:$0x2] =	stream.indirect.gather [hbm4b:s4+s6], $0x80, s6, s6, $0xb8;
	[tilespmem:$0x1E200] =	vst v63  }
0xb8: {  	_ = 	snop  }
0xb9: {  	[spmem:s1] =	stream.indirect.scatter.add.f32 [tilespmem:s7], [sflag:$0x5], $0x80, s0, s6, $0xb8;
	[tilespmem:$0x1E200] =	vst v63  }
0xba: {  	_ =	swait.ge [sflag:s31], $0x4000  }
0xbb: {  	[sflag:s31] =	ssyncset.done $0x0  }
0xbc: {  	s14 =	rddreg [dreg:$0xc];
	[sflag:s31] =	ssyncadd.s32 $0xFFFFC000  }
0xbd: {  	[tilespmem:s2], [sflag:$0x3] =	stream.linear.gather [hbm4b:s14+s2], $0x80, $0x38;
	[tilespmem:$0x1E200] =	vst v63  }
0xbe: {  	s18 =	rddreg [dreg:$0xd]  }
0xbf: {  	[tilespmem:s0], [sflag:$0x3] =	stream.linear.gather [hbm4b:s18+s2], $0x80, $0x38;
	[tilespmem:$0x1E200] =	vst v63  }
0xc0: {  	_ =	swait.ge [sflag:s12], $0x4000  }
0xc1: {  	[sflag:s12] =	ssyncset.done $0x0  }
0xc2: {  	[sflag:s12] =	ssyncadd.s32 $0xFFFFC000  }
0xc3: {  	_ =	swait.ge [sflag:s3], $0x80  }
0xc4: {  	[sflag:s3] =	ssyncset.done $0x0  }
0xc5: {  	[sflag:s3] =	ssyncadd.s32 $0xFFFFFF80  }
0xc6: {  	_ =	swait.ge [sflag:s3], $0x80  }
0xc7: {  	[sflag:s3] =	ssyncset.done $0x0  }
0xc8: {  	[sflag:s3] =	ssyncadd.s32 $0xFFFFFF80  }
0xc9: {  	[tilespmem:s7], [sflag:$0x1] =	stream.indirect.gather [hbm4b:s4+s6], $0x80, s2, s6, $0xb8;
	[tilespmem:$0x1E200] =	vst v63  }
0xca: {  	_ = 	snop  }
0xcb: {  	[spmem:s1] =	stream.indirect.scatter.add.f32 [tilespmem:s11], [sflag:$0x5], $0x80, s8, s6, $0xb8;
	[tilespmem:$0x1E200] =	vst v63  }
0xcc: {  	_ =	swait.ge [sflag:s31], $0x4000  }
0xcd: {  	[sflag:s31] =	ssyncset.done $0x0  }
0xce: {  	[sflag:s31] =	ssyncadd.s32 $0xFFFFC000  }
0xcf: {  	[tilespmem:s6], [sflag:$0x4] =	stream.linear.gather [hbm4b:s15+s2], $0x80, $0x38;
	[tilespmem:$0x1E200] =	vst v63  }
0xd0: {  	_ = 	snop  }
0xd1: {  	[tilespmem:s8], [sflag:$0x4] =	stream.linear.gather [hbm4b:s16+s2], $0x80, $0x38;
	[tilespmem:$0x1E200] =	vst v63  }
0xd2: {  	_ =	swait.ge [sflag:s9], $0x80  }
0xd3: {  	[sflag:s9] =	ssyncset.done $0x0  }
0xd4: {  	[sflag:s9] =	ssyncadd.s32 $0xFFFFFF80  }
0xd5: {  	_ =	swait.ge [sflag:s9], $0x80  }
0xd6: {  	[sflag:s9] =	ssyncset.done $0x0  }
0xd7: {  	[sflag:s9] =	ssyncadd.s32 $0xFFFFFF80  }
0xd8: {  	_ =	swait.ge [sflag:s10], $0x4000  }
0xd9: {  	[sflag:s10] =	ssyncset.done $0x0  }
0xda: {  	[sflag:s10] =	ssyncadd.s32 $0xFFFFC000  }
0xdb: {  	[tilespmem:s11], [sflag:$0x2] =	stream.indirect.gather [hbm4b:s4+s6], $0x80, s6, s6, $0xb8;
	[tilespmem:$0x1E200] =	vst v63  }
0xdc: {  	_ = 	snop  }
0xdd: {  	[spmem:s1] =	stream.indirect.scatter.add.f32 [tilespmem:s7], [sflag:$0x5], $0x80, s0, s6, $0xb8;
	[tilespmem:$0x1E200] =	vst v63  }
0xde: {  	_ =	swait.ge [sflag:s31], $0x4000  }
0xdf: {  	[sflag:s31] =	ssyncset.done $0x0  }
0xe0: {  	[sflag:s31] =	ssyncadd.s32 $0xFFFFC000  }
0xe1: {  	[tilespmem:s2], [sflag:$0x3] =	stream.linear.gather [hbm4b:s15+s2], $0x80, $0x38;
	[tilespmem:$0x1E200] =	vst v63  }
0xe2: {  	_ = 	snop  }
0xe3: {  	[tilespmem:s0], [sflag:$0x3] =	stream.linear.gather [hbm4b:s16+s2], $0x80, $0x38;
	[tilespmem:$0x1E200] =	vst v63  }
0xe4: {  	_ =	swait.ge [sflag:s12], $0x4000  }
0xe5: {  	[sflag:s12] =	ssyncset.done $0x0  }
0xe6: {  	[sflag:s12] =	ssyncadd.s32 $0xFFFFC000  }
0xe7: {  	_ =	swait.ge [sflag:s3], $0x80  }
0xe8: {  	[sflag:s3] =	ssyncset.done $0x0  }
0xe9: {  	[sflag:s3] =	ssyncadd.s32 $0xFFFFFF80  }
0xea: {  	_ =	swait.ge [sflag:s3], $0x80  }
0xeb: {  	[sflag:s3] =	ssyncset.done $0x0  }
0xec: {  	[sflag:s3] =	ssyncadd.s32 $0xFFFFFF80  }
0xed: {  	[tilespmem:s7], [sflag:$0x1] =	stream.indirect.gather [hbm4b:s4+s6], $0x80, s2, s6, $0xb8;
	[tilespmem:$0x1E200] =	vst v63  }
0xee: {  	_ = 	snop  }
0xef: {  	[spmem:s1] =	stream.indirect.scatter.add.f32 [tilespmem:s11], [sflag:$0x5], $0x80, s8, s6, $0xb8;
	[tilespmem:$0x1E200] =	vst v63  }
0xf0: {  	_ =	swait.ge [sflag:s31], $0x4000  }
0xf1: {  	[sflag:s31] =	ssyncset.done $0x0  }
0xf2: {  	[sflag:s31] =	ssyncadd.s32 $0xFFFFC000  }
0xf3: {  	[tilespmem:s6], [sflag:$0x4] =	stream.linear.gather [hbm4b:s15+s2], $0x80, $0x38;
	[tilespmem:$0x1E200] =	vst v63  }
0xf4: {  	_ = 	snop  }
0xf5: {  	[tilespmem:s8], [sflag:$0x4] =	stream.linear.gather [hbm4b:s16+s2], $0x80, $0x38;
	[tilespmem:$0x1E200] =	vst v63  }
0xf6: {  	_ =	swait.ge [sflag:s10], $0x4000  }
0xf7: {  	[sflag:s10] =	ssyncset.done $0x0  }
0xf8: {  	[sflag:s10] =	ssyncadd.s32 $0xFFFFC000  }
0xf9: {  	_ =	swait.ge [sflag:s9], $0x80  }
0xfa: {  	[sflag:s9] =	ssyncset.done $0x0  }
0xfb: {  	[sflag:s9] =	ssyncadd.s32 $0xFFFFFF80  }
0xfc: {  	_ =	swait.ge [sflag:s9], $0x80  }
0xfd: {  	s17 =	stileid.u32;
	[sflag:s9] =	ssyncset.done $0x0  }
0xfe: {  	s14 =	sshll.u32 s17, $0x6;
	[sflag:s9] =	ssyncadd.s32 $0xFFFFFF80  }
0xff: {  	s14 =	sor.u32 $0x1C05, s14;
	s18 =	sshrl.u32 s5, $0x3;
	[bflag:$0x0] =	sbarrier.arrive $0xFFFF  }
0x100: {  	[hbm:s22], [sflag:s14] =	dma.local [spmem:s18], $0x2800  }
0x101: {  	_ =	swait.ge [sflag:s31], $0x2800  }
0x102: {  	s13 =	sadd.s32 $0x1, s13;
	s18 =	rddreg [dreg:$0x7]  }
0x103: {  	p0 =	sne.s32 s13, s18  }
.Ltmp2:
0x104: {  	_ = 	snop;
	(pc) =	sbr.rel @p0 .LBB2_1-.Ltmp2, $3  }
0x105: {  	_ =	sdelay $0x1  }
0x106: {  	[sflag:s31] =	ssyncset.done $0x0  }
0x107: {  	[sflag:s31] =	ssyncadd.s32 $0xFFFFD800  }
0x108: {  	_ =	sfence.sel $0x180000  }
0x109: {  	[bflag:$0x0] =	sbarrier.arrive $0xFFFF  }
0x10a: {  	_ =	strace $0x9000004D  }
0x10b: {  	s0 =	stileid.u32;
	[bflag:$0x2] =	sbarrier.arrive $0xFFFF  }
0x10c: {  	p0 =	sne.s32 s0, $0x0;
	s0 =	rddreg [dreg:$0x2]  }
0x10d: {  	s0 =	sadd.s32 @!p0 $0x100000, s0  }
0x10e: {  	[sflag:s0] =	ssyncadd.tile.s32 @!p0 $0x1;
	_ =	shalt  }
.Lfunc_end2:
_tile_overlayer_lowered:
.L_overlay_start_2:
0x10f: {  	(tag) =	ssettag $0x2  }
0x110: {  	s0 =	rddreg [dreg:$0x0];
	s2 =	stileid.u32  }
0x111: {  	s1 =	rddreg [dreg:$0x1];
	p0 =	sne.s32 s2, $0x0  }
0x112: {  	s3 =	rddreg [dreg:$0x2];
	[bflag:$0x3] =	sbarrier.arrive $0xFFFF;
	s2 =	simm.s32 @!p0 $0x1C05  }
0x113: {  	[timem:s3], [sflag:s2] =	dma.local @!p0 [hbm:s0], s1  }
0x114: {  	s0 =	simm.s32 @!p0 $0x5  }
0x115: {  	_ =	swait.ge @!p0 [sflag:s0], s1  }
0x116: {  	s1 =	ssub.s32 @!p0 $0x0, s1;
	[sflag:s0] =	ssyncset.done @!p0 $0x0  }
0x117: {  	[sflag:s0] =	ssyncadd.s32 @!p0 s1  }
0x118: {  	[bflag:$0x3] =	sbarrier.arrive $0xFFFF  }
0x119: {  	_ =	shalt  }

// kernel: kernel.21.cloned.1.call-start
scs
__scs_entry_jumppad:
0x0: {  	(pc) =	sbr.rel $0x88, $3  }
0x1: {  	(tag) =	ssettag $0x0;
	lr =	simm.s32 $0x1  }
0x2: {  	[smem:$0x3F82] =	sst lr;
	_ =	strace $0xD0000000  }
0x3: {  	_ = 	snop  }
0x4: {  	_ = 	snop  }
0x5: {  	_ = 	snop  }
0x6: {  	_ = 	snop  }
0x7: {  	_ = 	snop  }
__scs_overlays_trampoline_lowered:
0x8: {  	[smem:$0x3F91] =	sst s0  }
0x9: {  	[smem:$0x3F92] =	sst s1  }
0xa: {  	[smem:$0x3F93] =	sst s2  }
0xb: {  	[smem:$0x3F94] =	sst s3  }
0xc: {  	[smem:$0x3F95] =	sst s4  }
0xd: {  	[smem:$0x3F96] =	sst s5  }
0xe: {  	[smem:$0x3F97] =	sst s6  }
0xf: {  	[smem:$0x3F98] =	sst s7  }
0x10: {  	[smem:$0x3F99] =	sst s8  }
0x11: {  	[smem:$0x3F9A] =	sst s9;
	s0 =	simm.s32 @!p0 $0x0  }
0x12: {  	s1 =	sld [smem:$0x3F80];
	s0 =	simm.s32 @p0 $0x1  }
0x13: {  	[smem:$0x3F9B] =	sst s0;
	s0 =	simm.s32 @!p1 $0x0  }
0x14: {  	s2 =	sld [smem:$0x3F7F];
	s0 =	simm.s32 @p1 $0x1  }
0x15: {  	[smem:$0x3F9C] =	sst s0;
	s0 =	simm.s32 @!p2 $0x0  }
0x16: {  	s3 =	sld [smem:$0x3FDB];
	s0 =	simm.s32 @p2 $0x1  }
0x17: {  	s4 =	simm.s32 $0x1BF5;
	[smem:$0x3F9E] =	sst s0  }
0x18: {  	s0 =	sld [smem:$0x3F81];
	_ =	swait.ge [sflag:s4], $0x0  }
0x19: {  	s7 =	sld [smem:$0x3F82]  }
0x1a: {  	s8 =	sadd.s32 $0xFFFFE003, lr  }
0x1b: {  	s9 =	sadd.s32 $0xFFFFFEF7, lr;
	s5 =	simm.s32 $0xFFFFFFFF;
	p2 =	slt.u32 s8, $0xFFFFF086  }
0x1c: {  	p1 =	slt.u32 s9, $0xF7A;
	s5 =	simm.s32 @!p2 $0x0  }
0x1d: {  	s5 =	simm.s32 @p1 $0x1;
	p0 =	seq.s32 s7, s2  }
0x1e: {  	s7 =	smul.u32 @!p0 $0xF7A, s2;
	p2 =	seq.s32 @!p0 s5, $0x0  }
0x1f: {  	s9 =	smul.u32 $0xF7A, s1;
	s8 =	simm.s32 @!p0 $0x1BF5;
	p2 =	por !p2, p0  }
0x20: {  	[sflag:s8] =	ssyncset.s32 @!p0 $0xFFFFF086;
	s6 =	sadd.s32 @!p0 s3, s7;
	s7 =	simm.s32 @!p0 $0x108  }
0x21: {  	s3 =	sadd.s32 s3, s9;
	s6 =	sadd.s32 @!p0 $0x88, s6;
	s7 =	simm.s32 @p2 $0x1082  }
0x22: {  	[simem:s7], [sflag:s8] =	dma.local @!p0 [hbm:s6], $0xF7A  }
0x23: {  	s9 =	sor.u32 $0xD0000000, s2;
	s6 =	simm.s32 $0x108;
	_ =	swait.ge @!p0 [sflag:s8], $0x0  }
0x24: {  	s3 =	sadd.s32 $0x88, s3;
	s6 =	simm.s32 @!p1 $0x1082;
	[sflag:s4] =	ssyncset.s32 $0xFFFFF086  }
0x25: {  	[simem:s6], [sflag:s4] =	dma.local [hbm:s3], $0xF7A  }
0x26: {  	[smem:$0x3F82] =	sst s1;
	(tag) =	ssettag s2;
	_ =	strace s9  }
0x27: {  	s1 =	sld [smem:$0x3F92]  }
0x28: {  	s2 =	sld [smem:$0x3F93]  }
0x29: {  	s4 =	sld [smem:$0x3F95]  }
0x2a: {  	p0 =	seq.s32 s5, $0x0;
	s5 =	sld [smem:$0x3F96]  }
0x2b: {  	s6 =	sld [smem:$0x3F97]  }
0x2c: {  	s7 =	sld [smem:$0x3F98]  }
0x2d: {  	s3 =	simm.s32 $0x108;
	s8 =	sld [smem:$0x3F99]  }
0x2e: {  	s3 =	simm.s32 @!p0 $0x1082;
	s9 =	sld [smem:$0x3F9A]  }
0x2f: {  	lr =	sadd.s32 s0, s3;
	s0 =	sld [smem:$0x3F91]  }
0x30: {  	s3 =	sld [smem:$0x3F94]  }
0x31: {  	[smem:$0x3F9D] =	sst s10  }
0x32: {  	s10 =	sld [smem:$0x3F9B];
	_ =	sdelay $0x3  }
0x33: {  	p0 =	seq.s32 s10, $0x1;
	s10 =	sld [smem:$0x3F9D];
	_ =	sdelay $0x3  }
0x34: {  	[smem:$0x3F9D] =	sst s10  }
0x35: {  	s10 =	sld [smem:$0x3F9C];
	_ =	sdelay $0x3  }
0x36: {  	p1 =	seq.s32 s10, $0x1;
	s10 =	sld [smem:$0x3F9D];
	_ =	sdelay $0x3  }
0x37: {  	[smem:$0x3F9D] =	sst s10  }
0x38: {  	s10 =	sld [smem:$0x3F9E]  }
0x39: {  	_ = 	snop;
	(pc) =	sbr.ind lr, $3  }
0x3a: {  	_ = 	snop  }
0x3b: {  	_ = 	snop  }
0x3c: {  	p2 =	seq.s32 s10, $0x1;
	s10 =	sld [smem:$0x3F9D]  }
0x3d: {  	_ =	shalt  }
0x3e: {  	_ =	shalt  }
0x3f: {  	_ =	shalt  }
0x40: {  	_ =	shalt  }
0x41: {  	_ =	shalt  }
0x42: {  	_ =	shalt  }
0x43: {  	_ =	shalt  }
0x44: {  	_ =	shalt  }
0x45: {  	_ =	shalt  }
0x46: {  	_ =	shalt  }
0x47: {  	_ =	shalt  }
0x48: {  	_ =	shalt  }
0x49: {  	_ =	shalt  }
0x4a: {  	_ =	shalt  }
0x4b: {  	_ =	shalt  }
0x4c: {  	_ =	shalt  }
0x4d: {  	_ =	shalt  }
0x4e: {  	_ =	shalt  }
0x4f: {  	_ =	shalt  }
0x50: {  	_ =	shalt  }
0x51: {  	_ =	shalt  }
0x52: {  	_ =	shalt  }
0x53: {  	_ =	shalt  }
0x54: {  	_ =	shalt  }
0x55: {  	_ =	shalt  }
0x56: {  	_ =	shalt  }
0x57: {  	_ =	shalt  }
0x58: {  	_ =	shalt  }
0x59: {  	_ =	shalt  }
0x5a: {  	_ =	shalt  }
0x5b: {  	_ =	shalt  }
0x5c: {  	_ =	shalt  }
0x5d: {  	_ =	shalt  }
0x5e: {  	_ =	shalt  }
0x5f: {  	_ =	shalt  }
0x60: {  	_ =	shalt  }
0x61: {  	_ =	shalt  }
0x62: {  	_ =	shalt  }
0x63: {  	_ =	shalt  }
0x64: {  	_ =	shalt  }
0x65: {  	_ =	shalt  }
0x66: {  	_ =	shalt  }
0x67: {  	_ =	shalt  }
0x68: {  	_ =	shalt  }
0x69: {  	_ =	shalt  }
0x6a: {  	_ =	shalt  }
0x6b: {  	_ =	shalt  }
0x6c: {  	_ =	shalt  }
0x6d: {  	_ =	shalt  }
0x6e: {  	_ =	shalt  }
0x6f: {  	_ =	shalt  }
0x70: {  	_ =	shalt  }
0x71: {  	_ =	shalt  }
0x72: {  	_ =	shalt  }
0x73: {  	_ =	shalt  }
0x74: {  	_ =	shalt  }
0x75: {  	_ =	shalt  }
0x76: {  	_ =	shalt  }
0x77: {  	_ =	shalt  }
0x78: {  	_ =	shalt  }
0x79: {  	_ =	shalt  }
0x7a: {  	_ =	shalt  }
0x7b: {  	_ =	shalt  }
0x7c: {  	_ =	shalt  }
0x7d: {  	_ =	shalt  }
0x7e: {  	_ =	shalt  }
0x7f: {  	_ =	shalt  }
0x80: {  	_ =	shalt  }
0x81: {  	_ =	shalt  }
0x82: {  	_ =	shalt  }
0x83: {  	_ =	shalt  }
0x84: {  	_ =	shalt  }
0x85: {  	_ =	shalt  }
0x86: {  	_ =	shalt  }
0x87: {  	_ =	shalt  }
.Lfunc_end0:
.L_simem_size_0:
called_computation.3_lowered:
.L_overlay_start_0:
0x88: {  	s2 =	sld [smem:$0x3FD9]  }
0x89: {  	s3 =	sld [smem:$0x3FFE];
	_ =	sdelay $0x1  }
0x8a: {  	s1 =	srdreg.scid  }
0x8b: {  	s0 =	sand.u32 $0x1, s1  }
0x8c: {  	s16 =	sshll.u32 s0, $0xA;
	s2 =	sadd.s32 s3, s2  }
0x8d: {  	s2 =	sadd.s32 s2, s16  }
0x8e: {  	[smem:$0x3FA9] =	sst s2  }
0x8f: {  	_ = 	snop  }
0x90: {  	(tm) =	ssettm $0x1  }
0x91: {  	s17 =	sld [smem:$0x3FFB];
	_ =	sdelay $0x3  }
0x92: {  	_ =	strace s17  }
0x93: {  	s2 =	sld [smem:$0x3FFC];
	_ =	sdelay $0x3  }
0x94: {  	_ =	strace s2  }
0x95: {  	s2 =	sld [smem:$0x3FFD];
	_ =	sdelay $0x3  }
0x96: {  	_ =	strace s2  }
0x97: {  	_ =	strace $0x8FFFFFFF  }
0x98: {  	s18 =	sld [smem:$0x3FDB];
	_ =	sdelay $0x1  }
0x99: {  	s19 =	simm.s32 $_scs_section_size  }
0x9a: {  	s4 =	simm.s32 $_size__tile_overlayer_lowered;
	s5 =	simm.s32 $_tile_overlayer_lowered  }
0x9b: {  	s22 =	simm.s32 $0x1BFF;
	s21 =	sshll.u32 s5, $0x1;
	s2 =	sadd.s32 s19, s18  }
0x9c: {  	s6 =	simm.s32 $0x0;
	s20 =	sshll.u32 s4, $0x1;
	s4 =	sadd.s32 s21, s2  }
0x9d: {  	[timem:s6], [sflag:s22] =	dma.local [hbm:s4], s20  }
0x9e: {  	_ =	swait.ge [sflag:s22], s20  }
0x9f: {  	s3 =	ssub.s32 $0x0, s20;
	[sflag:s22] =	ssyncset.done $0x0  }
0xa0: {  	[sflag:s22] =	ssyncadd.s32 s3;
	_ =	sdelay $0x1  }
0xa1: {  	s23 =	simm.s32 $0x1B8B  }
0xa2: {  	_ =	swait.ge [sflag:s23], $0x1  }
0xa3: {  	[sflag:s23] =	ssyncset.done $0x0  }
0xa4: {  	s25 =	simm.s32 $0x1B8E;
	s24 =	sld [smem:$0x3FFE];
	[sflag:s23] =	ssyncadd.s32 $0xFFFFFFFF  }
0xa5: {  	s26 =	simm.s32 $execute0_lowered;
	[smem:$0x3FD2] =	sst s25  }
0xa6: {  	s4 =	sshll.u32 s26, $0x1;
	_ =	strace $0x8000004F;
	[dreg:$0x1] =	wrdreg $0xFFFFFFFF  }
0xa7: {  	s28 =	simm.s32 $_size_execute0_lowered;
	s2 =	sadd.s32 s2, s4;
	[dreg:$0x0] =	wrdreg $0x0  }
0xa8: {  	s4 =	sshll.u32 s28, $0x1;
	[dreg:$0x2] =	wrdreg s2  }
0xa9: {  	[dreg:$0x3] =	wrdreg s4  }
0xaa: {  	[dreg:$0x4] =	wrdreg $0xC0  }
0xab: {  	_ =	task [dreg:s6], $0x5FFFF  }
0xac: {  	[dreg:$0x1] =	wrdreg $0xFFFFFFFF  }
0xad: {  	[dreg:$0x0] =	wrdreg $0x60  }
0xae: {  	[dreg:$0x2] =	wrdreg s24  }
0xaf: {  	[dreg:$0x3] =	wrdreg $0xA2000  }
0xb0: {  	[dreg:$0x4] =	wrdreg $0x9  }
0xb1: {  	_ =	task.clear_ibuf [dreg:s6], $0x5FFFF;
	_ =	strace $0x9000004F  }
0xb2: {  	s29 =	simm.s32 $0x9;
	_ =	strace $0x80000051  }
0xb3: {  	_ =	swait.ge [sflag:s29], $0x1  }
0xb4: {  	[sflag:s29] =	ssyncadd.s32 $0xFFFFFFFF  }
0xb5: {  	_ =	strace $0x90000051  }
0xb6: {  	_ =	sfence  }
0xb7: {  	s30 =	sld [smem:$0x0];
	_ =	sdelay $0x2  }
0xb8: {  	s31 =	sshll.u32 s1, $0xD;
	s1 =	sshrl.u32 s1, $0x2  }
0xb9: {  	s3 =	sand.u32 $0x4000, s31;
	s1 =	sadd.s32 s1, s30  }
0xba: {  	s0 =	sor.u32 s3, s0;
	s1 =	sshll.u32 s1, $0x11  }
0xbb: {  	s0 =	sor.u32 s1, s0  }
0xbc: {  	s0 =	sadd.s32 $0x8F2B, s0  }
0xbd: {  	[sflag:s0] =	ssyncadd.remote.s32 $0x1  }
0xbe: {  	_ =	sfence.sel $0xFFFF  }
0xbf: {  	[dreg:$0x0] =	wrdreg $0xFFFFFFFF;
	(pc) =	sbr.abs _section_cstart, $3  }
0xc0: {  	[dreg:$0x1] =	wrdreg $0xFFFFFFFF  }
0xc1: {  	_ =	task.clear_ibuf [dreg:s6], $0x2FFFF;
	_ =	strace $0x9FFFFFFF  }
0xc2: {  	(tm) =	ssettm $0x7FFFFFFF  }
0xc3: {  	_ =	shalt  }
tec
execute0_lowered:
.L_overlay_start_1:
0x0: {  	(tag) =	ssettag $0x1  }
0x1: {  	s0 =	rddreg [dreg:$0x0]  }
0x2: {  	s1 =	rddreg [dreg:$0x1]  }
0x3: {  	s2 =	simm.s32 $0x0;
	s3 =	srdreg.scid;
	s12 =	stileid.u32  }
0x4: {  	s30 =	simm.s32 $0x8200;
	s31 =	simm.s32 $0x5;
	s9 =	smul.u32 $0x50000, s12  }
0x5: {  	[smem:$0x7FF] =	sst s2;
	s4 =	sadd.s32 $0x32A00, s0;
	s18 =	smul.u32 $0x2800, s12  }
0x6: {  	s6 =	sadd.s32 $0x5B800, s0;
	s3 =	sand.u32 $0x1, s3;
	s20 =	smul.u32 $0x50, s12  }
0x7: {  	s10 =	sadd.s32 $0x1800, s0;
	_ =	strace $0x80000050;
	s5 =	smul.u32 $0x28000, s3  }
0x8: {  	s7 =	sshll.u32 s3, $0x4;
	s8 =	ssub.s32 $0x2, s3;
	s3 =	smul.u32 $0x500, s3  }
0x9: {  	s7 =	sor.u32 s12, s7;
	s11 =	sshrl.u32 s8, $0x1;
	s13 =	sshrl.u32 s9, $0x2  }
0xa: {  	s12 =	simm.s32 $0x2;
	s7 =	smul.u32 $0x500, s7;
	s0 =	sadd.s32 s5, s0  }
0xb: {  	s8 =	ssub.s32 s8, s11;
	s5 =	sadd.s32 s13, s1;
	s3 =	sadd.s32 s20, s3  }
0xc: {  	s11 =	simm.s32 $0x4200;
	s13 =	simm.s32 $0x0;
	s0 =	sadd.s32 $0x65800, s0  }
0xd: {  	s8 =	smax.u32 s8, $0x1;
	s19 =	sadd.s32 $0x2000, s5;
	s21 =	sadd.s32 $0x4000, s5  }
0xe: {  	s22 =	sadd.s32 $0x6000, s5;
	s24 =	sadd.s32 $0x8000, s5;
	[dreg:$0x7] =	wrdreg s8  }
0xf: {  	s3 =	sshll.u32 s3, $0x4;
	s28 =	sadd.s32 $0x10000, s5;
	[dreg:$0x8] =	wrdreg s19  }
0x10: {  	s29 =	sadd.s32 $0x12000, s5;
	s14 =	sadd.s32 s6, s7;
	[dreg:$0x9] =	wrdreg s21  }
0x11: {  	s15 =	sor.u32 $0x10, s7;
	s16 =	sadd.s32 s10, s7;
	[dreg:$0xa] =	wrdreg s22  }
0x12: {  	s23 =	sadd.s32 $0x4F0, s7;
	[dreg:$0xb] =	wrdreg s24;
	s7 =	sadd.s32 $0x4E0, s7  }
0x13: {  	s26 =	sor.u32 $0x20, s3;
	s21 =	sadd.s32 $0xA000, s5;
	s22 =	sadd.s32 s18, s0  }
0x14: {  	s0 =	simm.s32 $0x100;
	s8 =	simm.s32 $0x180;
	[dreg:$0x3] =	wrdreg s14  }
0x15: {  	[dreg:$0x4] =	wrdreg s16;
	s17 =	sadd.s32 s6, s15;
	s9 =	sadd.s32 s10, s15  }
0x16: {  	s15 =	sadd.s32 s6, s23;
	s16 =	sadd.s32 s10, s23;
	s25 =	sadd.s32 s6, s7  }
0x17: {  	s7 =	sadd.s32 s10, s7;
	s19 =	sadd.s32 s26, s6;
	[dreg:$0x5] =	wrdreg s17  }
0x18: {  	s20 =	sadd.s32 s26, s10;
	s6 =	sadd.s32 s3, s6;
	[dreg:$0x6] =	wrdreg s9  }
0x19: {  	s3 =	sadd.s32 s3, s10;
	s23 =	sadd.s32 $0xC000, s5;
	[dreg:$0xc] =	wrdreg s25  }
0x1a: {  	s26 =	sadd.s32 $0xE000, s5;
	s10 =	simm.s32 $0x1;
	[dreg:$0xd] =	wrdreg s7  }
0x1b: {  	s24 =	sadd.s32 $0x30, s6;
	s25 =	sadd.s32 $0x30, s3;
	s3 =	simm.s32 $0x3  }
0x1c: {  	v0 =	vimm.f32 $0.0e+00;
	s6 =	simm.s32 $0x80;
	s7 =	simm.s32 $0x200;
	s9 =	simm.s32 $0x4  }
.LBB2_1:
0x1d: {  	s14 =	simm.s32 $0x0;
	s17 =	simm.s32 $0x200  }
.LBB2_2:
0x1e: {  	p0 =	sne.s32 s17, $0x7E00;
	[tilespmem:s14+$0x8270] =	vst v0  }
0x1f: {  	[tilespmem:s14+$0x8200] =	vst v0  }
0x20: {  	[tilespmem:s14+$0x8210] =	vst v0  }
.Ltmp0:
0x21: {  	[tilespmem:s14+$0x8220] =	vst v0;
	(pc) =	sbr.rel @p0 .LBB2_2-.Ltmp0, $4  }
0x22: {  	[tilespmem:s14+$0x8230] =	vst v0  }
0x23: {  	[tilespmem:s14+$0x8240] =	vst v0  }
0x24: {  	[tilespmem:s14+$0x8250] =	vst v0  }
0x25: {  	[tilespmem:s14+$0x8260] =	vst v0;
	s14 =	sshra.s32 s17, $0x2;
	s17 =	sadd.s32 $0x200, s17  }
0x26: {  	[tilespmem:s14+$0x8270] =	vst v0  }
0x27: {  	[tilespmem:s14+$0x8200] =	vst v0  }
0x28: {  	[tilespmem:s14+$0x8210] =	vst v0  }
0x29: {  	[tilespmem:s14+$0x8220] =	vst v0  }
0x2a: {  	[tilespmem:s14+$0x8230] =	vst v0  }
0x2b: {  	[tilespmem:s14+$0x8240] =	vst v0  }
0x2c: {  	[tilespmem:s14+$0x8250] =	vst v0  }
0x2d: {  	[tilespmem:s14+$0x8260] =	vst v0  }
0x2e: {  	[spmem:s5] =	stream.linear.scatter [tilespmem:s30], [sflag:$0x5], $0x2000, $0x38;
	[tilespmem:$0x1E200] =	vst v63  }
0x2f: {  	_ =	swait.ge [sflag:s31], $0x2000  }
0x30: {  	[sflag:s31] =	ssyncset.done $0x0  }
0x31: {  	s18 =	rddreg [dreg:$0x8];
	[sflag:s31] =	ssyncadd.s32 $0xFFFFE000  }
0x32: {  	[spmem:s18] =	stream.linear.scatter [tilespmem:s30], [sflag:$0x5], $0x2000, $0x38;
	[tilespmem:$0x1E200] =	vst v63  }
0x33: {  	_ =	swait.ge [sflag:s31], $0x2000  }
0x34: {  	[sflag:s31] =	ssyncset.done $0x0  }
0x35: {  	s17 =	rddreg [dreg:$0x9];
	[sflag:s31] =	ssyncadd.s32 $0xFFFFE000  }
0x36: {  	[spmem:s17] =	stream.linear.scatter [tilespmem:s30], [sflag:$0x5], $0x2000, $0x38;
	[tilespmem:$0x1E200] =	vst v63  }
0x37: {  	_ =	swait.ge [sflag:s31], $0x2000  }
0x38: {  	[sflag:s31] =	ssyncset.done $0x0  }
0x39: {  	s18 =	rddreg [dreg:$0xa];
	[sflag:s31] =	ssyncadd.s32 $0xFFFFE000  }
0x3a: {  	[spmem:s18] =	stream.linear.scatter [tilespmem:s30], [sflag:$0x5], $0x2000, $0x38;
	[tilespmem:$0x1E200] =	vst v63  }
0x3b: {  	_ =	swait.ge [sflag:s31], $0x2000  }
0x3c: {  	[sflag:s31] =	ssyncset.done $0x0  }
0x3d: {  	s17 =	rddreg [dreg:$0xb];
	[sflag:s31] =	ssyncadd.s32 $0xFFFFE000  }
0x3e: {  	[spmem:s17] =	stream.linear.scatter [tilespmem:s30], [sflag:$0x5], $0x2000, $0x38;
	[tilespmem:$0x1E200] =	vst v63  }
0x3f: {  	_ =	swait.ge [sflag:s31], $0x2000  }
0x40: {  	[sflag:s31] =	ssyncset.done $0x0  }
0x41: {  	[sflag:s31] =	ssyncadd.s32 $0xFFFFE000  }
0x42: {  	[spmem:s21] =	stream.linear.scatter [tilespmem:s30], [sflag:$0x5], $0x2000, $0x38;
	[tilespmem:$0x1E200] =	vst v63  }
0x43: {  	_ =	swait.ge [sflag:s31], $0x2000  }
0x44: {  	[sflag:s31] =	ssyncset.done $0x0  }
0x45: {  	[sflag:s31] =	ssyncadd.s32 $0xFFFFE000  }
0x46: {  	[spmem:s23] =	stream.linear.scatter [tilespmem:s30], [sflag:$0x5], $0x2000, $0x38;
	[tilespmem:$0x1E200] =	vst v63  }
0x47: {  	_ =	swait.ge [sflag:s31], $0x2000  }
0x48: {  	[sflag:s31] =	ssyncset.done $0x0  }
0x49: {  	[sflag:s31] =	ssyncadd.s32 $0xFFFFE000  }
0x4a: {  	[spmem:s26] =	stream.linear.scatter [tilespmem:s30], [sflag:$0x5], $0x2000, $0x38;
	[tilespmem:$0x1E200] =	vst v63  }
0x4b: {  	_ =	swait.ge [sflag:s31], $0x2000  }
0x4c: {  	[sflag:s31] =	ssyncset.done $0x0  }
0x4d: {  	[sflag:s31] =	ssyncadd.s32 $0xFFFFE000  }
0x4e: {  	[spmem:s28] =	stream.linear.scatter [tilespmem:s30], [sflag:$0x5], $0x2000, $0x38;
	[tilespmem:$0x1E200] =	vst v63  }
0x4f: {  	_ =	swait.ge [sflag:s31], $0x2000  }
0x50: {  	[sflag:s31] =	ssyncset.done $0x0  }
0x51: {  	[sflag:s31] =	ssyncadd.s32 $0xFFFFE000  }
0x52: {  	[spmem:s29] =	stream.linear.scatter [tilespmem:s30], [sflag:$0x5], $0x2000, $0x38;
	[tilespmem:$0x1E200] =	vst v63  }
0x53: {  	_ =	swait.ge [sflag:s31], $0x2000  }
0x54: {  	[sflag:s31] =	ssyncset.done $0x0  }
0x55: {  	[sflag:s31] =	ssyncadd.s32 $0xFFFFE000  }
0x56: {  	[bflag:$0x0] =	sbarrier.arrive $0xFFFF  }
0x57: {  	s14 =	simm.s32 $0x0;
	s17 =	rddreg [dreg:$0x3]  }
0x58: {  	[tilespmem:s14], [sflag:$0x3] =	stream.linear.gather [hbm4b:s17+s14], $0x80, $0x38;
	[tilespmem:$0x1E200] =	vst v63  }
0x59: {  	s18 =	rddreg [dreg:$0x4]  }
0x5a: {  	[tilespmem:s0], [sflag:$0x3] =	stream.linear.gather [hbm4b:s18+s14], $0x80, $0x38;
	[tilespmem:$0x1E200] =	vst v63  }
0x5b: {  	_ =	swait.ge [sflag:s3], $0x80  }
0x5c: {  	[sflag:s3] =	ssyncset.done $0x0  }
0x5d: {  	[sflag:s3] =	ssyncadd.s32 $0xFFFFFF80  }
0x5e: {  	_ =	swait.ge [sflag:s3], $0x80  }
0x5f: {  	[sflag:s3] =	ssyncset.done $0x0  }
0x60: {  	[sflag:s3] =	ssyncadd.s32 $0xFFFFFF80  }
0x61: {  	[tilespmem:s7], [sflag:$0x1] =	stream.indirect.gather [hbm4b:s4+s6], $0x80, s14, s6, $0xb8;
	[tilespmem:$0x1E200] =	vst v63  }
0x62: {  	s18 =	rddreg [dreg:$0x5]  }
0x63: {  	[tilespmem:s6], [sflag:$0x4] =	stream.linear.gather [hbm4b:s18+s14], $0x80, $0x38;
	[tilespmem:$0x1E200] =	vst v63  }
0x64: {  	s18 =	rddreg [dreg:$0x6]  }
0x65: {  	[tilespmem:s8], [sflag:$0x4] =	stream.linear.gather [hbm4b:s18+s14], $0x80, $0x38;
	[tilespmem:$0x1E200] =	vst v63  }
0x66: {  	_ =	swait.ge [sflag:s9], $0x80  }
0x67: {  	[sflag:s9] =	ssyncset.done $0x0  }
0x68: {  	[sflag:s9] =	ssyncadd.s32 $0xFFFFFF80  }
0x69: {  	_ =	swait.ge [sflag:s9], $0x80  }
0x6a: {  	[sflag:s9] =	ssyncset.done $0x0  }
0x6b: {  	[sflag:s9] =	ssyncadd.s32 $0xFFFFFF80  }
0x6c: {  	_ =	swait.ge [sflag:s10], $0x4000  }
0x6d: {  	[sflag:s10] =	ssyncset.done $0x0  }
0x6e: {  	[sflag:s10] =	ssyncadd.s32 $0xFFFFC000  }
0x6f: {  	[tilespmem:s11], [sflag:$0x2] =	stream.indirect.gather [hbm4b:s4+s6], $0x80, s6, s6, $0xb8;
	[tilespmem:$0x1E200] =	vst v63  }
0x70: {  	_ = 	snop  }
0x71: {  	[spmem:s1] =	stream.indirect.scatter.add.f32 [tilespmem:s7], [sflag:$0x5], $0x80, s0, s6, $0xb8;
	[tilespmem:$0x1E200] =	vst v63  }
0x72: {  	_ =	swait.ge [sflag:s31], $0x4000  }
0x73: {  	[sflag:s31] =	ssyncset.done $0x0  }
0x74: {  	s18 =	sadd.s32 $0x0, s19;
	[sflag:s31] =	ssyncadd.s32 $0xFFFFC000  }
0x75: {  	[tilespmem:s2], [sflag:$0x3] =	stream.linear.gather [hbm4b:s18+s2], $0x80, $0x38;
	[tilespmem:$0x1E200] =	vst v63  }
0x76: {  	s17 =	sadd.s32 $0x0, s20  }
0x77: {  	[tilespmem:s0], [sflag:$0x3] =	stream.linear.gather [hbm4b:s17+s2], $0x80, $0x38;
	[tilespmem:$0x1E200] =	vst v63  }
0x78: {  	_ =	swait.ge [sflag:s12], $0x4000  }
0x79: {  	[sflag:s12] =	ssyncset.done $0x0  }
0x7a: {  	[sflag:s12] =	ssyncadd.s32 $0xFFFFC000  }
0x7b: {  	_ =	swait.ge [sflag:s3], $0x80  }
0x7c: {  	[sflag:s3] =	ssyncset.done $0x0  }
0x7d: {  	[sflag:s3] =	ssyncadd.s32 $0xFFFFFF80  }
0x7e: {  	_ =	swait.ge [sflag:s3], $0x80  }
0x7f: {  	[sflag:s3] =	ssyncset.done $0x0  }
0x80: {  	[sflag:s3] =	ssyncadd.s32 $0xFFFFFF80  }
0x81: {  	[tilespmem:s7], [sflag:$0x1] =	stream.indirect.gather [hbm4b:s4+s6], $0x80, s2, s6, $0xb8;
	[tilespmem:$0x1E200] =	vst v63  }
0x82: {  	_ = 	snop  }
0x83: {  	[spmem:s1] =	stream.indirect.scatter.add.f32 [tilespmem:s11], [sflag:$0x5], $0x80, s8, s6, $0xb8;
	[tilespmem:$0x1E200] =	vst v63  }
0x84: {  	_ =	swait.ge [sflag:s31], $0x4000  }
0x85: {  	s14 =	simm.s32 $0x20;
	[sflag:s31] =	ssyncset.done $0x0  }
0x86: {  	s18 =	sadd.s32 $0x0, s24;
	s17 =	sadd.s32 $0x0, s25;
	[sflag:s31] =	ssyncadd.s32 $0xFFFFC000  }
0x87: {  	[tilespmem:s6], [sflag:$0x4] =	stream.linear.gather [hbm4b:s18+s2], $0x80, $0x38;
	[tilespmem:$0x1E200] =	vst v63  }
.LBB2_4:
0x88: {  	[tilespmem:s8], [sflag:$0x4] =	stream.linear.gather [hbm4b:s17+s2], $0x80, $0x38;
	[tilespmem:$0x1E200] =	vst v63  }
0x89: {  	s17 =	smov.u32 s14  }
0x8a: {  	p0 =	sne.s32 s14, $0x4A0;
	s14 =	sadd.s32 $0x20, s14;
	_ =	swait.ge [sflag:s9], $0x80  }
0x8b: {  	[sflag:s9] =	ssyncset.done $0x0  }
0x8c: {  	[sflag:s9] =	ssyncadd.s32 $0xFFFFFF80  }
0x8d: {  	_ =	swait.ge [sflag:s9], $0x80  }
0x8e: {  	[sflag:s9] =	ssyncset.done $0x0  }
0x8f: {  	[sflag:s9] =	ssyncadd.s32 $0xFFFFFF80  }
0x90: {  	_ =	swait.ge [sflag:s10], $0x4000  }
0x91: {  	[sflag:s10] =	ssyncset.done $0x0  }
0x92: {  	[sflag:s10] =	ssyncadd.s32 $0xFFFFC000  }
0x93: {  	[tilespmem:s11], [sflag:$0x2] =	stream.indirect.gather [hbm4b:s4+s6], $0x80, s6, s6, $0xb8;
	[tilespmem:$0x1E200] =	vst v63  }
0x94: {  	_ = 	snop  }
0x95: {  	[spmem:s1] =	stream.indirect.scatter.add.f32 [tilespmem:s7], [sflag:$0x5], $0x80, s0, s6, $0xb8;
	[tilespmem:$0x1E200] =	vst v63  }
0x96: {  	_ =	swait.ge [sflag:s31], $0x4000  }
0x97: {  	[sflag:s31] =	ssyncset.done $0x0  }
0x98: {  	s18 =	sadd.s32 s17, s19;
	[sflag:s31] =	ssyncadd.s32 $0xFFFFC000  }
0x99: {  	[tilespmem:s2], [sflag:$0x3] =	stream.linear.gather [hbm4b:s18+s2], $0x80, $0x38;
	[tilespmem:$0x1E200] =	vst v63  }
0x9a: {  	s18 =	sadd.s32 s17, s20  }
0x9b: {  	[tilespmem:s0], [sflag:$0x3] =	stream.linear.gather [hbm4b:s18+s2], $0x80, $0x38;
	[tilespmem:$0x1E200] =	vst v63  }
0x9c: {  	_ =	swait.ge [sflag:s12], $0x4000  }
0x9d: {  	[sflag:s12] =	ssyncset.done $0x0  }
0x9e: {  	[sflag:s12] =	ssyncadd.s32 $0xFFFFC000  }
0x9f: {  	_ =	swait.ge [sflag:s3], $0x80  }
0xa0: {  	[sflag:s3] =	ssyncset.done $0x0  }
0xa1: {  	[sflag:s3] =	ssyncadd.s32 $0xFFFFFF80  }
0xa2: {  	_ =	swait.ge [sflag:s3], $0x80  }
0xa3: {  	[sflag:s3] =	ssyncset.done $0x0  }
0xa4: {  	[sflag:s3] =	ssyncadd.s32 $0xFFFFFF80  }
0xa5: {  	[tilespmem:s7], [sflag:$0x1] =	stream.indirect.gather [hbm4b:s4+s6], $0x80, s2, s6, $0xb8;
	[tilespmem:$0x1E200] =	vst v63  }
0xa6: {  	_ = 	snop  }
0xa7: {  	[spmem:s1] =	stream.indirect.scatter.add.f32 [tilespmem:s11], [sflag:$0x5], $0x80, s8, s6, $0xb8;
	[tilespmem:$0x1E200] =	vst v63  }
.Ltmp1:
0xa8: {  	_ =	swait.ge [sflag:s31], $0x4000;
	(pc) =	sbr.rel @p0 .LBB2_4-.Ltmp1, $4  }
0xa9: {  	[sflag:s31] =	ssyncset.done $0x0  }
0xaa: {  	s18 =	sadd.s32 s17, s24;
	[sflag:s31] =	ssyncadd.s32 $0xFFFFC000  }
0xab: {  	[tilespmem:s6], [sflag:$0x4] =	stream.linear.gather [hbm4b:s18+s2], $0x80, $0x38;
	[tilespmem:$0x1E200] =	vst v63  }
0xac: {  	s17 =	sadd.s32 s17, s25  }
0xad: {  	[tilespmem:s8], [sflag:$0x4] =	stream.linear.gather [hbm4b:s17+s2], $0x80, $0x38;
	[tilespmem:$0x1E200] =	vst v63  }
0xae: {  	_ =	swait.ge [sflag:s9], $0x80  }
0xaf: {  	[sflag:s9] =	ssyncset.done $0x0  }
0xb0: {  	[sflag:s9] =	ssyncadd.s32 $0xFFFFFF80  }
0xb1: {  	_ =	swait.ge [sflag:s9], $0x80  }
0xb2: {  	[sflag:s9] =	ssyncset.done $0x0  }
0xb3: {  	[sflag:s9] =	ssyncadd.s32 $0xFFFFFF80  }
0xb4: {  	_ =	swait.ge [sflag:s10], $0x4000  }
0xb5: {  	[sflag:s10] =	ssyncset.done $0x0  }
0xb6: {  	[sflag:s10] =	ssyncadd.s32 $0xFFFFC000  }
0xb7: {  	[tilespmem:s11], [sflag:$0x2] =	stream.indirect.gather [hbm4b:s4+s6], $0x80, s6, s6, $0xb8;
	[tilespmem:$0x1E200] =	vst v63  }
0xb8: {  	_ = 	snop  }
0xb9: {  	[spmem:s1] =	stream.indirect.scatter.add.f32 [tilespmem:s7], [sflag:$0x5], $0x80, s0, s6, $0xb8;
	[tilespmem:$0x1E200] =	vst v63  }
0xba: {  	_ =	swait.ge [sflag:s31], $0x4000  }
0xbb: {  	[sflag:s31] =	ssyncset.done $0x0  }
0xbc: {  	s14 =	rddreg [dreg:$0xc];
	[sflag:s31] =	ssyncadd.s32 $0xFFFFC000  }
0xbd: {  	[tilespmem:s2], [sflag:$0x3] =	stream.linear.gather [hbm4b:s14+s2], $0x80, $0x38;
	[tilespmem:$0x1E200] =	vst v63  }
0xbe: {  	s18 =	rddreg [dreg:$0xd]  }
0xbf: {  	[tilespmem:s0], [sflag:$0x3] =	stream.linear.gather [hbm4b:s18+s2], $0x80, $0x38;
	[tilespmem:$0x1E200] =	vst v63  }
0xc0: {  	_ =	swait.ge [sflag:s12], $0x4000  }
0xc1: {  	[sflag:s12] =	ssyncset.done $0x0  }
0xc2: {  	[sflag:s12] =	ssyncadd.s32 $0xFFFFC000  }
0xc3: {  	_ =	swait.ge [sflag:s3], $0x80  }
0xc4: {  	[sflag:s3] =	ssyncset.done $0x0  }
0xc5: {  	[sflag:s3] =	ssyncadd.s32 $0xFFFFFF80  }
0xc6: {  	_ =	swait.ge [sflag:s3], $0x80  }
0xc7: {  	[sflag:s3] =	ssyncset.done $0x0  }
0xc8: {  	[sflag:s3] =	ssyncadd.s32 $0xFFFFFF80  }
0xc9: {  	[tilespmem:s7], [sflag:$0x1] =	stream.indirect.gather [hbm4b:s4+s6], $0x80, s2, s6, $0xb8;
	[tilespmem:$0x1E200] =	vst v63  }
0xca: {  	_ = 	snop  }
0xcb: {  	[spmem:s1] =	stream.indirect.scatter.add.f32 [tilespmem:s11], [sflag:$0x5], $0x80, s8, s6, $0xb8;
	[tilespmem:$0x1E200] =	vst v63  }
0xcc: {  	_ =	swait.ge [sflag:s31], $0x4000  }
0xcd: {  	[sflag:s31] =	ssyncset.done $0x0  }
0xce: {  	[sflag:s31] =	ssyncadd.s32 $0xFFFFC000  }
0xcf: {  	[tilespmem:s6], [sflag:$0x4] =	stream.linear.gather [hbm4b:s15+s2], $0x80, $0x38;
	[tilespmem:$0x1E200] =	vst v63  }
0xd0: {  	_ = 	snop  }
0xd1: {  	[tilespmem:s8], [sflag:$0x4] =	stream.linear.gather [hbm4b:s16+s2], $0x80, $0x38;
	[tilespmem:$0x1E200] =	vst v63  }
0xd2: {  	_ =	swait.ge [sflag:s9], $0x80  }
0xd3: {  	[sflag:s9] =	ssyncset.done $0x0  }
0xd4: {  	[sflag:s9] =	ssyncadd.s32 $0xFFFFFF80  }
0xd5: {  	_ =	swait.ge [sflag:s9], $0x80  }
0xd6: {  	[sflag:s9] =	ssyncset.done $0x0  }
0xd7: {  	[sflag:s9] =	ssyncadd.s32 $0xFFFFFF80  }
0xd8: {  	_ =	swait.ge [sflag:s10], $0x4000  }
0xd9: {  	[sflag:s10] =	ssyncset.done $0x0  }
0xda: {  	[sflag:s10] =	ssyncadd.s32 $0xFFFFC000  }
0xdb: {  	[tilespmem:s11], [sflag:$0x2] =	stream.indirect.gather [hbm4b:s4+s6], $0x80, s6, s6, $0xb8;
	[tilespmem:$0x1E200] =	vst v63  }
0xdc: {  	_ = 	snop  }
0xdd: {  	[spmem:s1] =	stream.indirect.scatter.add.f32 [tilespmem:s7], [sflag:$0x5], $0x80, s0, s6, $0xb8;
	[tilespmem:$0x1E200] =	vst v63  }
0xde: {  	_ =	swait.ge [sflag:s31], $0x4000  }
0xdf: {  	[sflag:s31] =	ssyncset.done $0x0  }
0xe0: {  	[sflag:s31] =	ssyncadd.s32 $0xFFFFC000  }
0xe1: {  	[tilespmem:s2], [sflag:$0x3] =	stream.linear.gather [hbm4b:s15+s2], $0x80, $0x38;
	[tilespmem:$0x1E200] =	vst v63  }
0xe2: {  	_ = 	snop  }
0xe3: {  	[tilespmem:s0], [sflag:$0x3] =	stream.linear.gather [hbm4b:s16+s2], $0x80, $0x38;
	[tilespmem:$0x1E200] =	vst v63  }
0xe4: {  	_ =	swait.ge [sflag:s12], $0x4000  }
0xe5: {  	[sflag:s12] =	ssyncset.done $0x0  }
0xe6: {  	[sflag:s12] =	ssyncadd.s32 $0xFFFFC000  }
0xe7: {  	_ =	swait.ge [sflag:s3], $0x80  }
0xe8: {  	[sflag:s3] =	ssyncset.done $0x0  }
0xe9: {  	[sflag:s3] =	ssyncadd.s32 $0xFFFFFF80  }
0xea: {  	_ =	swait.ge [sflag:s3], $0x80  }
0xeb: {  	[sflag:s3] =	ssyncset.done $0x0  }
0xec: {  	[sflag:s3] =	ssyncadd.s32 $0xFFFFFF80  }
0xed: {  	[tilespmem:s7], [sflag:$0x1] =	stream.indirect.gather [hbm4b:s4+s6], $0x80, s2, s6, $0xb8;
	[tilespmem:$0x1E200] =	vst v63  }
0xee: {  	_ = 	snop  }
0xef: {  	[spmem:s1] =	stream.indirect.scatter.add.f32 [tilespmem:s11], [sflag:$0x5], $0x80, s8, s6, $0xb8;
	[tilespmem:$0x1E200] =	vst v63  }
0xf0: {  	_ =	swait.ge [sflag:s31], $0x4000  }
0xf1: {  	[sflag:s31] =	ssyncset.done $0x0  }
0xf2: {  	[sflag:s31] =	ssyncadd.s32 $0xFFFFC000  }
0xf3: {  	[tilespmem:s6], [sflag:$0x4] =	stream.linear.gather [hbm4b:s15+s2], $0x80, $0x38;
	[tilespmem:$0x1E200] =	vst v63  }
0xf4: {  	_ = 	snop  }
0xf5: {  	[tilespmem:s8], [sflag:$0x4] =	stream.linear.gather [hbm4b:s16+s2], $0x80, $0x38;
	[tilespmem:$0x1E200] =	vst v63  }
0xf6: {  	_ =	swait.ge [sflag:s10], $0x4000  }
0xf7: {  	[sflag:s10] =	ssyncset.done $0x0  }
0xf8: {  	[sflag:s10] =	ssyncadd.s32 $0xFFFFC000  }
0xf9: {  	_ =	swait.ge [sflag:s9], $0x80  }
0xfa: {  	[sflag:s9] =	ssyncset.done $0x0  }
0xfb: {  	[sflag:s9] =	ssyncadd.s32 $0xFFFFFF80  }
0xfc: {  	_ =	swait.ge [sflag:s9], $0x80  }
0xfd: {  	s17 =	stileid.u32;
	[sflag:s9] =	ssyncset.done $0x0  }
0xfe: {  	s14 =	sshll.u32 s17, $0x6;
	[sflag:s9] =	ssyncadd.s32 $0xFFFFFF80  }
0xff: {  	s14 =	sor.u32 $0x1C05, s14;
	s18 =	sshrl.u32 s5, $0x3;
	[bflag:$0x0] =	sbarrier.arrive $0xFFFF  }
0x100: {  	[hbm:s22], [sflag:s14] =	dma.local [spmem:s18], $0x2800  }
0x101: {  	_ =	swait.ge [sflag:s31], $0x2800  }
0x102: {  	s13 =	sadd.s32 $0x1, s13;
	s18 =	rddreg [dreg:$0x7]  }
0x103: {  	p0 =	sne.s32 s13, s18  }
.Ltmp2:
0x104: {  	_ = 	snop;
	(pc) =	sbr.rel @p0 .LBB2_1-.Ltmp2, $3  }
0x105: {  	_ =	sdelay $0x1  }
0x106: {  	[sflag:s31] =	ssyncset.done $0x0  }
0x107: {  	[sflag:s31] =	ssyncadd.s32 $0xFFFFD800  }
0x108: {  	_ =	sfence.sel $0x180000  }
0x109: {  	[bflag:$0x0] =	sbarrier.arrive $0xFFFF  }
0x10a: {  	_ =	strace $0x90000050  }
0x10b: {  	s0 =	stileid.u32;
	[bflag:$0x2] =	sbarrier.arrive $0xFFFF  }
0x10c: {  	p0 =	sne.s32 s0, $0x0;
	s0 =	rddreg [dreg:$0x2]  }
0x10d: {  	s0 =	sadd.s32 @!p0 $0x100000, s0  }
0x10e: {  	[sflag:s0] =	ssyncadd.tile.s32 @!p0 $0x1;
	_ =	shalt  }
.Lfunc_end2:
_tile_overlayer_lowered:
.L_overlay_start_2:
0x10f: {  	(tag) =	ssettag $0x2  }
0x110: {  	s0 =	rddreg [dreg:$0x0];
	s2 =	stileid.u32  }
0x111: {  	s1 =	rddreg [dreg:$0x1];
	p0 =	sne.s32 s2, $0x0  }
0x112: {  	s3 =	rddreg [dreg:$0x2];
	[bflag:$0x3] =	sbarrier.arrive $0xFFFF;
	s2 =	simm.s32 @!p0 $0x1C05  }
0x113: {  	[timem:s3], [sflag:s2] =	dma.local @!p0 [hbm:s0], s1  }
0x114: {  	s0 =	simm.s32 @!p0 $0x5  }
0x115: {  	_ =	swait.ge @!p0 [sflag:s0], s1  }
0x116: {  	s1 =	ssub.s32 @!p0 $0x0, s1;
	[sflag:s0] =	ssyncset.done @!p0 $0x0  }
0x117: {  	[sflag:s0] =	ssyncadd.s32 @!p0 s1  }
0x118: {  	[bflag:$0x3] =	sbarrier.arrive $0xFFFF  }
0x119: {  	_ =	shalt  }

</sc_bundles>
